<compile_context>
chip_gen: v7x
topology: tpu7x:2x2x1
jax: 0.10.2.dev20260603
libtpu: 0.0.44.dev20260713+nightly
codegen_flags: <defaults>
</compile_context>

<pallas_src>
import jax
import jax.numpy as jnp
from jax import lax
from jax.experimental import pallas as pl
from jax.experimental.pallas import tpu as pltpu
from jax.experimental.pallas import tpu_sc as plsc

K = 3
B, H, W, C = 2, 224, 224, 96
WCHUNK = 112
NCHUNKS = W // WCHUNK
TILES_TOTAL = B * H * NCHUNKS
NWORKERS = 32
PER_WORKER = TILES_TOTAL // NWORKERS
HALO = WCHUNK + K - 1
VALID = WCHUNK + 1


def _decode(t):
    b = t // (H * NCHUNKS)
    rem = t - b * (H * NCHUNKS)
    r = rem // NCHUNKS
    cc = rem - r * NCHUNKS
    return b, r, cc


def _body(images_hbm, zrow_hbm, out_hbm, buf0, buf1, gsem0, gsem1, ssem0,
          ssem1):
    cid = lax.axis_index("c")
    sid = lax.axis_index("s")
    wid = sid * 2 + cid

    zv = jnp.zeros((16,), jnp.float32)
    for bf in (buf0, buf1):
        for u in range(K):
            for col in (0, HALO - 1):
                for kk in range(C // 16):
                    bf[u, col, pl.ds(16 * kk, 16)] = zv

    def gather(t, buf, sem):
        b, r, cc = _decode(t)
        c0 = cc * WCHUNK
        s_in = c0 - cc
        d0 = 1 - cc
        handles = []
        for u in range(K):
            dst = buf.at[u, pl.ds(d0, VALID), :]
            if u == 1:
                handles.append(
                    pltpu.async_copy(
                        images_hbm.at[b, r, pl.ds(s_in, VALID), :], dst, sem))
            else:
                row = r - 1 + u
                ok = (row >= 0) if u == 0 else (row < H)
                hs = []

                @pl.when(ok)
                def _(row=row, dst=dst, hs=hs):
                    hs.append(
                        pltpu.async_copy(
                            images_hbm.at[b, row, pl.ds(s_in, VALID), :],
                            dst, sem))

                @pl.when(jnp.logical_not(ok))
                def _(dst=dst):
                    pltpu.async_copy(zrow_hbm, dst, sem)

                handles.append(hs[0])
        return handles

    def stores(t, buf, sem):
        b, r, cc = _decode(t)
        c0 = cc * WCHUNK
        return [
            pltpu.async_copy(
                buf.at[u, pl.ds(v, WCHUNK), :],
                out_hbm.at[b, r, pl.ds(c0, WCHUNK), pl.ds((u * K + v) * C, C)],
                sem)
            for u in range(K) for v in range(K)
        ]

    def step(j, carry):
        ta = (2 * j) * NWORKERS + wid
        tb = (2 * j + 1) * NWORKERS + wid
        ha = gather(ta, buf0, gsem0)
        hb = gather(tb, buf1, gsem1)
        for h in ha:
            h.wait()
        hs_a = stores(ta, buf0, ssem0)
        for h in hb:
            h.wait()
        hs_b = stores(tb, buf1, ssem1)
        for h in hs_a:
            h.wait()
        for h in hs_b:
            h.wait()
        return carry

    lax.fori_loop(0, PER_WORKER // 2, step, 0)


@jax.jit
def kernel(images):
    zrow = jnp.zeros((VALID, C), jnp.float32)
    run = pl.kernel(
        _body,
        out_type=jax.ShapeDtypeStruct((B, H, W, K * K * C), jnp.float32),
        mesh=plsc.VectorSubcoreMesh(core_axis_name="c", subcore_axis_name="s"),
        scratch_types=[
            pltpu.VMEM((K, HALO, C), jnp.float32),
            pltpu.VMEM((K, HALO, C), jnp.float32),
            pltpu.SemaphoreType.DMA,
            pltpu.SemaphoreType.DMA,
            pltpu.SemaphoreType.DMA,
            pltpu.SemaphoreType.DMA,
        ],
        compiler_params=pltpu.CompilerParams(use_tc_tiling_on_sc=False),
    )
    return run(images, zrow)

# --- scband reference (transcript-rebuilt; emitter-appended) ---
"""Pipeline reference for scband-extract-patch-layer3-36696200577416 (READ-ONLY COPY).

The authoritative reference and input builder live on the scoring server;
editing this copy changes nothing except your own understanding.
"""

import jax, jax.numpy as jnp
import numpy as np

K_SIZE = 3

def setup_inputs(seed: int = 0) -> dict:
    key = jax.random.key(seed)
    images = jax.random.normal(key, (2, 224, 224, 96), dtype=jnp.float32)
    return {"images": images}

def reference(images):
    k = K_SIZE
    B, H, W, C = images.shape
    p = max(k - 1, 0) // 2
    # ZeroPadding2D((p, p))
    padded = jnp.pad(images, ((0, 0), (p, p), (p, p), (0, 0)))
    # wh_indices[r, u] = r + u, shape (H, k)
    wh = jnp.arange(k)[None, :] + jnp.arange(H)[:, None]
    # a1/a2 construction from the original TF code is equivalent to:
    #   i[r, c, u, v] = wh[r, u]  (row index)
    #   j[r, c, u, v] = wh[c, v]  (col index)
    i = jnp.broadcast_to(wh[:, None, :, None], (H, W, k, k))
    j = jnp.broadcast_to(wh[None, :, None, :], (H, W, k, k))
    # gather_nd with batch_dims=1 -> advanced indexing broadcast over batch
    gg = padded[:, i, j, :]  # (B, H, W, k, k, C)
    gg2 = gg.reshape(B, H, W, k * k * C)
    return gg2

if __name__ == "__main__":
    import jax
    _d = setup_inputs()
    print(jax.jit(kernel)(*tuple(_d.values())))

</pallas_src>

<mosaic_0001>
#map = affine_map<(d0, d1) -> (0, 0, 0, 0)>
#map1 = affine_map<(d0, d1) -> (0, 0)>
module attributes {stable_mosaic.version = 14 : i64} {
  func.func @_body(%arg0: i32, %arg1: i32, %arg2: memref<2x224x224x96xf32, #tpu.memory_space<hbm>>, %arg3: memref<113x96xf32, #tpu.memory_space<hbm>>, %arg4: memref<2x224x224x864xf32, #tpu.memory_space<hbm>>, %arg5: memref<3x114x96xf32, #tpu.memory_space<vmem>>, %arg6: memref<3x114x96xf32, #tpu.memory_space<vmem>>, %arg7: memref<!tpu.dma_semaphore, #tpu.memory_space<semaphore_mem>>, %arg8: memref<!tpu.dma_semaphore, #tpu.memory_space<semaphore_mem>>, %arg9: memref<!tpu.dma_semaphore, #tpu.memory_space<semaphore_mem>>, %arg10: memref<!tpu.dma_semaphore, #tpu.memory_space<semaphore_mem>>) attributes {dimension_semantics = [#tpu.dimension_semantics<core_parallel>, #tpu.dimension_semantics<subcore_parallel>], iteration_bounds = array<i64: 2, 16>, scalar_prefetch = 0 : i64, scratch_operands = 6 : i64, tpu.core_type = #tpu.core_type<sc_vector_subcore>, window_params = [{transform_indices = #map}, {transform_indices = #map1}, {transform_indices = #map}]} {
    %mul3A = arith.constant 2 : i32
    %mul3A_0 = arith.muli %arg1, %mul3A : i32
    %add3A = arith.addi %mul3A_0, %arg0 : i32
    %broadcast_in_dim3A = arith.constant 0.000000e+00 : f32
    %broadcast_in_dim3A_1 = vector.broadcast %broadcast_in_dim3A : f32 to vector<16xf32>
    %swap3A = arith.constant 0 : i32
    %swap3A_2 = arith.constant 0 : i32
    %swap3A_3 = arith.index_cast %swap3A : i32 to index
    %swap3A_4 = arith.index_cast %swap3A_2 : i32 to index
    %swap3A_5 = arith.constant 0 : index
    %swap3A_6 = tpu.vector_load %arg5[%swap3A_3, %swap3A_4, %swap3A_5] {strides = array<i32>} : memref<3x114x96xf32, #tpu.memory_space<vmem>>, vector<1x1x16xf32>,
    %swap3A_7 = vector.shape_cast %swap3A_6 : vector<1x1x16xf32> to vector<16xf32>
    %swap3A_8 = vector.shape_cast %broadcast_in_dim3A_1 : vector<16xf32> to vector<1x1x16xf32>
    tpu.vector_store %arg5[%swap3A_3, %swap3A_4, %swap3A_5], %swap3A_8 {strides = array<i32>} : memref<3x114x96xf32, #tpu.memory_space<vmem>>, vector<1x1x16xf32>,
    %swap3A_9 = arith.constant 0 : i32
    %swap3A_10 = arith.constant 0 : i32
    %swap3A_11 = arith.index_cast %swap3A_9 : i32 to index
    %swap3A_12 = arith.index_cast %swap3A_10 : i32 to index
    %swap3A_13 = arith.constant 16 : index
    %swap3A_14 = tpu.vector_load %arg5[%swap3A_11, %swap3A_12, %swap3A_13] {strides = array<i32>} : memref<3x114x96xf32, #tpu.memory_space<vmem>>, vector<1x1x16xf32>,
    %swap3A_15 = vector.shape_cast %swap3A_14 : vector<1x1x16xf32> to vector<16xf32>
    %swap3A_16 = vector.shape_cast %broadcast_in_dim3A_1 : vector<16xf32> to vector<1x1x16xf32>
    tpu.vector_store %arg5[%swap3A_11, %swap3A_12, %swap3A_13], %swap3A_16 {strides = array<i32>} : memref<3x114x96xf32, #tpu.memory_space<vmem>>, vector<1x1x16xf32>,
    %swap3A_17 = arith.constant 0 : i32
    %swap3A_18 = arith.constant 0 : i32
    %swap3A_19 = arith.index_cast %swap3A_17 : i32 to index
    %swap3A_20 = arith.index_cast %swap3A_18 : i32 to index
    %swap3A_21 = arith.constant 32 : index
    %swap3A_22 = tpu.vector_load %arg5[%swap3A_19, %swap3A_20, %swap3A_21] {strides = array<i32>} : memref<3x114x96xf32, #tpu.memory_space<vmem>>, vector<1x1x16xf32>,
    %swap3A_23 = vector.shape_cast %swap3A_22 : vector<1x1x16xf32> to vector<16xf32>
    %swap3A_24 = vector.shape_cast %broadcast_in_dim3A_1 : vector<16xf32> to vector<1x1x16xf32>
    tpu.vector_store %arg5[%swap3A_19, %swap3A_20, %swap3A_21], %swap3A_24 {strides = array<i32>} : memref<3x114x96xf32, #tpu.memory_space<vmem>>, vector<1x1x16xf32>,
    %swap3A_25 = arith.constant 0 : i32
    %swap3A_26 = arith.constant 0 : i32
    %swap3A_27 = arith.index_cast %swap3A_25 : i32 to index
    %swap3A_28 = arith.index_cast %swap3A_26 : i32 to index
    %swap3A_29 = arith.constant 48 : index
    %swap3A_30 = tpu.vector_load %arg5[%swap3A_27, %swap3A_28, %swap3A_29] {strides = array<i32>} : memref<3x114x96xf32, #tpu.memory_space<vmem>>, vector<1x1x16xf32>,
    %swap3A_31 = vector.shape_cast %swap3A_30 : vector<1x1x16xf32> to vector<16xf32>
    %swap3A_32 = vector.shape_cast %broadcast_in_dim3A_1 : vector<16xf32> to vector<1x1x16xf32>
    tpu.vector_store %arg5[%swap3A_27, %swap3A_28, %swap3A_29], %swap3A_32 {strides = array<i32>} : memref<3x114x96xf32, #tpu.memory_space<vmem>>, vector<1x1x16xf32>,
    %swap3A_33 = arith.constant 0 : i32
    %swap3A_34 = arith.constant 0 : i32
    %swap3A_35 = arith.index_cast %swap3A_33 : i32 to index
    %swap3A_36 = arith.index_cast %swap3A_34 : i32 to index
    %swap3A_37 = arith.constant 64 : index
    %swap3A_38 = tpu.vector_load %arg5[%swap3A_35, %swap3A_36, %swap3A_37] {strides = array<i32>} : memref<3x114x96xf32, #tpu.memory_space<vmem>>, vector<1x1x16xf32>,
    %swap3A_39 = vector.shape_cast %swap3A_38 : vector<1x1x16xf32> to vector<16xf32>
    %swap3A_40 = vector.shape_cast %broadcast_in_dim3A_1 : vector<16xf32> to vector<1x1x16xf32>
    tpu.vector_store %arg5[%swap3A_35, %swap3A_36, %swap3A_37], %swap3A_40 {strides = array<i32>} : memref<3x114x96xf32, #tpu.memory_space<vmem>>, vector<1x1x16xf32>,
    %swap3A_41 = arith.constant 0 : i32
    %swap3A_42 = arith.constant 0 : i32
    %swap3A_43 = arith.index_cast %swap3A_41 : i32 to index
    %swap3A_44 = arith.index_cast %swap3A_42 : i32 to index
    %swap3A_45 = arith.constant 80 : index
    %swap3A_46 = tpu.vector_load %arg5[%swap3A_43, %swap3A_44, %swap3A_45] {strides = array<i32>} : memref<3x114x96xf32, #tpu.memory_space<vmem>>, vector<1x1x16xf32>,
    %swap3A_47 = vector.shape_cast %swap3A_46 : vector<1x1x16xf32> to vector<16xf32>
    %swap3A_48 = vector.shape_cast %broadcast_in_dim3A_1 : vector<16xf32> to vector<1x1x16xf32>
    tpu.vector_store %arg5[%swap3A_43, %swap3A_44, %swap3A_45], %swap3A_48 {strides = array<i32>} : memref<3x114x96xf32, #tpu.memory_space<vmem>>, vector<1x1x16xf32>,
    %swap3A_49 = arith.constant 0 : i32
    %swap3A_50 = arith.constant 113 : i32
    %swap3A_51 = arith.index_cast %swap3A_49 : i32 to index
    %swap3A_52 = arith.index_cast %swap3A_50 : i32 to index
    %swap3A_53 = arith.constant 0 : index
    %swap3A_54 = tpu.vector_load %arg5[%swap3A_51, %swap3A_52, %swap3A_53] {strides = array<i32>} : memref<3x114x96xf32, #tpu.memory_space<vmem>>, vector<1x1x16xf32>,
    %swap3A_55 = vector.shape_cast %swap3A_54 : vector<1x1x16xf32> to vector<16xf32>
    %swap3A_56 = vector.shape_cast %broadcast_in_dim3A_1 : vector<16xf32> to vector<1x1x16xf32>
    tpu.vector_store %arg5[%swap3A_51, %swap3A_52, %swap3A_53], %swap3A_56 {strides = array<i32>} : memref<3x114x96xf32, #tpu.memory_space<vmem>>, vector<1x1x16xf32>,
    %swap3A_57 = arith.constant 0 : i32
    %swap3A_58 = arith.constant 113 : i32
    %swap3A_59 = arith.index_cast %swap3A_57 : i32 to index
    %swap3A_60 = arith.index_cast %swap3A_58 : i32 to index
    %swap3A_61 = arith.constant 16 : index
    %swap3A_62 = tpu.vector_load %arg5[%swap3A_59, %swap3A_60, %swap3A_61] {strides = array<i32>} : memref<3x114x96xf32, #tpu.memory_space<vmem>>, vector<1x1x16xf32>,
    %swap3A_63 = vector.shape_cast %swap3A_62 : vector<1x1x16xf32> to vector<16xf32>
    %swap3A_64 = vector.shape_cast %broadcast_in_dim3A_1 : vector<16xf32> to vector<1x1x16xf32>
    tpu.vector_store %arg5[%swap3A_59, %swap3A_60, %swap3A_61], %swap3A_64 {strides = array<i32>} : memref<3x114x96xf32, #tpu.memory_space<vmem>>, vector<1x1x16xf32>,
    %swap3A_65 = arith.constant 0 : i32
    %swap3A_66 = arith.constant 113 : i32
    %swap3A_67 = arith.index_cast %swap3A_65 : i32 to index
    %swap3A_68 = arith.index_cast %swap3A_66 : i32 to index
    %swap3A_69 = arith.constant 32 : index
    %swap3A_70 = tpu.vector_load %arg5[%swap3A_67, %swap3A_68, %swap3A_69] {strides = array<i32>} : memref<3x114x96xf32, #tpu.memory_space<vmem>>, vector<1x1x16xf32>,
    %swap3A_71 = vector.shape_cast %swap3A_70 : vector<1x1x16xf32> to vector<16xf32>
    %swap3A_72 = vector.shape_cast %broadcast_in_dim3A_1 : vector<16xf32> to vector<1x1x16xf32>
    tpu.vector_store %arg5[%swap3A_67, %swap3A_68, %swap3A_69], %swap3A_72 {strides = array<i32>} : memref<3x114x96xf32, #tpu.memory_space<vmem>>, vector<1x1x16xf32>,
    %swap3A_73 = arith.constant 0 : i32
    %swap3A_74 = arith.constant 113 : i32
    %swap3A_75 = arith.index_cast %swap3A_73 : i32 to index
    %swap3A_76 = arith.index_cast %swap3A_74 : i32 to index
    %swap3A_77 = arith.constant 48 : index
    %swap3A_78 = tpu.vector_load %arg5[%swap3A_75, %swap3A_76, %swap3A_77] {strides = array<i32>} : memref<3x114x96xf32, #tpu.memory_space<vmem>>, vector<1x1x16xf32>,
    %swap3A_79 = vector.shape_cast %swap3A_78 : vector<1x1x16xf32> to vector<16xf32>
    %swap3A_80 = vector.shape_cast %broadcast_in_dim3A_1 : vector<16xf32> to vector<1x1x16xf32>
    tpu.vector_store %arg5[%swap3A_75, %swap3A_76, %swap3A_77], %swap3A_80 {strides = array<i32>} : memref<3x114x96xf32, #tpu.memory_space<vmem>>, vector<1x1x16xf32>,
    %swap3A_81 = arith.constant 0 : i32
    %swap3A_82 = arith.constant 113 : i32
    %swap3A_83 = arith.index_cast %swap3A_81 : i32 to index
    %swap3A_84 = arith.index_cast %swap3A_82 : i32 to index
    %swap3A_85 = arith.constant 64 : index
    %swap3A_86 = tpu.vector_load %arg5[%swap3A_83, %swap3A_84, %swap3A_85] {strides = array<i32>} : memref<3x114x96xf32, #tpu.memory_space<vmem>>, vector<1x1x16xf32>,
    %swap3A_87 = vector.shape_cast %swap3A_86 : vector<1x1x16xf32> to vector<16xf32>
    %swap3A_88 = vector.shape_cast %broadcast_in_dim3A_1 : vector<16xf32> to vector<1x1x16xf32>
    tpu.vector_store %arg5[%swap3A_83, %swap3A_84, %swap3A_85], %swap3A_88 {strides = array<i32>} : memref<3x114x96xf32, #tpu.memory_space<vmem>>, vector<1x1x16xf32>,
    %swap3A_89 = arith.constant 0 : i32
    %swap3A_90 = arith.constant 113 : i32
    %swap3A_91 = arith.index_cast %swap3A_89 : i32 to index
    %swap3A_92 = arith.index_cast %swap3A_90 : i32 to index
    %swap3A_93 = arith.constant 80 : index
    %swap3A_94 = tpu.vector_load %arg5[%swap3A_91, %swap3A_92, %swap3A_93] {strides = array<i32>} : memref<3x114x96xf32, #tpu.memory_space<vmem>>, vector<1x1x16xf32>,
    %swap3A_95 = vector.shape_cast %swap3A_94 : vector<1x1x16xf32> to vector<16xf32>
    %swap3A_96 = vector.shape_cast %broadcast_in_dim3A_1 : vector<16xf32> to vector<1x1x16xf32>
    tpu.vector_store %arg5[%swap3A_91, %swap3A_92, %swap3A_93], %swap3A_96 {strides = array<i32>} : memref<3x114x96xf32, #tpu.memory_space<vmem>>, vector<1x1x16xf32>,
    %swap3A_97 = arith.constant 1 : i32
    %swap3A_98 = arith.constant 0 : i32
    %swap3A_99 = arith.index_cast %swap3A_97 : i32 to index
    %swap3A_100 = arith.index_cast %swap3A_98 : i32 to index
    %swap3A_101 = arith.constant 0 : index
    %swap3A_102 = tpu.vector_load %arg5[%swap3A_99, %swap3A_100, %swap3A_101] {strides = array<i32>} : memref<3x114x96xf32, #tpu.memory_space<vmem>>, vector<1x1x16xf32>,
    %swap3A_103 = vector.shape_cast %swap3A_102 : vector<1x1x16xf32> to vector<16xf32>
    %swap3A_104 = vector.shape_cast %broadcast_in_dim3A_1 : vector<16xf32> to vector<1x1x16xf32>
    tpu.vector_store %arg5[%swap3A_99, %swap3A_100, %swap3A_101], %swap3A_104 {strides = array<i32>} : memref<3x114x96xf32, #tpu.memory_space<vmem>>, vector<1x1x16xf32>,
    %swap3A_105 = arith.constant 1 : i32
    %swap3A_106 = arith.constant 0 : i32
    %swap3A_107 = arith.index_cast %swap3A_105 : i32 to index
    %swap3A_108 = arith.index_cast %swap3A_106 : i32 to index
    %swap3A_109 = arith.constant 16 : index
    %swap3A_110 = tpu.vector_load %arg5[%swap3A_107, %swap3A_108, %swap3A_109] {strides = array<i32>} : memref<3x114x96xf32, #tpu.memory_space<vmem>>, vector<1x1x16xf32>,
    %swap3A_111 = vector.shape_cast %swap3A_110 : vector<1x1x16xf32> to vector<16xf32>
    %swap3A_112 = vector.shape_cast %broadcast_in_dim3A_1 : vector<16xf32> to vector<1x1x16xf32>
    tpu.vector_store %arg5[%swap3A_107, %swap3A_108, %swap3A_109], %swap3A_112 {strides = array<i32>} : memref<3x114x96xf32, #tpu.memory_space<vmem>>, vector<1x1x16xf32>,
    %swap3A_113 = arith.constant 1 : i32
    %swap3A_114 = arith.constant 0 : i32
    %swap3A_115 = arith.index_cast %swap3A_113 : i32 to index
    %swap3A_116 = arith.index_cast %swap3A_114 : i32 to index
    %swap3A_117 = arith.constant 32 : index
    %swap3A_118 = tpu.vector_load %arg5[%swap3A_115, %swap3A_116, %swap3A_117] {strides = array<i32>} : memref<3x114x96xf32, #tpu.memory_space<vmem>>, vector<1x1x16xf32>,
    %swap3A_119 = vector.shape_cast %swap3A_118 : vector<1x1x16xf32> to vector<16xf32>
    %swap3A_120 = vector.shape_cast %broadcast_in_dim3A_1 : vector<16xf32> to vector<1x1x16xf32>
    tpu.vector_store %arg5[%swap3A_115, %swap3A_116, %swap3A_117], %swap3A_120 {strides = array<i32>} : memref<3x114x96xf32, #tpu.memory_space<vmem>>, vector<1x1x16xf32>,
    %swap3A_121 = arith.constant 1 : i32
    %swap3A_122 = arith.constant 0 : i32
    %swap3A_123 = arith.index_cast %swap3A_121 : i32 to index
    %swap3A_124 = arith.index_cast %swap3A_122 : i32 to index
    %swap3A_125 = arith.constant 48 : index
    %swap3A_126 = tpu.vector_load %arg5[%swap3A_123, %swap3A_124, %swap3A_125] {strides = array<i32>} : memref<3x114x96xf32, #tpu.memory_space<vmem>>, vector<1x1x16xf32>,
    %swap3A_127 = vector.shape_cast %swap3A_126 : vector<1x1x16xf32> to vector<16xf32>
    %swap3A_128 = vector.shape_cast %broadcast_in_dim3A_1 : vector<16xf32> to vector<1x1x16xf32>
    tpu.vector_store %arg5[%swap3A_123, %swap3A_124, %swap3A_125], %swap3A_128 {strides = array<i32>} : memref<3x114x96xf32, #tpu.memory_space<vmem>>, vector<1x1x16xf32>,
    %swap3A_129 = arith.constant 1 : i32
    %swap3A_130 = arith.constant 0 : i32
    %swap3A_131 = arith.index_cast %swap3A_129 : i32 to index
    %swap3A_132 = arith.index_cast %swap3A_130 : i32 to index
    %swap3A_133 = arith.constant 64 : index
    %swap3A_134 = tpu.vector_load %arg5[%swap3A_131, %swap3A_132, %swap3A_133] {strides = array<i32>} : memref<3x114x96xf32, #tpu.memory_space<vmem>>, vector<1x1x16xf32>,
    %swap3A_135 = vector.shape_cast %swap3A_134 : vector<1x1x16xf32> to vector<16xf32>
    %swap3A_136 = vector.shape_cast %broadcast_in_dim3A_1 : vector<16xf32> to vector<1x1x16xf32>
    tpu.vector_store %arg5[%swap3A_131, %swap3A_132, %swap3A_133], %swap3A_136 {strides = array<i32>} : memref<3x114x96xf32, #tpu.memory_space<vmem>>, vector<1x1x16xf32>,
    %swap3A_137 = arith.constant 1 : i32
    %swap3A_138 = arith.constant 0 : i32
    %swap3A_139 = arith.index_cast %swap3A_137 : i32 to index
    %swap3A_140 = arith.index_cast %swap3A_138 : i32 to index
    %swap3A_141 = arith.constant 80 : index
    %swap3A_142 = tpu.vector_load %arg5[%swap3A_139, %swap3A_140, %swap3A_141] {strides = array<i32>} : memref<3x114x96xf32, #tpu.memory_space<vmem>>, vector<1x1x16xf32>,
    %swap3A_143 = vector.shape_cast %swap3A_142 : vector<1x1x16xf32> to vector<16xf32>
    %swap3A_144 = vector.shape_cast %broadcast_in_dim3A_1 : vector<16xf32> to vector<1x1x16xf32>
    tpu.vector_store %arg5[%swap3A_139, %swap3A_140, %swap3A_141], %swap3A_144 {strides = array<i32>} : memref<3x114x96xf32, #tpu.memory_space<vmem>>, vector<1x1x16xf32>,
    %swap3A_145 = arith.constant 1 : i32
    %swap3A_146 = arith.constant 113 : i32
    %swap3A_147 = arith.index_cast %swap3A_145 : i32 to index
    %swap3A_148 = arith.index_cast %swap3A_146 : i32 to index
    %swap3A_149 = arith.constant 0 : index
    %swap3A_150 = tpu.vector_load %arg5[%swap3A_147, %swap3A_148, %swap3A_149] {strides = array<i32>} : memref<3x114x96xf32, #tpu.memory_space<vmem>>, vector<1x1x16xf32>,
    %swap3A_151 = vector.shape_cast %swap3A_150 : vector<1x1x16xf32> to vector<16xf32>
    %swap3A_152 = vector.shape_cast %broadcast_in_dim3A_1 : vector<16xf32> to vector<1x1x16xf32>
    tpu.vector_store %arg5[%swap3A_147, %swap3A_148, %swap3A_149], %swap3A_152 {strides = array<i32>} : memref<3x114x96xf32, #tpu.memory_space<vmem>>, vector<1x1x16xf32>,
    %swap3A_153 = arith.constant 1 : i32
    %swap3A_154 = arith.constant 113 : i32
    %swap3A_155 = arith.index_cast %swap3A_153 : i32 to index
    %swap3A_156 = arith.index_cast %swap3A_154 : i32 to index
    %swap3A_157 = arith.constant 16 : index
    %swap3A_158 = tpu.vector_load %arg5[%swap3A_155, %swap3A_156, %swap3A_157] {strides = array<i32>} : memref<3x114x96xf32, #tpu.memory_space<vmem>>, vector<1x1x16xf32>,
    %swap3A_159 = vector.shape_cast %swap3A_158 : vector<1x1x16xf32> to vector<16xf32>
    %swap3A_160 = vector.shape_cast %broadcast_in_dim3A_1 : vector<16xf32> to vector<1x1x16xf32>
    tpu.vector_store %arg5[%swap3A_155, %swap3A_156, %swap3A_157], %swap3A_160 {strides = array<i32>} : memref<3x114x96xf32, #tpu.memory_space<vmem>>, vector<1x1x16xf32>,
    %swap3A_161 = arith.constant 1 : i32
    %swap3A_162 = arith.constant 113 : i32
    %swap3A_163 = arith.index_cast %swap3A_161 : i32 to index
    %swap3A_164 = arith.index_cast %swap3A_162 : i32 to index
    %swap3A_165 = arith.constant 32 : index
    %swap3A_166 = tpu.vector_load %arg5[%swap3A_163, %swap3A_164, %swap3A_165] {strides = array<i32>} : memref<3x114x96xf32, #tpu.memory_space<vmem>>, vector<1x1x16xf32>,
    %swap3A_167 = vector.shape_cast %swap3A_166 : vector<1x1x16xf32> to vector<16xf32>
    %swap3A_168 = vector.shape_cast %broadcast_in_dim3A_1 : vector<16xf32> to vector<1x1x16xf32>
    tpu.vector_store %arg5[%swap3A_163, %swap3A_164, %swap3A_165], %swap3A_168 {strides = array<i32>} : memref<3x114x96xf32, #tpu.memory_space<vmem>>, vector<1x1x16xf32>,
    %swap3A_169 = arith.constant 1 : i32
    %swap3A_170 = arith.constant 113 : i32
    %swap3A_171 = arith.index_cast %swap3A_169 : i32 to index
    %swap3A_172 = arith.index_cast %swap3A_170 : i32 to index
    %swap3A_173 = arith.constant 48 : index
    %swap3A_174 = tpu.vector_load %arg5[%swap3A_171, %swap3A_172, %swap3A_173] {strides = array<i32>} : memref<3x114x96xf32, #tpu.memory_space<vmem>>, vector<1x1x16xf32>,
    %swap3A_175 = vector.shape_cast %swap3A_174 : vector<1x1x16xf32> to vector<16xf32>
    %swap3A_176 = vector.shape_cast %broadcast_in_dim3A_1 : vector<16xf32> to vector<1x1x16xf32>
    tpu.vector_store %arg5[%swap3A_171, %swap3A_172, %swap3A_173], %swap3A_176 {strides = array<i32>} : memref<3x114x96xf32, #tpu.memory_space<vmem>>, vector<1x1x16xf32>,
    %swap3A_177 = arith.constant 1 : i32
    %swap3A_178 = arith.constant 113 : i32
    %swap3A_179 = arith.index_cast %swap3A_177 : i32 to index
    %swap3A_180 = arith.index_cast %swap3A_178 : i32 to index
    %swap3A_181 = arith.constant 64 : index
    %swap3A_182 = tpu.vector_load %arg5[%swap3A_179, %swap3A_180, %swap3A_181] {strides = array<i32>} : memref<3x114x96xf32, #tpu.memory_space<vmem>>, vector<1x1x16xf32>,
    %swap3A_183 = vector.shape_cast %swap3A_182 : vector<1x1x16xf32> to vector<16xf32>
    %swap3A_184 = vector.shape_cast %broadcast_in_dim3A_1 : vector<16xf32> to vector<1x1x16xf32>
    tpu.vector_store %arg5[%swap3A_179, %swap3A_180, %swap3A_181], %swap3A_184 {strides = array<i32>} : memref<3x114x96xf32, #tpu.memory_space<vmem>>, vector<1x1x16xf32>,
    %swap3A_185 = arith.constant 1 : i32
    %swap3A_186 = arith.constant 113 : i32
    %swap3A_187 = arith.index_cast %swap3A_185 : i32 to index
    %swap3A_188 = arith.index_cast %swap3A_186 : i32 to index
    %swap3A_189 = arith.constant 80 : index
    %swap3A_190 = tpu.vector_load %arg5[%swap3A_187, %swap3A_188, %swap3A_189] {strides = array<i32>} : memref<3x114x96xf32, #tpu.memory_space<vmem>>, vector<1x1x16xf32>,
    %swap3A_191 = vector.shape_cast %swap3A_190 : vector<1x1x16xf32> to vector<16xf32>
    %swap3A_192 = vector.shape_cast %broadcast_in_dim3A_1 : vector<16xf32> to vector<1x1x16xf32>
    tpu.vector_store %arg5[%swap3A_187, %swap3A_188, %swap3A_189], %swap3A_192 {strides = array<i32>} : memref<3x114x96xf32, #tpu.memory_space<vmem>>, vector<1x1x16xf32>,
    %swap3A_193 = arith.constant 2 : i32
    %swap3A_194 = arith.constant 0 : i32
    %swap3A_195 = arith.index_cast %swap3A_193 : i32 to index
    %swap3A_196 = arith.index_cast %swap3A_194 : i32 to index
    %swap3A_197 = arith.constant 0 : index
    %swap3A_198 = tpu.vector_load %arg5[%swap3A_195, %swap3A_196, %swap3A_197] {strides = array<i32>} : memref<3x114x96xf32, #tpu.memory_space<vmem>>, vector<1x1x16xf32>,
    %swap3A_199 = vector.shape_cast %swap3A_198 : vector<1x1x16xf32> to vector<16xf32>
    %swap3A_200 = vector.shape_cast %broadcast_in_dim3A_1 : vector<16xf32> to vector<1x1x16xf32>
    tpu.vector_store %arg5[%swap3A_195, %swap3A_196, %swap3A_197], %swap3A_200 {strides = array<i32>} : memref<3x114x96xf32, #tpu.memory_space<vmem>>, vector<1x1x16xf32>,
    %swap3A_201 = arith.constant 2 : i32
    %swap3A_202 = arith.constant 0 : i32
    %swap3A_203 = arith.index_cast %swap3A_201 : i32 to index
    %swap3A_204 = arith.index_cast %swap3A_202 : i32 to index
    %swap3A_205 = arith.constant 16 : index
    %swap3A_206 = tpu.vector_load %arg5[%swap3A_203, %swap3A_204, %swap3A_205] {strides = array<i32>} : memref<3x114x96xf32, #tpu.memory_space<vmem>>, vector<1x1x16xf32>,
    %swap3A_207 = vector.shape_cast %swap3A_206 : vector<1x1x16xf32> to vector<16xf32>
    %swap3A_208 = vector.shape_cast %broadcast_in_dim3A_1 : vector<16xf32> to vector<1x1x16xf32>
    tpu.vector_store %arg5[%swap3A_203, %swap3A_204, %swap3A_205], %swap3A_208 {strides = array<i32>} : memref<3x114x96xf32, #tpu.memory_space<vmem>>, vector<1x1x16xf32>,
    %swap3A_209 = arith.constant 2 : i32
    %swap3A_210 = arith.constant 0 : i32
    %swap3A_211 = arith.index_cast %swap3A_209 : i32 to index
    %swap3A_212 = arith.index_cast %swap3A_210 : i32 to index
    %swap3A_213 = arith.constant 32 : index
    %swap3A_214 = tpu.vector_load %arg5[%swap3A_211, %swap3A_212, %swap3A_213] {strides = array<i32>} : memref<3x114x96xf32, #tpu.memory_space<vmem>>, vector<1x1x16xf32>,
    %swap3A_215 = vector.shape_cast %swap3A_214 : vector<1x1x16xf32> to vector<16xf32>
    %swap3A_216 = vector.shape_cast %broadcast_in_dim3A_1 : vector<16xf32> to vector<1x1x16xf32>
    tpu.vector_store %arg5[%swap3A_211, %swap3A_212, %swap3A_213], %swap3A_216 {strides = array<i32>} : memref<3x114x96xf32, #tpu.memory_space<vmem>>, vector<1x1x16xf32>,
    %swap3A_217 = arith.constant 2 : i32
    %swap3A_218 = arith.constant 0 : i32
    %swap3A_219 = arith.index_cast %swap3A_217 : i32 to index
    %swap3A_220 = arith.index_cast %swap3A_218 : i32 to index
    %swap3A_221 = arith.constant 48 : index
    %swap3A_222 = tpu.vector_load %arg5[%swap3A_219, %swap3A_220, %swap3A_221] {strides = array<i32>} : memref<3x114x96xf32, #tpu.memory_space<vmem>>, vector<1x1x16xf32>,
    %swap3A_223 = vector.shape_cast %swap3A_222 : vector<1x1x16xf32> to vector<16xf32>
    %swap3A_224 = vector.shape_cast %broadcast_in_dim3A_1 : vector<16xf32> to vector<1x1x16xf32>
    tpu.vector_store %arg5[%swap3A_219, %swap3A_220, %swap3A_221], %swap3A_224 {strides = array<i32>} : memref<3x114x96xf32, #tpu.memory_space<vmem>>, vector<1x1x16xf32>,
    %swap3A_225 = arith.constant 2 : i32
    %swap3A_226 = arith.constant 0 : i32
    %swap3A_227 = arith.index_cast %swap3A_225 : i32 to index
    %swap3A_228 = arith.index_cast %swap3A_226 : i32 to index
    %swap3A_229 = arith.constant 64 : index
    %swap3A_230 = tpu.vector_load %arg5[%swap3A_227, %swap3A_228, %swap3A_229] {strides = array<i32>} : memref<3x114x96xf32, #tpu.memory_space<vmem>>, vector<1x1x16xf32>,
    %swap3A_231 = vector.shape_cast %swap3A_230 : vector<1x1x16xf32> to vector<16xf32>
    %swap3A_232 = vector.shape_cast %broadcast_in_dim3A_1 : vector<16xf32> to vector<1x1x16xf32>
    tpu.vector_store %arg5[%swap3A_227, %swap3A_228, %swap3A_229], %swap3A_232 {strides = array<i32>} : memref<3x114x96xf32, #tpu.memory_space<vmem>>, vector<1x1x16xf32>,
    %swap3A_233 = arith.constant 2 : i32
    %swap3A_234 = arith.constant 0 : i32
    %swap3A_235 = arith.index_cast %swap3A_233 : i32 to index
    %swap3A_236 = arith.index_cast %swap3A_234 : i32 to index
    %swap3A_237 = arith.constant 80 : index
    %swap3A_238 = tpu.vector_load %arg5[%swap3A_235, %swap3A_236, %swap3A_237] {strides = array<i32>} : memref<3x114x96xf32, #tpu.memory_space<vmem>>, vector<1x1x16xf32>,
    %swap3A_239 = vector.shape_cast %swap3A_238 : vector<1x1x16xf32> to vector<16xf32>
    %swap3A_240 = vector.shape_cast %broadcast_in_dim3A_1 : vector<16xf32> to vector<1x1x16xf32>
    tpu.vector_store %arg5[%swap3A_235, %swap3A_236, %swap3A_237], %swap3A_240 {strides = array<i32>} : memref<3x114x96xf32, #tpu.memory_space<vmem>>, vector<1x1x16xf32>,
    %swap3A_241 = arith.constant 2 : i32
    %swap3A_242 = arith.constant 113 : i32
    %swap3A_243 = arith.index_cast %swap3A_241 : i32 to index
    %swap3A_244 = arith.index_cast %swap3A_242 : i32 to index
    %swap3A_245 = arith.constant 0 : index
    %swap3A_246 = tpu.vector_load %arg5[%swap3A_243, %swap3A_244, %swap3A_245] {strides = array<i32>} : memref<3x114x96xf32, #tpu.memory_space<vmem>>, vector<1x1x16xf32>,
    %swap3A_247 = vector.shape_cast %swap3A_246 : vector<1x1x16xf32> to vector<16xf32>
    %swap3A_248 = vector.shape_cast %broadcast_in_dim3A_1 : vector<16xf32> to vector<1x1x16xf32>
    tpu.vector_store %arg5[%swap3A_243, %swap3A_244, %swap3A_245], %swap3A_248 {strides = array<i32>} : memref<3x114x96xf32, #tpu.memory_space<vmem>>, vector<1x1x16xf32>,
    %swap3A_249 = arith.constant 2 : i32
    %swap3A_250 = arith.constant 113 : i32
    %swap3A_251 = arith.index_cast %swap3A_249 : i32 to index
    %swap3A_252 = arith.index_cast %swap3A_250 : i32 to index
    %swap3A_253 = arith.constant 16 : index
    %swap3A_254 = tpu.vector_load %arg5[%swap3A_251, %swap3A_252, %swap3A_253] {strides = array<i32>} : memref<3x114x96xf32, #tpu.memory_space<vmem>>, vector<1x1x16xf32>,
    %swap3A_255 = vector.shape_cast %swap3A_254 : vector<1x1x16xf32> to vector<16xf32>
    %swap3A_256 = vector.shape_cast %broadcast_in_dim3A_1 : vector<16xf32> to vector<1x1x16xf32>
    tpu.vector_store %arg5[%swap3A_251, %swap3A_252, %swap3A_253], %swap3A_256 {strides = array<i32>} : memref<3x114x96xf32, #tpu.memory_space<vmem>>, vector<1x1x16xf32>,
    %swap3A_257 = arith.constant 2 : i32
    %swap3A_258 = arith.constant 113 : i32
    %swap3A_259 = arith.index_cast %swap3A_257 : i32 to index
    %swap3A_260 = arith.index_cast %swap3A_258 : i32 to index
    %swap3A_261 = arith.constant 32 : index
    %swap3A_262 = tpu.vector_load %arg5[%swap3A_259, %swap3A_260, %swap3A_261] {strides = array<i32>} : memref<3x114x96xf32, #tpu.memory_space<vmem>>, vector<1x1x16xf32>,
    %swap3A_263 = vector.shape_cast %swap3A_262 : vector<1x1x16xf32> to vector<16xf32>
    %swap3A_264 = vector.shape_cast %broadcast_in_dim3A_1 : vector<16xf32> to vector<1x1x16xf32>
    tpu.vector_store %arg5[%swap3A_259, %swap3A_260, %swap3A_261], %swap3A_264 {strides = array<i32>} : memref<3x114x96xf32, #tpu.memory_space<vmem>>, vector<1x1x16xf32>,
    %swap3A_265 = arith.constant 2 : i32
    %swap3A_266 = arith.constant 113 : i32
    %swap3A_267 = arith.index_cast %swap3A_265 : i32 to index
    %swap3A_268 = arith.index_cast %swap3A_266 : i32 to index
    %swap3A_269 = arith.constant 48 : index
    %swap3A_270 = tpu.vector_load %arg5[%swap3A_267, %swap3A_268, %swap3A_269] {strides = array<i32>} : memref<3x114x96xf32, #tpu.memory_space<vmem>>, vector<1x1x16xf32>,
    %swap3A_271 = vector.shape_cast %swap3A_270 : vector<1x1x16xf32> to vector<16xf32>
    %swap3A_272 = vector.shape_cast %broadcast_in_dim3A_1 : vector<16xf32> to vector<1x1x16xf32>
    tpu.vector_store %arg5[%swap3A_267, %swap3A_268, %swap3A_269], %swap3A_272 {strides = array<i32>} : memref<3x114x96xf32, #tpu.memory_space<vmem>>, vector<1x1x16xf32>,
    %swap3A_273 = arith.constant 2 : i32
    %swap3A_274 = arith.constant 113 : i32
    %swap3A_275 = arith.index_cast %swap3A_273 : i32 to index
    %swap3A_276 = arith.index_cast %swap3A_274 : i32 to index
    %swap3A_277 = arith.constant 64 : index
    %swap3A_278 = tpu.vector_load %arg5[%swap3A_275, %swap3A_276, %swap3A_277] {strides = array<i32>} : memref<3x114x96xf32, #tpu.memory_space<vmem>>, vector<1x1x16xf32>,
    %swap3A_279 = vector.shape_cast %swap3A_278 : vector<1x1x16xf32> to vector<16xf32>
    %swap3A_280 = vector.shape_cast %broadcast_in_dim3A_1 : vector<16xf32> to vector<1x1x16xf32>
    tpu.vector_store %arg5[%swap3A_275, %swap3A_276, %swap3A_277], %swap3A_280 {strides = array<i32>} : memref<3x114x96xf32, #tpu.memory_space<vmem>>, vector<1x1x16xf32>,
    %swap3A_281 = arith.constant 2 : i32
    %swap3A_282 = arith.constant 113 : i32
    %swap3A_283 = arith.index_cast %swap3A_281 : i32 to index
    %swap3A_284 = arith.index_cast %swap3A_282 : i32 to index
    %swap3A_285 = arith.constant 80 : index
    %swap3A_286 = tpu.vector_load %arg5[%swap3A_283, %swap3A_284, %swap3A_285] {strides = array<i32>} : memref<3x114x96xf32, #tpu.memory_space<vmem>>, vector<1x1x16xf32>,
    %swap3A_287 = vector.shape_cast %swap3A_286 : vector<1x1x16xf32> to vector<16xf32>
    %swap3A_288 = vector.shape_cast %broadcast_in_dim3A_1 : vector<16xf32> to vector<1x1x16xf32>
    tpu.vector_store %arg5[%swap3A_283, %swap3A_284, %swap3A_285], %swap3A_288 {strides = array<i32>} : memref<3x114x96xf32, #tpu.memory_space<vmem>>, vector<1x1x16xf32>,
    %swap3A_289 = arith.constant 0 : i32
    %swap3A_290 = arith.constant 0 : i32
    %swap3A_291 = arith.index_cast %swap3A_289 : i32 to index
    %swap3A_292 = arith.index_cast %swap3A_290 : i32 to index
    %swap3A_293 = arith.constant 0 : index
    %swap3A_294 = tpu.vector_load %arg6[%swap3A_291, %swap3A_292, %swap3A_293] {strides = array<i32>} : memref<3x114x96xf32, #tpu.memory_space<vmem>>, vector<1x1x16xf32>,
    %swap3A_295 = vector.shape_cast %swap3A_294 : vector<1x1x16xf32> to vector<16xf32>
    %swap3A_296 = vector.shape_cast %broadcast_in_dim3A_1 : vector<16xf32> to vector<1x1x16xf32>
    tpu.vector_store %arg6[%swap3A_291, %swap3A_292, %swap3A_293], %swap3A_296 {strides = array<i32>} : memref<3x114x96xf32, #tpu.memory_space<vmem>>, vector<1x1x16xf32>,
    %swap3A_297 = arith.constant 0 : i32
    %swap3A_298 = arith.constant 0 : i32
    %swap3A_299 = arith.index_cast %swap3A_297 : i32 to index
    %swap3A_300 = arith.index_cast %swap3A_298 : i32 to index
    %swap3A_301 = arith.constant 16 : index
    %swap3A_302 = tpu.vector_load %arg6[%swap3A_299, %swap3A_300, %swap3A_301] {strides = array<i32>} : memref<3x114x96xf32, #tpu.memory_space<vmem>>, vector<1x1x16xf32>,
    %swap3A_303 = vector.shape_cast %swap3A_302 : vector<1x1x16xf32> to vector<16xf32>
    %swap3A_304 = vector.shape_cast %broadcast_in_dim3A_1 : vector<16xf32> to vector<1x1x16xf32>
    tpu.vector_store %arg6[%swap3A_299, %swap3A_300, %swap3A_301], %swap3A_304 {strides = array<i32>} : memref<3x114x96xf32, #tpu.memory_space<vmem>>, vector<1x1x16xf32>,
    %swap3A_305 = arith.constant 0 : i32
    %swap3A_306 = arith.constant 0 : i32
    %swap3A_307 = arith.index_cast %swap3A_305 : i32 to index
    %swap3A_308 = arith.index_cast %swap3A_306 : i32 to index
    %swap3A_309 = arith.constant 32 : index
    %swap3A_310 = tpu.vector_load %arg6[%swap3A_307, %swap3A_308, %swap3A_309] {strides = array<i32>} : memref<3x114x96xf32, #tpu.memory_space<vmem>>, vector<1x1x16xf32>,
    %swap3A_311 = vector.shape_cast %swap3A_310 : vector<1x1x16xf32> to vector<16xf32>
    %swap3A_312 = vector.shape_cast %broadcast_in_dim3A_1 : vector<16xf32> to vector<1x1x16xf32>
    tpu.vector_store %arg6[%swap3A_307, %swap3A_308, %swap3A_309], %swap3A_312 {strides = array<i32>} : memref<3x114x96xf32, #tpu.memory_space<vmem>>, vector<1x1x16xf32>,
    %swap3A_313 = arith.constant 0 : i32
    %swap3A_314 = arith.constant 0 : i32
    %swap3A_315 = arith.index_cast %swap3A_313 : i32 to index
    %swap3A_316 = arith.index_cast %swap3A_314 : i32 to index
    %swap3A_317 = arith.constant 48 : index
    %swap3A_318 = tpu.vector_load %arg6[%swap3A_315, %swap3A_316, %swap3A_317] {strides = array<i32>} : memref<3x114x96xf32, #tpu.memory_space<vmem>>, vector<1x1x16xf32>,
    %swap3A_319 = vector.shape_cast %swap3A_318 : vector<1x1x16xf32> to vector<16xf32>
    %swap3A_320 = vector.shape_cast %broadcast_in_dim3A_1 : vector<16xf32> to vector<1x1x16xf32>
    tpu.vector_store %arg6[%swap3A_315, %swap3A_316, %swap3A_317], %swap3A_320 {strides = array<i32>} : memref<3x114x96xf32, #tpu.memory_space<vmem>>, vector<1x1x16xf32>,
    %swap3A_321 = arith.constant 0 : i32
    %swap3A_322 = arith.constant 0 : i32
    %swap3A_323 = arith.index_cast %swap3A_321 : i32 to index
    %swap3A_324 = arith.index_cast %swap3A_322 : i32 to index
    %swap3A_325 = arith.constant 64 : index
    %swap3A_326 = tpu.vector_load %arg6[%swap3A_323, %swap3A_324, %swap3A_325] {strides = array<i32>} : memref<3x114x96xf32, #tpu.memory_space<vmem>>, vector<1x1x16xf32>,
    %swap3A_327 = vector.shape_cast %swap3A_326 : vector<1x1x16xf32> to vector<16xf32>
    %swap3A_328 = vector.shape_cast %broadcast_in_dim3A_1 : vector<16xf32> to vector<1x1x16xf32>
    tpu.vector_store %arg6[%swap3A_323, %swap3A_324, %swap3A_325], %swap3A_328 {strides = array<i32>} : memref<3x114x96xf32, #tpu.memory_space<vmem>>, vector<1x1x16xf32>,
    %swap3A_329 = arith.constant 0 : i32
    %swap3A_330 = arith.constant 0 : i32
    %swap3A_331 = arith.index_cast %swap3A_329 : i32 to index
    %swap3A_332 = arith.index_cast %swap3A_330 : i32 to index
    %swap3A_333 = arith.constant 80 : index
    %swap3A_334 = tpu.vector_load %arg6[%swap3A_331, %swap3A_332, %swap3A_333] {strides = array<i32>} : memref<3x114x96xf32, #tpu.memory_space<vmem>>, vector<1x1x16xf32>,
    %swap3A_335 = vector.shape_cast %swap3A_334 : vector<1x1x16xf32> to vector<16xf32>
    %swap3A_336 = vector.shape_cast %broadcast_in_dim3A_1 : vector<16xf32> to vector<1x1x16xf32>
    tpu.vector_store %arg6[%swap3A_331, %swap3A_332, %swap3A_333], %swap3A_336 {strides = array<i32>} : memref<3x114x96xf32, #tpu.memory_space<vmem>>, vector<1x1x16xf32>,
    %swap3A_337 = arith.constant 0 : i32
    %swap3A_338 = arith.constant 113 : i32
    %swap3A_339 = arith.index_cast %swap3A_337 : i32 to index
    %swap3A_340 = arith.index_cast %swap3A_338 : i32 to index
    %swap3A_341 = arith.constant 0 : index
    %swap3A_342 = tpu.vector_load %arg6[%swap3A_339, %swap3A_340, %swap3A_341] {strides = array<i32>} : memref<3x114x96xf32, #tpu.memory_space<vmem>>, vector<1x1x16xf32>,
    %swap3A_343 = vector.shape_cast %swap3A_342 : vector<1x1x16xf32> to vector<16xf32>
    %swap3A_344 = vector.shape_cast %broadcast_in_dim3A_1 : vector<16xf32> to vector<1x1x16xf32>
    tpu.vector_store %arg6[%swap3A_339, %swap3A_340, %swap3A_341], %swap3A_344 {strides = array<i32>} : memref<3x114x96xf32, #tpu.memory_space<vmem>>, vector<1x1x16xf32>,
    %swap3A_345 = arith.constant 0 : i32
    %swap3A_346 = arith.constant 113 : i32
    %swap3A_347 = arith.index_cast %swap3A_345 : i32 to index
    %swap3A_348 = arith.index_cast %swap3A_346 : i32 to index
    %swap3A_349 = arith.constant 16 : index
    %swap3A_350 = tpu.vector_load %arg6[%swap3A_347, %swap3A_348, %swap3A_349] {strides = array<i32>} : memref<3x114x96xf32, #tpu.memory_space<vmem>>, vector<1x1x16xf32>,
    %swap3A_351 = vector.shape_cast %swap3A_350 : vector<1x1x16xf32> to vector<16xf32>
    %swap3A_352 = vector.shape_cast %broadcast_in_dim3A_1 : vector<16xf32> to vector<1x1x16xf32>
    tpu.vector_store %arg6[%swap3A_347, %swap3A_348, %swap3A_349], %swap3A_352 {strides = array<i32>} : memref<3x114x96xf32, #tpu.memory_space<vmem>>, vector<1x1x16xf32>,
    %swap3A_353 = arith.constant 0 : i32
    %swap3A_354 = arith.constant 113 : i32
    %swap3A_355 = arith.index_cast %swap3A_353 : i32 to index
    %swap3A_356 = arith.index_cast %swap3A_354 : i32 to index
    %swap3A_357 = arith.constant 32 : index
    %swap3A_358 = tpu.vector_load %arg6[%swap3A_355, %swap3A_356, %swap3A_357] {strides = array<i32>} : memref<3x114x96xf32, #tpu.memory_space<vmem>>, vector<1x1x16xf32>,
    %swap3A_359 = vector.shape_cast %swap3A_358 : vector<1x1x16xf32> to vector<16xf32>
    %swap3A_360 = vector.shape_cast %broadcast_in_dim3A_1 : vector<16xf32> to vector<1x1x16xf32>
    tpu.vector_store %arg6[%swap3A_355, %swap3A_356, %swap3A_357], %swap3A_360 {strides = array<i32>} : memref<3x114x96xf32, #tpu.memory_space<vmem>>, vector<1x1x16xf32>,
    %swap3A_361 = arith.constant 0 : i32
    %swap3A_362 = arith.constant 113 : i32
    %swap3A_363 = arith.index_cast %swap3A_361 : i32 to index
    %swap3A_364 = arith.index_cast %swap3A_362 : i32 to index
    %swap3A_365 = arith.constant 48 : index
    %swap3A_366 = tpu.vector_load %arg6[%swap3A_363, %swap3A_364, %swap3A_365] {strides = array<i32>} : memref<3x114x96xf32, #tpu.memory_space<vmem>>, vector<1x1x16xf32>,
    %swap3A_367 = vector.shape_cast %swap3A_366 : vector<1x1x16xf32> to vector<16xf32>
    %swap3A_368 = vector.shape_cast %broadcast_in_dim3A_1 : vector<16xf32> to vector<1x1x16xf32>
    tpu.vector_store %arg6[%swap3A_363, %swap3A_364, %swap3A_365], %swap3A_368 {strides = array<i32>} : memref<3x114x96xf32, #tpu.memory_space<vmem>>, vector<1x1x16xf32>,
    %swap3A_369 = arith.constant 0 : i32
    %swap3A_370 = arith.constant 113 : i32
    %swap3A_371 = arith.index_cast %swap3A_369 : i32 to index
    %swap3A_372 = arith.index_cast %swap3A_370 : i32 to index
    %swap3A_373 = arith.constant 64 : index
    %swap3A_374 = tpu.vector_load %arg6[%swap3A_371, %swap3A_372, %swap3A_373] {strides = array<i32>} : memref<3x114x96xf32, #tpu.memory_space<vmem>>, vector<1x1x16xf32>,
    %swap3A_375 = vector.shape_cast %swap3A_374 : vector<1x1x16xf32> to vector<16xf32>
    %swap3A_376 = vector.shape_cast %broadcast_in_dim3A_1 : vector<16xf32> to vector<1x1x16xf32>
    tpu.vector_store %arg6[%swap3A_371, %swap3A_372, %swap3A_373], %swap3A_376 {strides = array<i32>} : memref<3x114x96xf32, #tpu.memory_space<vmem>>, vector<1x1x16xf32>,
    %swap3A_377 = arith.constant 0 : i32
    %swap3A_378 = arith.constant 113 : i32
    %swap3A_379 = arith.index_cast %swap3A_377 : i32 to index
    %swap3A_380 = arith.index_cast %swap3A_378 : i32 to index
    %swap3A_381 = arith.constant 80 : index
    %swap3A_382 = tpu.vector_load %arg6[%swap3A_379, %swap3A_380, %swap3A_381] {strides = array<i32>} : memref<3x114x96xf32, #tpu.memory_space<vmem>>, vector<1x1x16xf32>,
    %swap3A_383 = vector.shape_cast %swap3A_382 : vector<1x1x16xf32> to vector<16xf32>
    %swap3A_384 = vector.shape_cast %broadcast_in_dim3A_1 : vector<16xf32> to vector<1x1x16xf32>
    tpu.vector_store %arg6[%swap3A_379, %swap3A_380, %swap3A_381], %swap3A_384 {strides = array<i32>} : memref<3x114x96xf32, #tpu.memory_space<vmem>>, vector<1x1x16xf32>,
    %swap3A_385 = arith.constant 1 : i32
    %swap3A_386 = arith.constant 0 : i32
    %swap3A_387 = arith.index_cast %swap3A_385 : i32 to index
    %swap3A_388 = arith.index_cast %swap3A_386 : i32 to index
    %swap3A_389 = arith.constant 0 : index
    %swap3A_390 = tpu.vector_load %arg6[%swap3A_387, %swap3A_388, %swap3A_389] {strides = array<i32>} : memref<3x114x96xf32, #tpu.memory_space<vmem>>, vector<1x1x16xf32>,
    %swap3A_391 = vector.shape_cast %swap3A_390 : vector<1x1x16xf32> to vector<16xf32>
    %swap3A_392 = vector.shape_cast %broadcast_in_dim3A_1 : vector<16xf32> to vector<1x1x16xf32>
    tpu.vector_store %arg6[%swap3A_387, %swap3A_388, %swap3A_389], %swap3A_392 {strides = array<i32>} : memref<3x114x96xf32, #tpu.memory_space<vmem>>, vector<1x1x16xf32>,
    %swap3A_393 = arith.constant 1 : i32
    %swap3A_394 = arith.constant 0 : i32
    %swap3A_395 = arith.index_cast %swap3A_393 : i32 to index
    %swap3A_396 = arith.index_cast %swap3A_394 : i32 to index
    %swap3A_397 = arith.constant 16 : index
    %swap3A_398 = tpu.vector_load %arg6[%swap3A_395, %swap3A_396, %swap3A_397] {strides = array<i32>} : memref<3x114x96xf32, #tpu.memory_space<vmem>>, vector<1x1x16xf32>,
    %swap3A_399 = vector.shape_cast %swap3A_398 : vector<1x1x16xf32> to vector<16xf32>
    %swap3A_400 = vector.shape_cast %broadcast_in_dim3A_1 : vector<16xf32> to vector<1x1x16xf32>
    tpu.vector_store %arg6[%swap3A_395, %swap3A_396, %swap3A_397], %swap3A_400 {strides = array<i32>} : memref<3x114x96xf32, #tpu.memory_space<vmem>>, vector<1x1x16xf32>,
    %swap3A_401 = arith.constant 1 : i32
    %swap3A_402 = arith.constant 0 : i32
    %swap3A_403 = arith.index_cast %swap3A_401 : i32 to index
    %swap3A_404 = arith.index_cast %swap3A_402 : i32 to index
    %swap3A_405 = arith.constant 32 : index
    %swap3A_406 = tpu.vector_load %arg6[%swap3A_403, %swap3A_404, %swap3A_405] {strides = array<i32>} : memref<3x114x96xf32, #tpu.memory_space<vmem>>, vector<1x1x16xf32>,
    %swap3A_407 = vector.shape_cast %swap3A_406 : vector<1x1x16xf32> to vector<16xf32>
    %swap3A_408 = vector.shape_cast %broadcast_in_dim3A_1 : vector<16xf32> to vector<1x1x16xf32>
    tpu.vector_store %arg6[%swap3A_403, %swap3A_404, %swap3A_405], %swap3A_408 {strides = array<i32>} : memref<3x114x96xf32, #tpu.memory_space<vmem>>, vector<1x1x16xf32>,
    %swap3A_409 = arith.constant 1 : i32
    %swap3A_410 = arith.constant 0 : i32
    %swap3A_411 = arith.index_cast %swap3A_409 : i32 to index
    %swap3A_412 = arith.index_cast %swap3A_410 : i32 to index
    %swap3A_413 = arith.constant 48 : index
    %swap3A_414 = tpu.vector_load %arg6[%swap3A_411, %swap3A_412, %swap3A_413] {strides = array<i32>} : memref<3x114x96xf32, #tpu.memory_space<vmem>>, vector<1x1x16xf32>,
    %swap3A_415 = vector.shape_cast %swap3A_414 : vector<1x1x16xf32> to vector<16xf32>
    %swap3A_416 = vector.shape_cast %broadcast_in_dim3A_1 : vector<16xf32> to vector<1x1x16xf32>
    tpu.vector_store %arg6[%swap3A_411, %swap3A_412, %swap3A_413], %swap3A_416 {strides = array<i32>} : memref<3x114x96xf32, #tpu.memory_space<vmem>>, vector<1x1x16xf32>,
    %swap3A_417 = arith.constant 1 : i32
    %swap3A_418 = arith.constant 0 : i32
    %swap3A_419 = arith.index_cast %swap3A_417 : i32 to index
    %swap3A_420 = arith.index_cast %swap3A_418 : i32 to index
    %swap3A_421 = arith.constant 64 : index
    %swap3A_422 = tpu.vector_load %arg6[%swap3A_419, %swap3A_420, %swap3A_421] {strides = array<i32>} : memref<3x114x96xf32, #tpu.memory_space<vmem>>, vector<1x1x16xf32>,
    %swap3A_423 = vector.shape_cast %swap3A_422 : vector<1x1x16xf32> to vector<16xf32>
    %swap3A_424 = vector.shape_cast %broadcast_in_dim3A_1 : vector<16xf32> to vector<1x1x16xf32>
    tpu.vector_store %arg6[%swap3A_419, %swap3A_420, %swap3A_421], %swap3A_424 {strides = array<i32>} : memref<3x114x96xf32, #tpu.memory_space<vmem>>, vector<1x1x16xf32>,
    %swap3A_425 = arith.constant 1 : i32
    %swap3A_426 = arith.constant 0 : i32
    %swap3A_427 = arith.index_cast %swap3A_425 : i32 to index
    %swap3A_428 = arith.index_cast %swap3A_426 : i32 to index
    %swap3A_429 = arith.constant 80 : index
    %swap3A_430 = tpu.vector_load %arg6[%swap3A_427, %swap3A_428, %swap3A_429] {strides = array<i32>} : memref<3x114x96xf32, #tpu.memory_space<vmem>>, vector<1x1x16xf32>,
    %swap3A_431 = vector.shape_cast %swap3A_430 : vector<1x1x16xf32> to vector<16xf32>
    %swap3A_432 = vector.shape_cast %broadcast_in_dim3A_1 : vector<16xf32> to vector<1x1x16xf32>
    tpu.vector_store %arg6[%swap3A_427, %swap3A_428, %swap3A_429], %swap3A_432 {strides = array<i32>} : memref<3x114x96xf32, #tpu.memory_space<vmem>>, vector<1x1x16xf32>,
    %swap3A_433 = arith.constant 1 : i32
    %swap3A_434 = arith.constant 113 : i32
    %swap3A_435 = arith.index_cast %swap3A_433 : i32 to index
    %swap3A_436 = arith.index_cast %swap3A_434 : i32 to index
    %swap3A_437 = arith.constant 0 : index
    %swap3A_438 = tpu.vector_load %arg6[%swap3A_435, %swap3A_436, %swap3A_437] {strides = array<i32>} : memref<3x114x96xf32, #tpu.memory_space<vmem>>, vector<1x1x16xf32>,
    %swap3A_439 = vector.shape_cast %swap3A_438 : vector<1x1x16xf32> to vector<16xf32>
    %swap3A_440 = vector.shape_cast %broadcast_in_dim3A_1 : vector<16xf32> to vector<1x1x16xf32>
    tpu.vector_store %arg6[%swap3A_435, %swap3A_436, %swap3A_437], %swap3A_440 {strides = array<i32>} : memref<3x114x96xf32, #tpu.memory_space<vmem>>, vector<1x1x16xf32>,
    %swap3A_441 = arith.constant 1 : i32
    %swap3A_442 = arith.constant 113 : i32
    %swap3A_443 = arith.index_cast %swap3A_441 : i32 to index
    %swap3A_444 = arith.index_cast %swap3A_442 : i32 to index
    %swap3A_445 = arith.constant 16 : index
    %swap3A_446 = tpu.vector_load %arg6[%swap3A_443, %swap3A_444, %swap3A_445] {strides = array<i32>} : memref<3x114x96xf32, #tpu.memory_space<vmem>>, vector<1x1x16xf32>,
    %swap3A_447 = vector.shape_cast %swap3A_446 : vector<1x1x16xf32> to vector<16xf32>
    %swap3A_448 = vector.shape_cast %broadcast_in_dim3A_1 : vector<16xf32> to vector<1x1x16xf32>
    tpu.vector_store %arg6[%swap3A_443, %swap3A_444, %swap3A_445], %swap3A_448 {strides = array<i32>} : memref<3x114x96xf32, #tpu.memory_space<vmem>>, vector<1x1x16xf32>,
    %swap3A_449 = arith.constant 1 : i32
    %swap3A_450 = arith.constant 113 : i32
    %swap3A_451 = arith.index_cast %swap3A_449 : i32 to index
    %swap3A_452 = arith.index_cast %swap3A_450 : i32 to index
    %swap3A_453 = arith.constant 32 : index
    %swap3A_454 = tpu.vector_load %arg6[%swap3A_451, %swap3A_452, %swap3A_453] {strides = array<i32>} : memref<3x114x96xf32, #tpu.memory_space<vmem>>, vector<1x1x16xf32>,
    %swap3A_455 = vector.shape_cast %swap3A_454 : vector<1x1x16xf32> to vector<16xf32>
    %swap3A_456 = vector.shape_cast %broadcast_in_dim3A_1 : vector<16xf32> to vector<1x1x16xf32>
    tpu.vector_store %arg6[%swap3A_451, %swap3A_452, %swap3A_453], %swap3A_456 {strides = array<i32>} : memref<3x114x96xf32, #tpu.memory_space<vmem>>, vector<1x1x16xf32>,
    %swap3A_457 = arith.constant 1 : i32
    %swap3A_458 = arith.constant 113 : i32
    %swap3A_459 = arith.index_cast %swap3A_457 : i32 to index
    %swap3A_460 = arith.index_cast %swap3A_458 : i32 to index
    %swap3A_461 = arith.constant 48 : index
    %swap3A_462 = tpu.vector_load %arg6[%swap3A_459, %swap3A_460, %swap3A_461] {strides = array<i32>} : memref<3x114x96xf32, #tpu.memory_space<vmem>>, vector<1x1x16xf32>,
    %swap3A_463 = vector.shape_cast %swap3A_462 : vector<1x1x16xf32> to vector<16xf32>
    %swap3A_464 = vector.shape_cast %broadcast_in_dim3A_1 : vector<16xf32> to vector<1x1x16xf32>
    tpu.vector_store %arg6[%swap3A_459, %swap3A_460, %swap3A_461], %swap3A_464 {strides = array<i32>} : memref<3x114x96xf32, #tpu.memory_space<vmem>>, vector<1x1x16xf32>,
    %swap3A_465 = arith.constant 1 : i32
    %swap3A_466 = arith.constant 113 : i32
    %swap3A_467 = arith.index_cast %swap3A_465 : i32 to index
    %swap3A_468 = arith.index_cast %swap3A_466 : i32 to index
    %swap3A_469 = arith.constant 64 : index
    %swap3A_470 = tpu.vector_load %arg6[%swap3A_467, %swap3A_468, %swap3A_469] {strides = array<i32>} : memref<3x114x96xf32, #tpu.memory_space<vmem>>, vector<1x1x16xf32>,
    %swap3A_471 = vector.shape_cast %swap3A_470 : vector<1x1x16xf32> to vector<16xf32>
    %swap3A_472 = vector.shape_cast %broadcast_in_dim3A_1 : vector<16xf32> to vector<1x1x16xf32>
    tpu.vector_store %arg6[%swap3A_467, %swap3A_468, %swap3A_469], %swap3A_472 {strides = array<i32>} : memref<3x114x96xf32, #tpu.memory_space<vmem>>, vector<1x1x16xf32>,
    %swap3A_473 = arith.constant 1 : i32
    %swap3A_474 = arith.constant 113 : i32
    %swap3A_475 = arith.index_cast %swap3A_473 : i32 to index
    %swap3A_476 = arith.index_cast %swap3A_474 : i32 to index
    %swap3A_477 = arith.constant 80 : index
    %swap3A_478 = tpu.vector_load %arg6[%swap3A_475, %swap3A_476, %swap3A_477] {strides = array<i32>} : memref<3x114x96xf32, #tpu.memory_space<vmem>>, vector<1x1x16xf32>,
    %swap3A_479 = vector.shape_cast %swap3A_478 : vector<1x1x16xf32> to vector<16xf32>
    %swap3A_480 = vector.shape_cast %broadcast_in_dim3A_1 : vector<16xf32> to vector<1x1x16xf32>
    tpu.vector_store %arg6[%swap3A_475, %swap3A_476, %swap3A_477], %swap3A_480 {strides = array<i32>} : memref<3x114x96xf32, #tpu.memory_space<vmem>>, vector<1x1x16xf32>,
    %swap3A_481 = arith.constant 2 : i32
    %swap3A_482 = arith.constant 0 : i32
    %swap3A_483 = arith.index_cast %swap3A_481 : i32 to index
    %swap3A_484 = arith.index_cast %swap3A_482 : i32 to index
    %swap3A_485 = arith.constant 0 : index
    %swap3A_486 = tpu.vector_load %arg6[%swap3A_483, %swap3A_484, %swap3A_485] {strides = array<i32>} : memref<3x114x96xf32, #tpu.memory_space<vmem>>, vector<1x1x16xf32>,
    %swap3A_487 = vector.shape_cast %swap3A_486 : vector<1x1x16xf32> to vector<16xf32>
    %swap3A_488 = vector.shape_cast %broadcast_in_dim3A_1 : vector<16xf32> to vector<1x1x16xf32>
    tpu.vector_store %arg6[%swap3A_483, %swap3A_484, %swap3A_485], %swap3A_488 {strides = array<i32>} : memref<3x114x96xf32, #tpu.memory_space<vmem>>, vector<1x1x16xf32>,
    %swap3A_489 = arith.constant 2 : i32
    %swap3A_490 = arith.constant 0 : i32
    %swap3A_491 = arith.index_cast %swap3A_489 : i32 to index
    %swap3A_492 = arith.index_cast %swap3A_490 : i32 to index
    %swap3A_493 = arith.constant 16 : index
    %swap3A_494 = tpu.vector_load %arg6[%swap3A_491, %swap3A_492, %swap3A_493] {strides = array<i32>} : memref<3x114x96xf32, #tpu.memory_space<vmem>>, vector<1x1x16xf32>,
    %swap3A_495 = vector.shape_cast %swap3A_494 : vector<1x1x16xf32> to vector<16xf32>
    %swap3A_496 = vector.shape_cast %broadcast_in_dim3A_1 : vector<16xf32> to vector<1x1x16xf32>
    tpu.vector_store %arg6[%swap3A_491, %swap3A_492, %swap3A_493], %swap3A_496 {strides = array<i32>} : memref<3x114x96xf32, #tpu.memory_space<vmem>>, vector<1x1x16xf32>,
    %swap3A_497 = arith.constant 2 : i32
    %swap3A_498 = arith.constant 0 : i32
    %swap3A_499 = arith.index_cast %swap3A_497 : i32 to index
    %swap3A_500 = arith.index_cast %swap3A_498 : i32 to index
    %swap3A_501 = arith.constant 32 : index
    %swap3A_502 = tpu.vector_load %arg6[%swap3A_499, %swap3A_500, %swap3A_501] {strides = array<i32>} : memref<3x114x96xf32, #tpu.memory_space<vmem>>, vector<1x1x16xf32>,
    %swap3A_503 = vector.shape_cast %swap3A_502 : vector<1x1x16xf32> to vector<16xf32>
    %swap3A_504 = vector.shape_cast %broadcast_in_dim3A_1 : vector<16xf32> to vector<1x1x16xf32>
    tpu.vector_store %arg6[%swap3A_499, %swap3A_500, %swap3A_501], %swap3A_504 {strides = array<i32>} : memref<3x114x96xf32, #tpu.memory_space<vmem>>, vector<1x1x16xf32>,
    %swap3A_505 = arith.constant 2 : i32
    %swap3A_506 = arith.constant 0 : i32
    %swap3A_507 = arith.index_cast %swap3A_505 : i32 to index
    %swap3A_508 = arith.index_cast %swap3A_506 : i32 to index
    %swap3A_509 = arith.constant 48 : index
    %swap3A_510 = tpu.vector_load %arg6[%swap3A_507, %swap3A_508, %swap3A_509] {strides = array<i32>} : memref<3x114x96xf32, #tpu.memory_space<vmem>>, vector<1x1x16xf32>,
    %swap3A_511 = vector.shape_cast %swap3A_510 : vector<1x1x16xf32> to vector<16xf32>
    %swap3A_512 = vector.shape_cast %broadcast_in_dim3A_1 : vector<16xf32> to vector<1x1x16xf32>
    tpu.vector_store %arg6[%swap3A_507, %swap3A_508, %swap3A_509], %swap3A_512 {strides = array<i32>} : memref<3x114x96xf32, #tpu.memory_space<vmem>>, vector<1x1x16xf32>,
    %swap3A_513 = arith.constant 2 : i32
    %swap3A_514 = arith.constant 0 : i32
    %swap3A_515 = arith.index_cast %swap3A_513 : i32 to index
    %swap3A_516 = arith.index_cast %swap3A_514 : i32 to index
    %swap3A_517 = arith.constant 64 : index
    %swap3A_518 = tpu.vector_load %arg6[%swap3A_515, %swap3A_516, %swap3A_517] {strides = array<i32>} : memref<3x114x96xf32, #tpu.memory_space<vmem>>, vector<1x1x16xf32>,
    %swap3A_519 = vector.shape_cast %swap3A_518 : vector<1x1x16xf32> to vector<16xf32>
    %swap3A_520 = vector.shape_cast %broadcast_in_dim3A_1 : vector<16xf32> to vector<1x1x16xf32>
    tpu.vector_store %arg6[%swap3A_515, %swap3A_516, %swap3A_517], %swap3A_520 {strides = array<i32>} : memref<3x114x96xf32, #tpu.memory_space<vmem>>, vector<1x1x16xf32>,
    %swap3A_521 = arith.constant 2 : i32
    %swap3A_522 = arith.constant 0 : i32
    %swap3A_523 = arith.index_cast %swap3A_521 : i32 to index
    %swap3A_524 = arith.index_cast %swap3A_522 : i32 to index
    %swap3A_525 = arith.constant 80 : index
    %swap3A_526 = tpu.vector_load %arg6[%swap3A_523, %swap3A_524, %swap3A_525] {strides = array<i32>} : memref<3x114x96xf32, #tpu.memory_space<vmem>>, vector<1x1x16xf32>,
    %swap3A_527 = vector.shape_cast %swap3A_526 : vector<1x1x16xf32> to vector<16xf32>
    %swap3A_528 = vector.shape_cast %broadcast_in_dim3A_1 : vector<16xf32> to vector<1x1x16xf32>
    tpu.vector_store %arg6[%swap3A_523, %swap3A_524, %swap3A_525], %swap3A_528 {strides = array<i32>} : memref<3x114x96xf32, #tpu.memory_space<vmem>>, vector<1x1x16xf32>,
    %swap3A_529 = arith.constant 2 : i32
    %swap3A_530 = arith.constant 113 : i32
    %swap3A_531 = arith.index_cast %swap3A_529 : i32 to index
    %swap3A_532 = arith.index_cast %swap3A_530 : i32 to index
    %swap3A_533 = arith.constant 0 : index
    %swap3A_534 = tpu.vector_load %arg6[%swap3A_531, %swap3A_532, %swap3A_533] {strides = array<i32>} : memref<3x114x96xf32, #tpu.memory_space<vmem>>, vector<1x1x16xf32>,
    %swap3A_535 = vector.shape_cast %swap3A_534 : vector<1x1x16xf32> to vector<16xf32>
    %swap3A_536 = vector.shape_cast %broadcast_in_dim3A_1 : vector<16xf32> to vector<1x1x16xf32>
    tpu.vector_store %arg6[%swap3A_531, %swap3A_532, %swap3A_533], %swap3A_536 {strides = array<i32>} : memref<3x114x96xf32, #tpu.memory_space<vmem>>, vector<1x1x16xf32>,
    %swap3A_537 = arith.constant 2 : i32
    %swap3A_538 = arith.constant 113 : i32
    %swap3A_539 = arith.index_cast %swap3A_537 : i32 to index
    %swap3A_540 = arith.index_cast %swap3A_538 : i32 to index
    %swap3A_541 = arith.constant 16 : index
    %swap3A_542 = tpu.vector_load %arg6[%swap3A_539, %swap3A_540, %swap3A_541] {strides = array<i32>} : memref<3x114x96xf32, #tpu.memory_space<vmem>>, vector<1x1x16xf32>,
    %swap3A_543 = vector.shape_cast %swap3A_542 : vector<1x1x16xf32> to vector<16xf32>
    %swap3A_544 = vector.shape_cast %broadcast_in_dim3A_1 : vector<16xf32> to vector<1x1x16xf32>
    tpu.vector_store %arg6[%swap3A_539, %swap3A_540, %swap3A_541], %swap3A_544 {strides = array<i32>} : memref<3x114x96xf32, #tpu.memory_space<vmem>>, vector<1x1x16xf32>,
    %swap3A_545 = arith.constant 2 : i32
    %swap3A_546 = arith.constant 113 : i32
    %swap3A_547 = arith.index_cast %swap3A_545 : i32 to index
    %swap3A_548 = arith.index_cast %swap3A_546 : i32 to index
    %swap3A_549 = arith.constant 32 : index
    %swap3A_550 = tpu.vector_load %arg6[%swap3A_547, %swap3A_548, %swap3A_549] {strides = array<i32>} : memref<3x114x96xf32, #tpu.memory_space<vmem>>, vector<1x1x16xf32>,
    %swap3A_551 = vector.shape_cast %swap3A_550 : vector<1x1x16xf32> to vector<16xf32>
    %swap3A_552 = vector.shape_cast %broadcast_in_dim3A_1 : vector<16xf32> to vector<1x1x16xf32>
    tpu.vector_store %arg6[%swap3A_547, %swap3A_548, %swap3A_549], %swap3A_552 {strides = array<i32>} : memref<3x114x96xf32, #tpu.memory_space<vmem>>, vector<1x1x16xf32>,
    %swap3A_553 = arith.constant 2 : i32
    %swap3A_554 = arith.constant 113 : i32
    %swap3A_555 = arith.index_cast %swap3A_553 : i32 to index
    %swap3A_556 = arith.index_cast %swap3A_554 : i32 to index
    %swap3A_557 = arith.constant 48 : index
    %swap3A_558 = tpu.vector_load %arg6[%swap3A_555, %swap3A_556, %swap3A_557] {strides = array<i32>} : memref<3x114x96xf32, #tpu.memory_space<vmem>>, vector<1x1x16xf32>,
    %swap3A_559 = vector.shape_cast %swap3A_558 : vector<1x1x16xf32> to vector<16xf32>
    %swap3A_560 = vector.shape_cast %broadcast_in_dim3A_1 : vector<16xf32> to vector<1x1x16xf32>
    tpu.vector_store %arg6[%swap3A_555, %swap3A_556, %swap3A_557], %swap3A_560 {strides = array<i32>} : memref<3x114x96xf32, #tpu.memory_space<vmem>>, vector<1x1x16xf32>,
    %swap3A_561 = arith.constant 2 : i32
    %swap3A_562 = arith.constant 113 : i32
    %swap3A_563 = arith.index_cast %swap3A_561 : i32 to index
    %swap3A_564 = arith.index_cast %swap3A_562 : i32 to index
    %swap3A_565 = arith.constant 64 : index
    %swap3A_566 = tpu.vector_load %arg6[%swap3A_563, %swap3A_564, %swap3A_565] {strides = array<i32>} : memref<3x114x96xf32, #tpu.memory_space<vmem>>, vector<1x1x16xf32>,
    %swap3A_567 = vector.shape_cast %swap3A_566 : vector<1x1x16xf32> to vector<16xf32>
    %swap3A_568 = vector.shape_cast %broadcast_in_dim3A_1 : vector<16xf32> to vector<1x1x16xf32>
    tpu.vector_store %arg6[%swap3A_563, %swap3A_564, %swap3A_565], %swap3A_568 {strides = array<i32>} : memref<3x114x96xf32, #tpu.memory_space<vmem>>, vector<1x1x16xf32>,
    %swap3A_569 = arith.constant 2 : i32
    %swap3A_570 = arith.constant 113 : i32
    %swap3A_571 = arith.index_cast %swap3A_569 : i32 to index
    %swap3A_572 = arith.index_cast %swap3A_570 : i32 to index
    %swap3A_573 = arith.constant 80 : index
    %swap3A_574 = tpu.vector_load %arg6[%swap3A_571, %swap3A_572, %swap3A_573] {strides = array<i32>} : memref<3x114x96xf32, #tpu.memory_space<vmem>>, vector<1x1x16xf32>,
    %swap3A_575 = vector.shape_cast %swap3A_574 : vector<1x1x16xf32> to vector<16xf32>
    %swap3A_576 = vector.shape_cast %broadcast_in_dim3A_1 : vector<16xf32> to vector<1x1x16xf32>
    tpu.vector_store %arg6[%swap3A_571, %swap3A_572, %swap3A_573], %swap3A_576 {strides = array<i32>} : memref<3x114x96xf32, #tpu.memory_space<vmem>>, vector<1x1x16xf32>,
    %scan3A = arith.constant 0 : i32
    %scan3A_577 = arith.constant 0 : i32
    %scan3A_578 = arith.constant 14 : i32
    %scan3A_579 = arith.addi %scan3A_577, %scan3A_578 : i32
    %scan3A_580 = arith.constant 1 : i32
    scf.for %scan3A_582 = %scan3A_577 to %scan3A_579 step %scan3A_580  : i32 {
      %mul3A_583 = arith.constant 2 : i32
      %mul3A_584 = arith.muli %mul3A_583, %scan3A_582 : i32
      %mul3A_585 = arith.constant 32 : i32
      %mul3A_586 = arith.muli %mul3A_584, %mul3A_585 : i32
      %add3A_587 = arith.addi %mul3A_586, %add3A : i32
      %mul3A_588 = arith.constant 2 : i32
      %mul3A_589 = arith.muli %mul3A_588, %scan3A_582 : i32
      %add3A_590 = arith.constant 1 : i32
      %add3A_591 = arith.addi %mul3A_589, %add3A_590 : i32
      %mul3A_592 = arith.constant 32 : i32
      %mul3A_593 = arith.muli %add3A_591, %mul3A_592 : i32
      %add3A_594 = arith.addi %mul3A_593, %add3A : i32
      %jit3A = arith.constant 448 : i32
      %div3A = arith.divsi %add3A_587, %jit3A : i32
      %sign3A = arith.constant 0 : i32
      %sign3A_595 = arith.cmpi sgt, %add3A_587, %sign3A : i32
      %sign3A_596 = arith.extui %sign3A_595 : i1 to i32
      %sign3A_597 = arith.constant 0 : i32
      %sign3A_598 = arith.cmpi slt, %add3A_587, %sign3A_597 : i32
      %sign3A_599 = arith.extui %sign3A_598 : i1 to i32
      %sign3A_600 = arith.subi %sign3A_596, %sign3A_599 : i32
      %sign3A_601 = arith.constant 0 : i32
      %sign3A_602 = arith.cmpi sgt, %jit3A, %sign3A_601 : i32
      %sign3A_603 = arith.extui %sign3A_602 : i1 to i32
      %sign3A_604 = arith.constant 0 : i32
      %sign3A_605 = arith.cmpi slt, %jit3A, %sign3A_604 : i32
      %sign3A_606 = arith.extui %sign3A_605 : i1 to i32
      %sign3A_607 = arith.subi %sign3A_603, %sign3A_606 : i32
      %ne3A = arith.cmpi ne, %sign3A_600, %sign3A_607 : i32
      %rem3A = arith.remsi %add3A_587, %jit3A : i32
      %ne3A_608 = arith.constant 0 : i32
      %ne3A_609 = arith.cmpi ne, %rem3A, %ne3A_608 : i32
      %and3A = arith.andi %ne3A, %ne3A_609 : i1
      %sub3A = arith.constant 1 : i32
      %sub3A_610 = arith.subi %div3A, %sub3A : i32
      %select_n3A = arith.select %and3A, %sub3A_610, %div3A : i32
      %mul3A_611 = arith.constant 448 : i32
      %mul3A_612 = arith.muli %select_n3A, %mul3A_611 : i32
      %sub3A_613 = arith.subi %add3A_587, %mul3A_612 : i32
      %jit3A_614 = arith.constant 2 : i32
      %div3A_615 = arith.divsi %sub3A_613, %jit3A_614 : i32
      %sign3A_616 = arith.constant 0 : i32
      %sign3A_617 = arith.cmpi sgt, %sub3A_613, %sign3A_616 : i32
      %sign3A_618 = arith.extui %sign3A_617 : i1 to i32
      %sign3A_619 = arith.constant 0 : i32
      %sign3A_620 = arith.cmpi slt, %sub3A_613, %sign3A_619 : i32
      %sign3A_621 = arith.extui %sign3A_620 : i1 to i32
      %sign3A_622 = arith.subi %sign3A_618, %sign3A_621 : i32
      %sign3A_623 = arith.constant 0 : i32
      %sign3A_624 = arith.cmpi sgt, %jit3A_614, %sign3A_623 : i32
      %sign3A_625 = arith.extui %sign3A_624 : i1 to i32
      %sign3A_626 = arith.constant 0 : i32
      %sign3A_627 = arith.cmpi slt, %jit3A_614, %sign3A_626 : i32
      %sign3A_628 = arith.extui %sign3A_627 : i1 to i32
      %sign3A_629 = arith.subi %sign3A_625, %sign3A_628 : i32
      %ne3A_630 = arith.cmpi ne, %sign3A_622, %sign3A_629 : i32
      %rem3A_631 = arith.remsi %sub3A_613, %jit3A_614 : i32
      %ne3A_632 = arith.constant 0 : i32
      %ne3A_633 = arith.cmpi ne, %rem3A_631, %ne3A_632 : i32
      %and3A_634 = arith.andi %ne3A_630, %ne3A_633 : i1
      %sub3A_635 = arith.constant 1 : i32
      %sub3A_636 = arith.subi %div3A_615, %sub3A_635 : i32
      %select_n3A_637 = arith.select %and3A_634, %sub3A_636, %div3A_615 : i32
      %mul3A_638 = arith.constant 2 : i32
      %mul3A_639 = arith.muli %select_n3A_637, %mul3A_638 : i32
      %sub3A_640 = arith.subi %sub3A_613, %mul3A_639 : i32
      %mul3A_641 = arith.constant 112 : i32
      %mul3A_642 = arith.muli %sub3A_640, %mul3A_641 : i32
      %sub3A_643 = arith.subi %mul3A_642, %sub3A_640 : i32
      %sub3A_644 = arith.constant 1 : i32
      %sub3A_645 = arith.subi %sub3A_644, %sub3A_640 : i32
      %sub3A_646 = arith.constant 1 : i32
      %sub3A_647 = arith.subi %select_n3A_637, %sub3A_646 : i32
      %add3A_648 = arith.constant 0 : i32
      %add3A_649 = arith.addi %sub3A_647, %add3A_648 : i32
      %ge3A = arith.constant 0 : i32
      %ge3A_650 = arith.cmpi sge, %add3A_649, %ge3A : i32
      %convert_element_type3A = arith.extui %ge3A_650 : i1 to i32
      %cond3A = arith.constant 0 : i32
      %cond3A_651 = arith.constant 0 : i32
      %cond3A_652 = arith.cmpi ne, %convert_element_type3A, %cond3A_651 : i32
      scf.if %cond3A_652 {
        %dma_start3A_1518 = arith.constant 0 : i32
        %dma_start3A_1519 = tpu.memref_slice %arg5[%cond3A, %sub3A_645, %dma_start3A_1518] : memref<3x114x96xf32, #tpu.memory_space<vmem>> -> memref<1x113x96xf32, #tpu.memory_space<vmem>>
        %dma_start3A_1520 = tpu.memref_squeeze %dma_start3A_1519 : memref<1x113x96xf32, #tpu.memory_space<vmem>> -> memref<113x96xf32, #tpu.memory_space<vmem>>
        %dma_start3A_1521 = arith.constant 0 : i32
        %dma_start3A_1522 = tpu.memref_slice %arg2[%select_n3A, %add3A_649, %sub3A_643, %dma_start3A_1521] : memref<2x224x224x96xf32, #tpu.memory_space<hbm>> -> memref<1x1x113x96xf32, #tpu.memory_space<hbm>>
        %dma_start3A_1523 = tpu.memref_squeeze %dma_start3A_1522 : memref<1x1x113x96xf32, #tpu.memory_space<hbm>> -> memref<113x96xf32, #tpu.memory_space<hbm>>
        %dma_start3A_1524 = arith.constant 0 : i32
        %dma_start3A_1525 = tpu.memref_slice %arg5[%cond3A, %sub3A_645, %dma_start3A_1524] : memref<3x114x96xf32, #tpu.memory_space<vmem>> -> memref<1x113x96xf32, #tpu.memory_space<vmem>>
        %dma_start3A_1526 = tpu.memref_squeeze %dma_start3A_1525 : memref<1x113x96xf32, #tpu.memory_space<vmem>> -> memref<113x96xf32, #tpu.memory_space<vmem>>
        %dma_start3A_1527 = arith.constant 0 : i32
        %dma_start3A_1528 = tpu.memref_slice %arg2[%select_n3A, %add3A_649, %sub3A_643, %dma_start3A_1527] : memref<2x224x224x96xf32, #tpu.memory_space<hbm>> -> memref<1x1x113x96xf32, #tpu.memory_space<hbm>>
        %dma_start3A_1529 = tpu.memref_squeeze %dma_start3A_1528 : memref<1x1x113x96xf32, #tpu.memory_space<hbm>> -> memref<113x96xf32, #tpu.memory_space<hbm>>
        tpu.enqueue_dma source(%dma_start3A_1529 : memref<113x96xf32, #tpu.memory_space<hbm>>) target(%dma_start3A_1526 : memref<113x96xf32, #tpu.memory_space<vmem>>) target_semaphore(%arg7 : memref<!tpu.dma_semaphore, #tpu.memory_space<semaphore_mem>>)
      } else {
      }
      %not3A = arith.constant true
      %not3A_653 = arith.xori %ge3A_650, %not3A : i1
      %convert_element_type3A_654 = arith.extui %not3A_653 : i1 to i32
      %cond3A_655 = arith.constant 0 : i32
      %cond3A_656 = arith.constant 0 : i32
      %cond3A_657 = arith.cmpi ne, %convert_element_type3A_654, %cond3A_656 : i32
      scf.if %cond3A_657 {
        %dma_start3A_1518 = arith.constant 0 : i32
        %dma_start3A_1519 = tpu.memref_slice %arg5[%cond3A_655, %sub3A_645, %dma_start3A_1518] : memref<3x114x96xf32, #tpu.memory_space<vmem>> -> memref<1x113x96xf32, #tpu.memory_space<vmem>>
        %dma_start3A_1520 = tpu.memref_squeeze %dma_start3A_1519 : memref<1x113x96xf32, #tpu.memory_space<vmem>> -> memref<113x96xf32, #tpu.memory_space<vmem>>
        %dma_start3A_1521 = arith.constant 0 : i32
        %dma_start3A_1522 = tpu.memref_slice %arg5[%cond3A_655, %sub3A_645, %dma_start3A_1521] : memref<3x114x96xf32, #tpu.memory_space<vmem>> -> memref<1x113x96xf32, #tpu.memory_space<vmem>>
        %dma_start3A_1523 = tpu.memref_squeeze %dma_start3A_1522 : memref<1x113x96xf32, #tpu.memory_space<vmem>> -> memref<113x96xf32, #tpu.memory_space<vmem>>
        tpu.enqueue_dma source(%arg3 : memref<113x96xf32, #tpu.memory_space<hbm>>) target(%dma_start3A_1523 : memref<113x96xf32, #tpu.memory_space<vmem>>) target_semaphore(%arg7 : memref<!tpu.dma_semaphore, #tpu.memory_space<semaphore_mem>>)
      } else {
      }
      %dma_start3A = arith.constant 1 : i32
      %dma_start3A_658 = arith.constant 0 : i32
      %dma_start3A_659 = tpu.memref_slice %arg5[%dma_start3A, %sub3A_645, %dma_start3A_658] : memref<3x114x96xf32, #tpu.memory_space<vmem>> -> memref<1x113x96xf32, #tpu.memory_space<vmem>>
      %dma_start3A_660 = tpu.memref_squeeze %dma_start3A_659 : memref<1x113x96xf32, #tpu.memory_space<vmem>> -> memref<113x96xf32, #tpu.memory_space<vmem>>
      %dma_start3A_661 = arith.constant 0 : i32
      %dma_start3A_662 = tpu.memref_slice %arg2[%select_n3A, %select_n3A_637, %sub3A_643, %dma_start3A_661] : memref<2x224x224x96xf32, #tpu.memory_space<hbm>> -> memref<1x1x113x96xf32, #tpu.memory_space<hbm>>
      %dma_start3A_663 = tpu.memref_squeeze %dma_start3A_662 : memref<1x1x113x96xf32, #tpu.memory_space<hbm>> -> memref<113x96xf32, #tpu.memory_space<hbm>>
      %dma_start3A_664 = arith.constant 0 : i32
      %dma_start3A_665 = tpu.memref_slice %arg5[%dma_start3A, %sub3A_645, %dma_start3A_664] : memref<3x114x96xf32, #tpu.memory_space<vmem>> -> memref<1x113x96xf32, #tpu.memory_space<vmem>>
      %dma_start3A_666 = tpu.memref_squeeze %dma_start3A_665 : memref<1x113x96xf32, #tpu.memory_space<vmem>> -> memref<113x96xf32, #tpu.memory_space<vmem>>
      %dma_start3A_667 = arith.constant 0 : i32
      %dma_start3A_668 = tpu.memref_slice %arg2[%select_n3A, %select_n3A_637, %sub3A_643, %dma_start3A_667] : memref<2x224x224x96xf32, #tpu.memory_space<hbm>> -> memref<1x1x113x96xf32, #tpu.memory_space<hbm>>
      %dma_start3A_669 = tpu.memref_squeeze %dma_start3A_668 : memref<1x1x113x96xf32, #tpu.memory_space<hbm>> -> memref<113x96xf32, #tpu.memory_space<hbm>>
      tpu.enqueue_dma source(%dma_start3A_669 : memref<113x96xf32, #tpu.memory_space<hbm>>) target(%dma_start3A_666 : memref<113x96xf32, #tpu.memory_space<vmem>>) target_semaphore(%arg7 : memref<!tpu.dma_semaphore, #tpu.memory_space<semaphore_mem>>)
      %sub3A_670 = arith.constant 1 : i32
      %sub3A_671 = arith.subi %select_n3A_637, %sub3A_670 : i32
      %add3A_672 = arith.constant 2 : i32
      %add3A_673 = arith.addi %sub3A_671, %add3A_672 : i32
      %lt3A = arith.constant 224 : i32
      %lt3A_674 = arith.cmpi slt, %add3A_673, %lt3A : i32
      %convert_element_type3A_675 = arith.extui %lt3A_674 : i1 to i32
      %cond3A_676 = arith.constant 2 : i32
      %cond3A_677 = arith.constant 0 : i32
      %cond3A_678 = arith.cmpi ne, %convert_element_type3A_675, %cond3A_677 : i32
      scf.if %cond3A_678 {
        %dma_start3A_1518 = arith.constant 0 : i32
        %dma_start3A_1519 = tpu.memref_slice %arg5[%cond3A_676, %sub3A_645, %dma_start3A_1518] : memref<3x114x96xf32, #tpu.memory_space<vmem>> -> memref<1x113x96xf32, #tpu.memory_space<vmem>>
        %dma_start3A_1520 = tpu.memref_squeeze %dma_start3A_1519 : memref<1x113x96xf32, #tpu.memory_space<vmem>> -> memref<113x96xf32, #tpu.memory_space<vmem>>
        %dma_start3A_1521 = arith.constant 0 : i32
        %dma_start3A_1522 = tpu.memref_slice %arg2[%select_n3A, %add3A_673, %sub3A_643, %dma_start3A_1521] : memref<2x224x224x96xf32, #tpu.memory_space<hbm>> -> memref<1x1x113x96xf32, #tpu.memory_space<hbm>>
        %dma_start3A_1523 = tpu.memref_squeeze %dma_start3A_1522 : memref<1x1x113x96xf32, #tpu.memory_space<hbm>> -> memref<113x96xf32, #tpu.memory_space<hbm>>
        %dma_start3A_1524 = arith.constant 0 : i32
        %dma_start3A_1525 = tpu.memref_slice %arg5[%cond3A_676, %sub3A_645, %dma_start3A_1524] : memref<3x114x96xf32, #tpu.memory_space<vmem>> -> memref<1x113x96xf32, #tpu.memory_space<vmem>>
        %dma_start3A_1526 = tpu.memref_squeeze %dma_start3A_1525 : memref<1x113x96xf32, #tpu.memory_space<vmem>> -> memref<113x96xf32, #tpu.memory_space<vmem>>
        %dma_start3A_1527 = arith.constant 0 : i32
        %dma_start3A_1528 = tpu.memref_slice %arg2[%select_n3A, %add3A_673, %sub3A_643, %dma_start3A_1527] : memref<2x224x224x96xf32, #tpu.memory_space<hbm>> -> memref<1x1x113x96xf32, #tpu.memory_space<hbm>>
        %dma_start3A_1529 = tpu.memref_squeeze %dma_start3A_1528 : memref<1x1x113x96xf32, #tpu.memory_space<hbm>> -> memref<113x96xf32, #tpu.memory_space<hbm>>
        tpu.enqueue_dma source(%dma_start3A_1529 : memref<113x96xf32, #tpu.memory_space<hbm>>) target(%dma_start3A_1526 : memref<113x96xf32, #tpu.memory_space<vmem>>) target_semaphore(%arg7 : memref<!tpu.dma_semaphore, #tpu.memory_space<semaphore_mem>>)
      } else {
      }
      %not3A_679 = arith.constant true
      %not3A_680 = arith.xori %lt3A_674, %not3A_679 : i1
      %convert_element_type3A_681 = arith.extui %not3A_680 : i1 to i32
      %cond3A_682 = arith.constant 2 : i32
      %cond3A_683 = arith.constant 0 : i32
      %cond3A_684 = arith.cmpi ne, %convert_element_type3A_681, %cond3A_683 : i32
      scf.if %cond3A_684 {
        %dma_start3A_1518 = arith.constant 0 : i32
        %dma_start3A_1519 = tpu.memref_slice %arg5[%cond3A_682, %sub3A_645, %dma_start3A_1518] : memref<3x114x96xf32, #tpu.memory_space<vmem>> -> memref<1x113x96xf32, #tpu.memory_space<vmem>>
        %dma_start3A_1520 = tpu.memref_squeeze %dma_start3A_1519 : memref<1x113x96xf32, #tpu.memory_space<vmem>> -> memref<113x96xf32, #tpu.memory_space<vmem>>
        %dma_start3A_1521 = arith.constant 0 : i32
        %dma_start3A_1522 = tpu.memref_slice %arg5[%cond3A_682, %sub3A_645, %dma_start3A_1521] : memref<3x114x96xf32, #tpu.memory_space<vmem>> -> memref<1x113x96xf32, #tpu.memory_space<vmem>>
        %dma_start3A_1523 = tpu.memref_squeeze %dma_start3A_1522 : memref<1x113x96xf32, #tpu.memory_space<vmem>> -> memref<113x96xf32, #tpu.memory_space<vmem>>
        tpu.enqueue_dma source(%arg3 : memref<113x96xf32, #tpu.memory_space<hbm>>) target(%dma_start3A_1523 : memref<113x96xf32, #tpu.memory_space<vmem>>) target_semaphore(%arg7 : memref<!tpu.dma_semaphore, #tpu.memory_space<semaphore_mem>>)
      } else {
      }
      %jit3A_685 = arith.constant 448 : i32
      %div3A_686 = arith.divsi %add3A_594, %jit3A_685 : i32
      %sign3A_687 = arith.constant 0 : i32
      %sign3A_688 = arith.cmpi sgt, %add3A_594, %sign3A_687 : i32
      %sign3A_689 = arith.extui %sign3A_688 : i1 to i32
      %sign3A_690 = arith.constant 0 : i32
      %sign3A_691 = arith.cmpi slt, %add3A_594, %sign3A_690 : i32
      %sign3A_692 = arith.extui %sign3A_691 : i1 to i32
      %sign3A_693 = arith.subi %sign3A_689, %sign3A_692 : i32
      %sign3A_694 = arith.constant 0 : i32
      %sign3A_695 = arith.cmpi sgt, %jit3A_685, %sign3A_694 : i32
      %sign3A_696 = arith.extui %sign3A_695 : i1 to i32
      %sign3A_697 = arith.constant 0 : i32
      %sign3A_698 = arith.cmpi slt, %jit3A_685, %sign3A_697 : i32
      %sign3A_699 = arith.extui %sign3A_698 : i1 to i32
      %sign3A_700 = arith.subi %sign3A_696, %sign3A_699 : i32
      %ne3A_701 = arith.cmpi ne, %sign3A_693, %sign3A_700 : i32
      %rem3A_702 = arith.remsi %add3A_594, %jit3A_685 : i32
      %ne3A_703 = arith.constant 0 : i32
      %ne3A_704 = arith.cmpi ne, %rem3A_702, %ne3A_703 : i32
      %and3A_705 = arith.andi %ne3A_701, %ne3A_704 : i1
      %sub3A_706 = arith.constant 1 : i32
      %sub3A_707 = arith.subi %div3A_686, %sub3A_706 : i32
      %select_n3A_708 = arith.select %and3A_705, %sub3A_707, %div3A_686 : i32
      %mul3A_709 = arith.constant 448 : i32
      %mul3A_710 = arith.muli %select_n3A_708, %mul3A_709 : i32
      %sub3A_711 = arith.subi %add3A_594, %mul3A_710 : i32
      %jit3A_712 = arith.constant 2 : i32
      %div3A_713 = arith.divsi %sub3A_711, %jit3A_712 : i32
      %sign3A_714 = arith.constant 0 : i32
      %sign3A_715 = arith.cmpi sgt, %sub3A_711, %sign3A_714 : i32
      %sign3A_716 = arith.extui %sign3A_715 : i1 to i32
      %sign3A_717 = arith.constant 0 : i32
      %sign3A_718 = arith.cmpi slt, %sub3A_711, %sign3A_717 : i32
      %sign3A_719 = arith.extui %sign3A_718 : i1 to i32
      %sign3A_720 = arith.subi %sign3A_716, %sign3A_719 : i32
      %sign3A_721 = arith.constant 0 : i32
      %sign3A_722 = arith.cmpi sgt, %jit3A_712, %sign3A_721 : i32
      %sign3A_723 = arith.extui %sign3A_722 : i1 to i32
      %sign3A_724 = arith.constant 0 : i32
      %sign3A_725 = arith.cmpi slt, %jit3A_712, %sign3A_724 : i32
      %sign3A_726 = arith.extui %sign3A_725 : i1 to i32
      %sign3A_727 = arith.subi %sign3A_723, %sign3A_726 : i32
      %ne3A_728 = arith.cmpi ne, %sign3A_720, %sign3A_727 : i32
      %rem3A_729 = arith.remsi %sub3A_711, %jit3A_712 : i32
      %ne3A_730 = arith.constant 0 : i32
      %ne3A_731 = arith.cmpi ne, %rem3A_729, %ne3A_730 : i32
      %and3A_732 = arith.andi %ne3A_728, %ne3A_731 : i1
      %sub3A_733 = arith.constant 1 : i32
      %sub3A_734 = arith.subi %div3A_713, %sub3A_733 : i32
      %select_n3A_735 = arith.select %and3A_732, %sub3A_734, %div3A_713 : i32
      %mul3A_736 = arith.constant 2 : i32
      %mul3A_737 = arith.muli %select_n3A_735, %mul3A_736 : i32
      %sub3A_738 = arith.subi %sub3A_711, %mul3A_737 : i32
      %mul3A_739 = arith.constant 112 : i32
      %mul3A_740 = arith.muli %sub3A_738, %mul3A_739 : i32
      %sub3A_741 = arith.subi %mul3A_740, %sub3A_738 : i32
      %sub3A_742 = arith.constant 1 : i32
      %sub3A_743 = arith.subi %sub3A_742, %sub3A_738 : i32
      %sub3A_744 = arith.constant 1 : i32
      %sub3A_745 = arith.subi %select_n3A_735, %sub3A_744 : i32
      %add3A_746 = arith.constant 0 : i32
      %add3A_747 = arith.addi %sub3A_745, %add3A_746 : i32
      %ge3A_748 = arith.constant 0 : i32
      %ge3A_749 = arith.cmpi sge, %add3A_747, %ge3A_748 : i32
      %convert_element_type3A_750 = arith.extui %ge3A_749 : i1 to i32
      %cond3A_751 = arith.constant 0 : i32
      %cond3A_752 = arith.constant 0 : i32
      %cond3A_753 = arith.cmpi ne, %convert_element_type3A_750, %cond3A_752 : i32
      scf.if %cond3A_753 {
        %dma_start3A_1518 = arith.constant 0 : i32
        %dma_start3A_1519 = tpu.memref_slice %arg6[%cond3A_751, %sub3A_743, %dma_start3A_1518] : memref<3x114x96xf32, #tpu.memory_space<vmem>> -> memref<1x113x96xf32, #tpu.memory_space<vmem>>
        %dma_start3A_1520 = tpu.memref_squeeze %dma_start3A_1519 : memref<1x113x96xf32, #tpu.memory_space<vmem>> -> memref<113x96xf32, #tpu.memory_space<vmem>>
        %dma_start3A_1521 = arith.constant 0 : i32
        %dma_start3A_1522 = tpu.memref_slice %arg2[%select_n3A_708, %add3A_747, %sub3A_741, %dma_start3A_1521] : memref<2x224x224x96xf32, #tpu.memory_space<hbm>> -> memref<1x1x113x96xf32, #tpu.memory_space<hbm>>
        %dma_start3A_1523 = tpu.memref_squeeze %dma_start3A_1522 : memref<1x1x113x96xf32, #tpu.memory_space<hbm>> -> memref<113x96xf32, #tpu.memory_space<hbm>>
        %dma_start3A_1524 = arith.constant 0 : i32
        %dma_start3A_1525 = tpu.memref_slice %arg6[%cond3A_751, %sub3A_743, %dma_start3A_1524] : memref<3x114x96xf32, #tpu.memory_space<vmem>> -> memref<1x113x96xf32, #tpu.memory_space<vmem>>
        %dma_start3A_1526 = tpu.memref_squeeze %dma_start3A_1525 : memref<1x113x96xf32, #tpu.memory_space<vmem>> -> memref<113x96xf32, #tpu.memory_space<vmem>>
        %dma_start3A_1527 = arith.constant 0 : i32
        %dma_start3A_1528 = tpu.memref_slice %arg2[%select_n3A_708, %add3A_747, %sub3A_741, %dma_start3A_1527] : memref<2x224x224x96xf32, #tpu.memory_space<hbm>> -> memref<1x1x113x96xf32, #tpu.memory_space<hbm>>
        %dma_start3A_1529 = tpu.memref_squeeze %dma_start3A_1528 : memref<1x1x113x96xf32, #tpu.memory_space<hbm>> -> memref<113x96xf32, #tpu.memory_space<hbm>>
        tpu.enqueue_dma source(%dma_start3A_1529 : memref<113x96xf32, #tpu.memory_space<hbm>>) target(%dma_start3A_1526 : memref<113x96xf32, #tpu.memory_space<vmem>>) target_semaphore(%arg8 : memref<!tpu.dma_semaphore, #tpu.memory_space<semaphore_mem>>)
      } else {
      }
      %not3A_754 = arith.constant true
      %not3A_755 = arith.xori %ge3A_749, %not3A_754 : i1
      %convert_element_type3A_756 = arith.extui %not3A_755 : i1 to i32
      %cond3A_757 = arith.constant 0 : i32
      %cond3A_758 = arith.constant 0 : i32
      %cond3A_759 = arith.cmpi ne, %convert_element_type3A_756, %cond3A_758 : i32
      scf.if %cond3A_759 {
        %dma_start3A_1518 = arith.constant 0 : i32
        %dma_start3A_1519 = tpu.memref_slice %arg6[%cond3A_757, %sub3A_743, %dma_start3A_1518] : memref<3x114x96xf32, #tpu.memory_space<vmem>> -> memref<1x113x96xf32, #tpu.memory_space<vmem>>
        %dma_start3A_1520 = tpu.memref_squeeze %dma_start3A_1519 : memref<1x113x96xf32, #tpu.memory_space<vmem>> -> memref<113x96xf32, #tpu.memory_space<vmem>>
        %dma_start3A_1521 = arith.constant 0 : i32
        %dma_start3A_1522 = tpu.memref_slice %arg6[%cond3A_757, %sub3A_743, %dma_start3A_1521] : memref<3x114x96xf32, #tpu.memory_space<vmem>> -> memref<1x113x96xf32, #tpu.memory_space<vmem>>
        %dma_start3A_1523 = tpu.memref_squeeze %dma_start3A_1522 : memref<1x113x96xf32, #tpu.memory_space<vmem>> -> memref<113x96xf32, #tpu.memory_space<vmem>>
        tpu.enqueue_dma source(%arg3 : memref<113x96xf32, #tpu.memory_space<hbm>>) target(%dma_start3A_1523 : memref<113x96xf32, #tpu.memory_space<vmem>>) target_semaphore(%arg8 : memref<!tpu.dma_semaphore, #tpu.memory_space<semaphore_mem>>)
      } else {
      }
      %dma_start3A_760 = arith.constant 1 : i32
      %dma_start3A_761 = arith.constant 0 : i32
      %dma_start3A_762 = tpu.memref_slice %arg6[%dma_start3A_760, %sub3A_743, %dma_start3A_761] : memref<3x114x96xf32, #tpu.memory_space<vmem>> -> memref<1x113x96xf32, #tpu.memory_space<vmem>>
      %dma_start3A_763 = tpu.memref_squeeze %dma_start3A_762 : memref<1x113x96xf32, #tpu.memory_space<vmem>> -> memref<113x96xf32, #tpu.memory_space<vmem>>
      %dma_start3A_764 = arith.constant 0 : i32
      %dma_start3A_765 = tpu.memref_slice %arg2[%select_n3A_708, %select_n3A_735, %sub3A_741, %dma_start3A_764] : memref<2x224x224x96xf32, #tpu.memory_space<hbm>> -> memref<1x1x113x96xf32, #tpu.memory_space<hbm>>
      %dma_start3A_766 = tpu.memref_squeeze %dma_start3A_765 : memref<1x1x113x96xf32, #tpu.memory_space<hbm>> -> memref<113x96xf32, #tpu.memory_space<hbm>>
      %dma_start3A_767 = arith.constant 0 : i32
      %dma_start3A_768 = tpu.memref_slice %arg6[%dma_start3A_760, %sub3A_743, %dma_start3A_767] : memref<3x114x96xf32, #tpu.memory_space<vmem>> -> memref<1x113x96xf32, #tpu.memory_space<vmem>>
      %dma_start3A_769 = tpu.memref_squeeze %dma_start3A_768 : memref<1x113x96xf32, #tpu.memory_space<vmem>> -> memref<113x96xf32, #tpu.memory_space<vmem>>
      %dma_start3A_770 = arith.constant 0 : i32
      %dma_start3A_771 = tpu.memref_slice %arg2[%select_n3A_708, %select_n3A_735, %sub3A_741, %dma_start3A_770] : memref<2x224x224x96xf32, #tpu.memory_space<hbm>> -> memref<1x1x113x96xf32, #tpu.memory_space<hbm>>
      %dma_start3A_772 = tpu.memref_squeeze %dma_start3A_771 : memref<1x1x113x96xf32, #tpu.memory_space<hbm>> -> memref<113x96xf32, #tpu.memory_space<hbm>>
      tpu.enqueue_dma source(%dma_start3A_772 : memref<113x96xf32, #tpu.memory_space<hbm>>) target(%dma_start3A_769 : memref<113x96xf32, #tpu.memory_space<vmem>>) target_semaphore(%arg8 : memref<!tpu.dma_semaphore, #tpu.memory_space<semaphore_mem>>)
      %sub3A_773 = arith.constant 1 : i32
      %sub3A_774 = arith.subi %select_n3A_735, %sub3A_773 : i32
      %add3A_775 = arith.constant 2 : i32
      %add3A_776 = arith.addi %sub3A_774, %add3A_775 : i32
      %lt3A_777 = arith.constant 224 : i32
      %lt3A_778 = arith.cmpi slt, %add3A_776, %lt3A_777 : i32
      %convert_element_type3A_779 = arith.extui %lt3A_778 : i1 to i32
      %cond3A_780 = arith.constant 2 : i32
      %cond3A_781 = arith.constant 0 : i32
      %cond3A_782 = arith.cmpi ne, %convert_element_type3A_779, %cond3A_781 : i32
      scf.if %cond3A_782 {
        %dma_start3A_1518 = arith.constant 0 : i32
        %dma_start3A_1519 = tpu.memref_slice %arg6[%cond3A_780, %sub3A_743, %dma_start3A_1518] : memref<3x114x96xf32, #tpu.memory_space<vmem>> -> memref<1x113x96xf32, #tpu.memory_space<vmem>>
        %dma_start3A_1520 = tpu.memref_squeeze %dma_start3A_1519 : memref<1x113x96xf32, #tpu.memory_space<vmem>> -> memref<113x96xf32, #tpu.memory_space<vmem>>
        %dma_start3A_1521 = arith.constant 0 : i32
        %dma_start3A_1522 = tpu.memref_slice %arg2[%select_n3A_708, %add3A_776, %sub3A_741, %dma_start3A_1521] : memref<2x224x224x96xf32, #tpu.memory_space<hbm>> -> memref<1x1x113x96xf32, #tpu.memory_space<hbm>>
        %dma_start3A_1523 = tpu.memref_squeeze %dma_start3A_1522 : memref<1x1x113x96xf32, #tpu.memory_space<hbm>> -> memref<113x96xf32, #tpu.memory_space<hbm>>
        %dma_start3A_1524 = arith.constant 0 : i32
        %dma_start3A_1525 = tpu.memref_slice %arg6[%cond3A_780, %sub3A_743, %dma_start3A_1524] : memref<3x114x96xf32, #tpu.memory_space<vmem>> -> memref<1x113x96xf32, #tpu.memory_space<vmem>>
        %dma_start3A_1526 = tpu.memref_squeeze %dma_start3A_1525 : memref<1x113x96xf32, #tpu.memory_space<vmem>> -> memref<113x96xf32, #tpu.memory_space<vmem>>
        %dma_start3A_1527 = arith.constant 0 : i32
        %dma_start3A_1528 = tpu.memref_slice %arg2[%select_n3A_708, %add3A_776, %sub3A_741, %dma_start3A_1527] : memref<2x224x224x96xf32, #tpu.memory_space<hbm>> -> memref<1x1x113x96xf32, #tpu.memory_space<hbm>>
        %dma_start3A_1529 = tpu.memref_squeeze %dma_start3A_1528 : memref<1x1x113x96xf32, #tpu.memory_space<hbm>> -> memref<113x96xf32, #tpu.memory_space<hbm>>
        tpu.enqueue_dma source(%dma_start3A_1529 : memref<113x96xf32, #tpu.memory_space<hbm>>) target(%dma_start3A_1526 : memref<113x96xf32, #tpu.memory_space<vmem>>) target_semaphore(%arg8 : memref<!tpu.dma_semaphore, #tpu.memory_space<semaphore_mem>>)
      } else {
      }
      %not3A_783 = arith.constant true
      %not3A_784 = arith.xori %lt3A_778, %not3A_783 : i1
      %convert_element_type3A_785 = arith.extui %not3A_784 : i1 to i32
      %cond3A_786 = arith.constant 2 : i32
      %cond3A_787 = arith.constant 0 : i32
      %cond3A_788 = arith.cmpi ne, %convert_element_type3A_785, %cond3A_787 : i32
      scf.if %cond3A_788 {
        %dma_start3A_1518 = arith.constant 0 : i32
        %dma_start3A_1519 = tpu.memref_slice %arg6[%cond3A_786, %sub3A_743, %dma_start3A_1518] : memref<3x114x96xf32, #tpu.memory_space<vmem>> -> memref<1x113x96xf32, #tpu.memory_space<vmem>>
        %dma_start3A_1520 = tpu.memref_squeeze %dma_start3A_1519 : memref<1x113x96xf32, #tpu.memory_space<vmem>> -> memref<113x96xf32, #tpu.memory_space<vmem>>
        %dma_start3A_1521 = arith.constant 0 : i32
        %dma_start3A_1522 = tpu.memref_slice %arg6[%cond3A_786, %sub3A_743, %dma_start3A_1521] : memref<3x114x96xf32, #tpu.memory_space<vmem>> -> memref<1x113x96xf32, #tpu.memory_space<vmem>>
        %dma_start3A_1523 = tpu.memref_squeeze %dma_start3A_1522 : memref<1x113x96xf32, #tpu.memory_space<vmem>> -> memref<113x96xf32, #tpu.memory_space<vmem>>
        tpu.enqueue_dma source(%arg3 : memref<113x96xf32, #tpu.memory_space<hbm>>) target(%dma_start3A_1523 : memref<113x96xf32, #tpu.memory_space<vmem>>) target_semaphore(%arg8 : memref<!tpu.dma_semaphore, #tpu.memory_space<semaphore_mem>>)
      } else {
      }
      %dma_wait3A = arith.constant 0 : i32
      %dma_wait3A_789 = arith.constant 0 : i32
      %dma_wait3A_790 = tpu.memref_slice %arg5[%dma_wait3A, %sub3A_645, %dma_wait3A_789] : memref<3x114x96xf32, #tpu.memory_space<vmem>> -> memref<1x113x96xf32, #tpu.memory_space<vmem>>
      %dma_wait3A_791 = tpu.memref_squeeze %dma_wait3A_790 : memref<1x113x96xf32, #tpu.memory_space<vmem>> -> memref<113x96xf32, #tpu.memory_space<vmem>>
      %dma_wait3A_792 = arith.constant 0 : i32
      %dma_wait3A_793 = tpu.memref_slice %arg2[%select_n3A, %add3A_649, %sub3A_643, %dma_wait3A_792] : memref<2x224x224x96xf32, #tpu.memory_space<hbm>> -> memref<1x1x113x96xf32, #tpu.memory_space<hbm>>
      %dma_wait3A_794 = tpu.memref_squeeze %dma_wait3A_793 : memref<1x1x113x96xf32, #tpu.memory_space<hbm>> -> memref<113x96xf32, #tpu.memory_space<hbm>>
      %dma_wait3A_795 = arith.constant 0 : i32
      %dma_wait3A_796 = tpu.memref_slice %arg5[%dma_wait3A, %sub3A_645, %dma_wait3A_795] : memref<3x114x96xf32, #tpu.memory_space<vmem>> -> memref<1x113x96xf32, #tpu.memory_space<vmem>>
      %dma_wait3A_797 = tpu.memref_squeeze %dma_wait3A_796 : memref<1x113x96xf32, #tpu.memory_space<vmem>> -> memref<113x96xf32, #tpu.memory_space<vmem>>
      %dma_wait3A_798 = arith.constant 0 : i32
      %dma_wait3A_799 = tpu.memref_slice %arg2[%select_n3A, %add3A_649, %sub3A_643, %dma_wait3A_798] : memref<2x224x224x96xf32, #tpu.memory_space<hbm>> -> memref<1x1x113x96xf32, #tpu.memory_space<hbm>>
      %dma_wait3A_800 = tpu.memref_squeeze %dma_wait3A_799 : memref<1x1x113x96xf32, #tpu.memory_space<hbm>> -> memref<113x96xf32, #tpu.memory_space<hbm>>
      tpu.wait_dma2 semaphore(%arg7 : memref<!tpu.dma_semaphore, #tpu.memory_space<semaphore_mem>>) src(%dma_wait3A_800 : memref<113x96xf32, #tpu.memory_space<hbm>>) dst(%dma_wait3A_797 : memref<113x96xf32, #tpu.memory_space<vmem>>)
      %dma_wait3A_801 = arith.constant 1 : i32
      %dma_wait3A_802 = arith.constant 0 : i32
      %dma_wait3A_803 = tpu.memref_slice %arg5[%dma_wait3A_801, %sub3A_645, %dma_wait3A_802] : memref<3x114x96xf32, #tpu.memory_space<vmem>> -> memref<1x113x96xf32, #tpu.memory_space<vmem>>
      %dma_wait3A_804 = tpu.memref_squeeze %dma_wait3A_803 : memref<1x113x96xf32, #tpu.memory_space<vmem>> -> memref<113x96xf32, #tpu.memory_space<vmem>>
      %dma_wait3A_805 = arith.constant 0 : i32
      %dma_wait3A_806 = tpu.memref_slice %arg2[%select_n3A, %select_n3A_637, %sub3A_643, %dma_wait3A_805] : memref<2x224x224x96xf32, #tpu.memory_space<hbm>> -> memref<1x1x113x96xf32, #tpu.memory_space<hbm>>
      %dma_wait3A_807 = tpu.memref_squeeze %dma_wait3A_806 : memref<1x1x113x96xf32, #tpu.memory_space<hbm>> -> memref<113x96xf32, #tpu.memory_space<hbm>>
      %dma_wait3A_808 = arith.constant 0 : i32
      %dma_wait3A_809 = tpu.memref_slice %arg5[%dma_wait3A_801, %sub3A_645, %dma_wait3A_808] : memref<3x114x96xf32, #tpu.memory_space<vmem>> -> memref<1x113x96xf32, #tpu.memory_space<vmem>>
      %dma_wait3A_810 = tpu.memref_squeeze %dma_wait3A_809 : memref<1x113x96xf32, #tpu.memory_space<vmem>> -> memref<113x96xf32, #tpu.memory_space<vmem>>
      %dma_wait3A_811 = arith.constant 0 : i32
      %dma_wait3A_812 = tpu.memref_slice %arg2[%select_n3A, %select_n3A_637, %sub3A_643, %dma_wait3A_811] : memref<2x224x224x96xf32, #tpu.memory_space<hbm>> -> memref<1x1x113x96xf32, #tpu.memory_space<hbm>>
      %dma_wait3A_813 = tpu.memref_squeeze %dma_wait3A_812 : memref<1x1x113x96xf32, #tpu.memory_space<hbm>> -> memref<113x96xf32, #tpu.memory_space<hbm>>
      tpu.wait_dma2 semaphore(%arg7 : memref<!tpu.dma_semaphore, #tpu.memory_space<semaphore_mem>>) src(%dma_wait3A_813 : memref<113x96xf32, #tpu.memory_space<hbm>>) dst(%dma_wait3A_810 : memref<113x96xf32, #tpu.memory_space<vmem>>)
      %dma_wait3A_814 = arith.constant 2 : i32
      %dma_wait3A_815 = arith.constant 0 : i32
      %dma_wait3A_816 = tpu.memref_slice %arg5[%dma_wait3A_814, %sub3A_645, %dma_wait3A_815] : memref<3x114x96xf32, #tpu.memory_space<vmem>> -> memref<1x113x96xf32, #tpu.memory_space<vmem>>
      %dma_wait3A_817 = tpu.memref_squeeze %dma_wait3A_816 : memref<1x113x96xf32, #tpu.memory_space<vmem>> -> memref<113x96xf32, #tpu.memory_space<vmem>>
      %dma_wait3A_818 = arith.constant 0 : i32
      %dma_wait3A_819 = tpu.memref_slice %arg2[%select_n3A, %add3A_673, %sub3A_643, %dma_wait3A_818] : memref<2x224x224x96xf32, #tpu.memory_space<hbm>> -> memref<1x1x113x96xf32, #tpu.memory_space<hbm>>
      %dma_wait3A_820 = tpu.memref_squeeze %dma_wait3A_819 : memref<1x1x113x96xf32, #tpu.memory_space<hbm>> -> memref<113x96xf32, #tpu.memory_space<hbm>>
      %dma_wait3A_821 = arith.constant 0 : i32
      %dma_wait3A_822 = tpu.memref_slice %arg5[%dma_wait3A_814, %sub3A_645, %dma_wait3A_821] : memref<3x114x96xf32, #tpu.memory_space<vmem>> -> memref<1x113x96xf32, #tpu.memory_space<vmem>>
      %dma_wait3A_823 = tpu.memref_squeeze %dma_wait3A_822 : memref<1x113x96xf32, #tpu.memory_space<vmem>> -> memref<113x96xf32, #tpu.memory_space<vmem>>
      %dma_wait3A_824 = arith.constant 0 : i32
      %dma_wait3A_825 = tpu.memref_slice %arg2[%select_n3A, %add3A_673, %sub3A_643, %dma_wait3A_824] : memref<2x224x224x96xf32, #tpu.memory_space<hbm>> -> memref<1x1x113x96xf32, #tpu.memory_space<hbm>>
      %dma_wait3A_826 = tpu.memref_squeeze %dma_wait3A_825 : memref<1x1x113x96xf32, #tpu.memory_space<hbm>> -> memref<113x96xf32, #tpu.memory_space<hbm>>
      tpu.wait_dma2 semaphore(%arg7 : memref<!tpu.dma_semaphore, #tpu.memory_space<semaphore_mem>>) src(%dma_wait3A_826 : memref<113x96xf32, #tpu.memory_space<hbm>>) dst(%dma_wait3A_823 : memref<113x96xf32, #tpu.memory_space<vmem>>)
      %jit3A_827 = arith.constant 448 : i32
      %div3A_828 = arith.divsi %add3A_587, %jit3A_827 : i32
      %sign3A_829 = arith.constant 0 : i32
      %sign3A_830 = arith.cmpi sgt, %add3A_587, %sign3A_829 : i32
      %sign3A_831 = arith.extui %sign3A_830 : i1 to i32
      %sign3A_832 = arith.constant 0 : i32
      %sign3A_833 = arith.cmpi slt, %add3A_587, %sign3A_832 : i32
      %sign3A_834 = arith.extui %sign3A_833 : i1 to i32
      %sign3A_835 = arith.subi %sign3A_831, %sign3A_834 : i32
      %sign3A_836 = arith.constant 0 : i32
      %sign3A_837 = arith.cmpi sgt, %jit3A_827, %sign3A_836 : i32
      %sign3A_838 = arith.extui %sign3A_837 : i1 to i32
      %sign3A_839 = arith.constant 0 : i32
      %sign3A_840 = arith.cmpi slt, %jit3A_827, %sign3A_839 : i32
      %sign3A_841 = arith.extui %sign3A_840 : i1 to i32
      %sign3A_842 = arith.subi %sign3A_838, %sign3A_841 : i32
      %ne3A_843 = arith.cmpi ne, %sign3A_835, %sign3A_842 : i32
      %rem3A_844 = arith.remsi %add3A_587, %jit3A_827 : i32
      %ne3A_845 = arith.constant 0 : i32
      %ne3A_846 = arith.cmpi ne, %rem3A_844, %ne3A_845 : i32
      %and3A_847 = arith.andi %ne3A_843, %ne3A_846 : i1
      %sub3A_848 = arith.constant 1 : i32
      %sub3A_849 = arith.subi %div3A_828, %sub3A_848 : i32
      %select_n3A_850 = arith.select %and3A_847, %sub3A_849, %div3A_828 : i32
      %mul3A_851 = arith.constant 448 : i32
      %mul3A_852 = arith.muli %select_n3A_850, %mul3A_851 : i32
      %sub3A_853 = arith.subi %add3A_587, %mul3A_852 : i32
      %jit3A_854 = arith.constant 2 : i32
      %div3A_855 = arith.divsi %sub3A_853, %jit3A_854 : i32
      %sign3A_856 = arith.constant 0 : i32
      %sign3A_857 = arith.cmpi sgt, %sub3A_853, %sign3A_856 : i32
      %sign3A_858 = arith.extui %sign3A_857 : i1 to i32
      %sign3A_859 = arith.constant 0 : i32
      %sign3A_860 = arith.cmpi slt, %sub3A_853, %sign3A_859 : i32
      %sign3A_861 = arith.extui %sign3A_860 : i1 to i32
      %sign3A_862 = arith.subi %sign3A_858, %sign3A_861 : i32
      %sign3A_863 = arith.constant 0 : i32
      %sign3A_864 = arith.cmpi sgt, %jit3A_854, %sign3A_863 : i32
      %sign3A_865 = arith.extui %sign3A_864 : i1 to i32
      %sign3A_866 = arith.constant 0 : i32
      %sign3A_867 = arith.cmpi slt, %jit3A_854, %sign3A_866 : i32
      %sign3A_868 = arith.extui %sign3A_867 : i1 to i32
      %sign3A_869 = arith.subi %sign3A_865, %sign3A_868 : i32
      %ne3A_870 = arith.cmpi ne, %sign3A_862, %sign3A_869 : i32
      %rem3A_871 = arith.remsi %sub3A_853, %jit3A_854 : i32
      %ne3A_872 = arith.constant 0 : i32
      %ne3A_873 = arith.cmpi ne, %rem3A_871, %ne3A_872 : i32
      %and3A_874 = arith.andi %ne3A_870, %ne3A_873 : i1
      %sub3A_875 = arith.constant 1 : i32
      %sub3A_876 = arith.subi %div3A_855, %sub3A_875 : i32
      %select_n3A_877 = arith.select %and3A_874, %sub3A_876, %div3A_855 : i32
      %mul3A_878 = arith.constant 2 : i32
      %mul3A_879 = arith.muli %select_n3A_877, %mul3A_878 : i32
      %sub3A_880 = arith.subi %sub3A_853, %mul3A_879 : i32
      %mul3A_881 = arith.constant 112 : i32
      %mul3A_882 = arith.muli %sub3A_880, %mul3A_881 : i32
      %dma_start3A_883 = arith.constant 0 : i32
      %dma_start3A_884 = arith.constant 0 : i32
      %dma_start3A_885 = arith.constant 0 : i32
      %dma_start3A_886 = tpu.memref_slice %arg5[%dma_start3A_883, %dma_start3A_884, %dma_start3A_885] : memref<3x114x96xf32, #tpu.memory_space<vmem>> -> memref<1x112x96xf32, #tpu.memory_space<vmem>>
      %dma_start3A_887 = tpu.memref_squeeze %dma_start3A_886 : memref<1x112x96xf32, #tpu.memory_space<vmem>> -> memref<112x96xf32, #tpu.memory_space<vmem>>
      %dma_start3A_888 = arith.constant 0 : i32
      %dma_start3A_889 = tpu.memref_slice %arg4[%select_n3A_850, %select_n3A_877, %mul3A_882, %dma_start3A_888] : memref<2x224x224x864xf32, #tpu.memory_space<hbm>> -> memref<1x1x112x96xf32, #tpu.memory_space<hbm>>
      %dma_start3A_890 = tpu.memref_squeeze %dma_start3A_889 : memref<1x1x112x96xf32, #tpu.memory_space<hbm>> -> memref<112x96xf32, #tpu.memory_space<hbm>>
      %dma_start3A_891 = arith.constant 0 : i32
      %dma_start3A_892 = tpu.memref_slice %arg4[%select_n3A_850, %select_n3A_877, %mul3A_882, %dma_start3A_891] : memref<2x224x224x864xf32, #tpu.memory_space<hbm>> -> memref<1x1x112x96xf32, #tpu.memory_space<hbm>>
      %dma_start3A_893 = tpu.memref_squeeze %dma_start3A_892 : memref<1x1x112x96xf32, #tpu.memory_space<hbm>> -> memref<112x96xf32, #tpu.memory_space<hbm>>
      %dma_start3A_894 = arith.constant 0 : i32
      %dma_start3A_895 = arith.constant 0 : i32
      %dma_start3A_896 = tpu.memref_slice %arg5[%dma_start3A_883, %dma_start3A_894, %dma_start3A_895] : memref<3x114x96xf32, #tpu.memory_space<vmem>> -> memref<1x112x96xf32, #tpu.memory_space<vmem>>
      %dma_start3A_897 = tpu.memref_squeeze %dma_start3A_896 : memref<1x112x96xf32, #tpu.memory_space<vmem>> -> memref<112x96xf32, #tpu.memory_space<vmem>>
      tpu.enqueue_dma source(%dma_start3A_897 : memref<112x96xf32, #tpu.memory_space<vmem>>) target(%dma_start3A_893 : memref<112x96xf32, #tpu.memory_space<hbm>>) target_semaphore(%arg9 : memref<!tpu.dma_semaphore, #tpu.memory_space<semaphore_mem>>)
      %dma_start3A_898 = arith.constant 0 : i32
      %dma_start3A_899 = arith.constant 1 : i32
      %dma_start3A_900 = arith.constant 0 : i32
      %dma_start3A_901 = tpu.memref_slice %arg5[%dma_start3A_898, %dma_start3A_899, %dma_start3A_900] : memref<3x114x96xf32, #tpu.memory_space<vmem>> -> memref<1x112x96xf32, #tpu.memory_space<vmem>>
      %dma_start3A_902 = tpu.memref_squeeze %dma_start3A_901 : memref<1x112x96xf32, #tpu.memory_space<vmem>> -> memref<112x96xf32, #tpu.memory_space<vmem>>
      %dma_start3A_903 = arith.constant 96 : i32
      %dma_start3A_904 = tpu.memref_slice %arg4[%select_n3A_850, %select_n3A_877, %mul3A_882, %dma_start3A_903] : memref<2x224x224x864xf32, #tpu.memory_space<hbm>> -> memref<1x1x112x96xf32, #tpu.memory_space<hbm>>
      %dma_start3A_905 = tpu.memref_squeeze %dma_start3A_904 : memref<1x1x112x96xf32, #tpu.memory_space<hbm>> -> memref<112x96xf32, #tpu.memory_space<hbm>>
      %dma_start3A_906 = arith.constant 96 : i32
      %dma_start3A_907 = tpu.memref_slice %arg4[%select_n3A_850, %select_n3A_877, %mul3A_882, %dma_start3A_906] : memref<2x224x224x864xf32, #tpu.memory_space<hbm>> -> memref<1x1x112x96xf32, #tpu.memory_space<hbm>>
      %dma_start3A_908 = tpu.memref_squeeze %dma_start3A_907 : memref<1x1x112x96xf32, #tpu.memory_space<hbm>> -> memref<112x96xf32, #tpu.memory_space<hbm>>
      %dma_start3A_909 = arith.constant 1 : i32
      %dma_start3A_910 = arith.constant 0 : i32
      %dma_start3A_911 = tpu.memref_slice %arg5[%dma_start3A_898, %dma_start3A_909, %dma_start3A_910] : memref<3x114x96xf32, #tpu.memory_space<vmem>> -> memref<1x112x96xf32, #tpu.memory_space<vmem>>
      %dma_start3A_912 = tpu.memref_squeeze %dma_start3A_911 : memref<1x112x96xf32, #tpu.memory_space<vmem>> -> memref<112x96xf32, #tpu.memory_space<vmem>>
      tpu.enqueue_dma source(%dma_start3A_912 : memref<112x96xf32, #tpu.memory_space<vmem>>) target(%dma_start3A_908 : memref<112x96xf32, #tpu.memory_space<hbm>>) target_semaphore(%arg9 : memref<!tpu.dma_semaphore, #tpu.memory_space<semaphore_mem>>)
      %dma_start3A_913 = arith.constant 0 : i32
      %dma_start3A_914 = arith.constant 2 : i32
      %dma_start3A_915 = arith.constant 0 : i32
      %dma_start3A_916 = tpu.memref_slice %arg5[%dma_start3A_913, %dma_start3A_914, %dma_start3A_915] : memref<3x114x96xf32, #tpu.memory_space<vmem>> -> memref<1x112x96xf32, #tpu.memory_space<vmem>>
      %dma_start3A_917 = tpu.memref_squeeze %dma_start3A_916 : memref<1x112x96xf32, #tpu.memory_space<vmem>> -> memref<112x96xf32, #tpu.memory_space<vmem>>
      %dma_start3A_918 = arith.constant 192 : i32
      %dma_start3A_919 = tpu.memref_slice %arg4[%select_n3A_850, %select_n3A_877, %mul3A_882, %dma_start3A_918] : memref<2x224x224x864xf32, #tpu.memory_space<hbm>> -> memref<1x1x112x96xf32, #tpu.memory_space<hbm>>
      %dma_start3A_920 = tpu.memref_squeeze %dma_start3A_919 : memref<1x1x112x96xf32, #tpu.memory_space<hbm>> -> memref<112x96xf32, #tpu.memory_space<hbm>>
      %dma_start3A_921 = arith.constant 192 : i32
      %dma_start3A_922 = tpu.memref_slice %arg4[%select_n3A_850, %select_n3A_877, %mul3A_882, %dma_start3A_921] : memref<2x224x224x864xf32, #tpu.memory_space<hbm>> -> memref<1x1x112x96xf32, #tpu.memory_space<hbm>>
      %dma_start3A_923 = tpu.memref_squeeze %dma_start3A_922 : memref<1x1x112x96xf32, #tpu.memory_space<hbm>> -> memref<112x96xf32, #tpu.memory_space<hbm>>
      %dma_start3A_924 = arith.constant 2 : i32
      %dma_start3A_925 = arith.constant 0 : i32
      %dma_start3A_926 = tpu.memref_slice %arg5[%dma_start3A_913, %dma_start3A_924, %dma_start3A_925] : memref<3x114x96xf32, #tpu.memory_space<vmem>> -> memref<1x112x96xf32, #tpu.memory_space<vmem>>
      %dma_start3A_927 = tpu.memref_squeeze %dma_start3A_926 : memref<1x112x96xf32, #tpu.memory_space<vmem>> -> memref<112x96xf32, #tpu.memory_space<vmem>>
      tpu.enqueue_dma source(%dma_start3A_927 : memref<112x96xf32, #tpu.memory_space<vmem>>) target(%dma_start3A_923 : memref<112x96xf32, #tpu.memory_space<hbm>>) target_semaphore(%arg9 : memref<!tpu.dma_semaphore, #tpu.memory_space<semaphore_mem>>)
      %dma_start3A_928 = arith.constant 1 : i32
      %dma_start3A_929 = arith.constant 0 : i32
      %dma_start3A_930 = arith.constant 0 : i32
      %dma_start3A_931 = tpu.memref_slice %arg5[%dma_start3A_928, %dma_start3A_929, %dma_start3A_930] : memref<3x114x96xf32, #tpu.memory_space<vmem>> -> memref<1x112x96xf32, #tpu.memory_space<vmem>>
      %dma_start3A_932 = tpu.memref_squeeze %dma_start3A_931 : memref<1x112x96xf32, #tpu.memory_space<vmem>> -> memref<112x96xf32, #tpu.memory_space<vmem>>
      %dma_start3A_933 = arith.constant 288 : i32
      %dma_start3A_934 = tpu.memref_slice %arg4[%select_n3A_850, %select_n3A_877, %mul3A_882, %dma_start3A_933] : memref<2x224x224x864xf32, #tpu.memory_space<hbm>> -> memref<1x1x112x96xf32, #tpu.memory_space<hbm>>
      %dma_start3A_935 = tpu.memref_squeeze %dma_start3A_934 : memref<1x1x112x96xf32, #tpu.memory_space<hbm>> -> memref<112x96xf32, #tpu.memory_space<hbm>>
      %dma_start3A_936 = arith.constant 288 : i32
      %dma_start3A_937 = tpu.memref_slice %arg4[%select_n3A_850, %select_n3A_877, %mul3A_882, %dma_start3A_936] : memref<2x224x224x864xf32, #tpu.memory_space<hbm>> -> memref<1x1x112x96xf32, #tpu.memory_space<hbm>>
      %dma_start3A_938 = tpu.memref_squeeze %dma_start3A_937 : memref<1x1x112x96xf32, #tpu.memory_space<hbm>> -> memref<112x96xf32, #tpu.memory_space<hbm>>
      %dma_start3A_939 = arith.constant 0 : i32
      %dma_start3A_940 = arith.constant 0 : i32
      %dma_start3A_941 = tpu.memref_slice %arg5[%dma_start3A_928, %dma_start3A_939, %dma_start3A_940] : memref<3x114x96xf32, #tpu.memory_space<vmem>> -> memref<1x112x96xf32, #tpu.memory_space<vmem>>
      %dma_start3A_942 = tpu.memref_squeeze %dma_start3A_941 : memref<1x112x96xf32, #tpu.memory_space<vmem>> -> memref<112x96xf32, #tpu.memory_space<vmem>>
      tpu.enqueue_dma source(%dma_start3A_942 : memref<112x96xf32, #tpu.memory_space<vmem>>) target(%dma_start3A_938 : memref<112x96xf32, #tpu.memory_space<hbm>>) target_semaphore(%arg9 : memref<!tpu.dma_semaphore, #tpu.memory_space<semaphore_mem>>)
      %dma_start3A_943 = arith.constant 1 : i32
      %dma_start3A_944 = arith.constant 1 : i32
      %dma_start3A_945 = arith.constant 0 : i32
      %dma_start3A_946 = tpu.memref_slice %arg5[%dma_start3A_943, %dma_start3A_944, %dma_start3A_945] : memref<3x114x96xf32, #tpu.memory_space<vmem>> -> memref<1x112x96xf32, #tpu.memory_space<vmem>>
      %dma_start3A_947 = tpu.memref_squeeze %dma_start3A_946 : memref<1x112x96xf32, #tpu.memory_space<vmem>> -> memref<112x96xf32, #tpu.memory_space<vmem>>
      %dma_start3A_948 = arith.constant 384 : i32
      %dma_start3A_949 = tpu.memref_slice %arg4[%select_n3A_850, %select_n3A_877, %mul3A_882, %dma_start3A_948] : memref<2x224x224x864xf32, #tpu.memory_space<hbm>> -> memref<1x1x112x96xf32, #tpu.memory_space<hbm>>
      %dma_start3A_950 = tpu.memref_squeeze %dma_start3A_949 : memref<1x1x112x96xf32, #tpu.memory_space<hbm>> -> memref<112x96xf32, #tpu.memory_space<hbm>>
      %dma_start3A_951 = arith.constant 384 : i32
      %dma_start3A_952 = tpu.memref_slice %arg4[%select_n3A_850, %select_n3A_877, %mul3A_882, %dma_start3A_951] : memref<2x224x224x864xf32, #tpu.memory_space<hbm>> -> memref<1x1x112x96xf32, #tpu.memory_space<hbm>>
      %dma_start3A_953 = tpu.memref_squeeze %dma_start3A_952 : memref<1x1x112x96xf32, #tpu.memory_space<hbm>> -> memref<112x96xf32, #tpu.memory_space<hbm>>
      %dma_start3A_954 = arith.constant 1 : i32
      %dma_start3A_955 = arith.constant 0 : i32
      %dma_start3A_956 = tpu.memref_slice %arg5[%dma_start3A_943, %dma_start3A_954, %dma_start3A_955] : memref<3x114x96xf32, #tpu.memory_space<vmem>> -> memref<1x112x96xf32, #tpu.memory_space<vmem>>
      %dma_start3A_957 = tpu.memref_squeeze %dma_start3A_956 : memref<1x112x96xf32, #tpu.memory_space<vmem>> -> memref<112x96xf32, #tpu.memory_space<vmem>>
      tpu.enqueue_dma source(%dma_start3A_957 : memref<112x96xf32, #tpu.memory_space<vmem>>) target(%dma_start3A_953 : memref<112x96xf32, #tpu.memory_space<hbm>>) target_semaphore(%arg9 : memref<!tpu.dma_semaphore, #tpu.memory_space<semaphore_mem>>)
      %dma_start3A_958 = arith.constant 1 : i32
      %dma_start3A_959 = arith.constant 2 : i32
      %dma_start3A_960 = arith.constant 0 : i32
      %dma_start3A_961 = tpu.memref_slice %arg5[%dma_start3A_958, %dma_start3A_959, %dma_start3A_960] : memref<3x114x96xf32, #tpu.memory_space<vmem>> -> memref<1x112x96xf32, #tpu.memory_space<vmem>>
      %dma_start3A_962 = tpu.memref_squeeze %dma_start3A_961 : memref<1x112x96xf32, #tpu.memory_space<vmem>> -> memref<112x96xf32, #tpu.memory_space<vmem>>
      %dma_start3A_963 = arith.constant 480 : i32
      %dma_start3A_964 = tpu.memref_slice %arg4[%select_n3A_850, %select_n3A_877, %mul3A_882, %dma_start3A_963] : memref<2x224x224x864xf32, #tpu.memory_space<hbm>> -> memref<1x1x112x96xf32, #tpu.memory_space<hbm>>
      %dma_start3A_965 = tpu.memref_squeeze %dma_start3A_964 : memref<1x1x112x96xf32, #tpu.memory_space<hbm>> -> memref<112x96xf32, #tpu.memory_space<hbm>>
      %dma_start3A_966 = arith.constant 480 : i32
      %dma_start3A_967 = tpu.memref_slice %arg4[%select_n3A_850, %select_n3A_877, %mul3A_882, %dma_start3A_966] : memref<2x224x224x864xf32, #tpu.memory_space<hbm>> -> memref<1x1x112x96xf32, #tpu.memory_space<hbm>>
      %dma_start3A_968 = tpu.memref_squeeze %dma_start3A_967 : memref<1x1x112x96xf32, #tpu.memory_space<hbm>> -> memref<112x96xf32, #tpu.memory_space<hbm>>
      %dma_start3A_969 = arith.constant 2 : i32
      %dma_start3A_970 = arith.constant 0 : i32
      %dma_start3A_971 = tpu.memref_slice %arg5[%dma_start3A_958, %dma_start3A_969, %dma_start3A_970] : memref<3x114x96xf32, #tpu.memory_space<vmem>> -> memref<1x112x96xf32, #tpu.memory_space<vmem>>
      %dma_start3A_972 = tpu.memref_squeeze %dma_start3A_971 : memref<1x112x96xf32, #tpu.memory_space<vmem>> -> memref<112x96xf32, #tpu.memory_space<vmem>>
      tpu.enqueue_dma source(%dma_start3A_972 : memref<112x96xf32, #tpu.memory_space<vmem>>) target(%dma_start3A_968 : memref<112x96xf32, #tpu.memory_space<hbm>>) target_semaphore(%arg9 : memref<!tpu.dma_semaphore, #tpu.memory_space<semaphore_mem>>)
      %dma_start3A_973 = arith.constant 2 : i32
      %dma_start3A_974 = arith.constant 0 : i32
      %dma_start3A_975 = arith.constant 0 : i32
      %dma_start3A_976 = tpu.memref_slice %arg5[%dma_start3A_973, %dma_start3A_974, %dma_start3A_975] : memref<3x114x96xf32, #tpu.memory_space<vmem>> -> memref<1x112x96xf32, #tpu.memory_space<vmem>>
      %dma_start3A_977 = tpu.memref_squeeze %dma_start3A_976 : memref<1x112x96xf32, #tpu.memory_space<vmem>> -> memref<112x96xf32, #tpu.memory_space<vmem>>
      %dma_start3A_978 = arith.constant 576 : i32
      %dma_start3A_979 = tpu.memref_slice %arg4[%select_n3A_850, %select_n3A_877, %mul3A_882, %dma_start3A_978] : memref<2x224x224x864xf32, #tpu.memory_space<hbm>> -> memref<1x1x112x96xf32, #tpu.memory_space<hbm>>
      %dma_start3A_980 = tpu.memref_squeeze %dma_start3A_979 : memref<1x1x112x96xf32, #tpu.memory_space<hbm>> -> memref<112x96xf32, #tpu.memory_space<hbm>>
      %dma_start3A_981 = arith.constant 576 : i32
      %dma_start3A_982 = tpu.memref_slice %arg4[%select_n3A_850, %select_n3A_877, %mul3A_882, %dma_start3A_981] : memref<2x224x224x864xf32, #tpu.memory_space<hbm>> -> memref<1x1x112x96xf32, #tpu.memory_space<hbm>>
      %dma_start3A_983 = tpu.memref_squeeze %dma_start3A_982 : memref<1x1x112x96xf32, #tpu.memory_space<hbm>> -> memref<112x96xf32, #tpu.memory_space<hbm>>
      %dma_start3A_984 = arith.constant 0 : i32
      %dma_start3A_985 = arith.constant 0 : i32
      %dma_start3A_986 = tpu.memref_slice %arg5[%dma_start3A_973, %dma_start3A_984, %dma_start3A_985] : memref<3x114x96xf32, #tpu.memory_space<vmem>> -> memref<1x112x96xf32, #tpu.memory_space<vmem>>
      %dma_start3A_987 = tpu.memref_squeeze %dma_start3A_986 : memref<1x112x96xf32, #tpu.memory_space<vmem>> -> memref<112x96xf32, #tpu.memory_space<vmem>>
      tpu.enqueue_dma source(%dma_start3A_987 : memref<112x96xf32, #tpu.memory_space<vmem>>) target(%dma_start3A_983 : memref<112x96xf32, #tpu.memory_space<hbm>>) target_semaphore(%arg9 : memref<!tpu.dma_semaphore, #tpu.memory_space<semaphore_mem>>)
      %dma_start3A_988 = arith.constant 2 : i32
      %dma_start3A_989 = arith.constant 1 : i32
      %dma_start3A_990 = arith.constant 0 : i32
      %dma_start3A_991 = tpu.memref_slice %arg5[%dma_start3A_988, %dma_start3A_989, %dma_start3A_990] : memref<3x114x96xf32, #tpu.memory_space<vmem>> -> memref<1x112x96xf32, #tpu.memory_space<vmem>>
      %dma_start3A_992 = tpu.memref_squeeze %dma_start3A_991 : memref<1x112x96xf32, #tpu.memory_space<vmem>> -> memref<112x96xf32, #tpu.memory_space<vmem>>
      %dma_start3A_993 = arith.constant 672 : i32
      %dma_start3A_994 = tpu.memref_slice %arg4[%select_n3A_850, %select_n3A_877, %mul3A_882, %dma_start3A_993] : memref<2x224x224x864xf32, #tpu.memory_space<hbm>> -> memref<1x1x112x96xf32, #tpu.memory_space<hbm>>
      %dma_start3A_995 = tpu.memref_squeeze %dma_start3A_994 : memref<1x1x112x96xf32, #tpu.memory_space<hbm>> -> memref<112x96xf32, #tpu.memory_space<hbm>>
      %dma_start3A_996 = arith.constant 672 : i32
      %dma_start3A_997 = tpu.memref_slice %arg4[%select_n3A_850, %select_n3A_877, %mul3A_882, %dma_start3A_996] : memref<2x224x224x864xf32, #tpu.memory_space<hbm>> -> memref<1x1x112x96xf32, #tpu.memory_space<hbm>>
      %dma_start3A_998 = tpu.memref_squeeze %dma_start3A_997 : memref<1x1x112x96xf32, #tpu.memory_space<hbm>> -> memref<112x96xf32, #tpu.memory_space<hbm>>
      %dma_start3A_999 = arith.constant 1 : i32
      %dma_start3A_1000 = arith.constant 0 : i32
      %dma_start3A_1001 = tpu.memref_slice %arg5[%dma_start3A_988, %dma_start3A_999, %dma_start3A_1000] : memref<3x114x96xf32, #tpu.memory_space<vmem>> -> memref<1x112x96xf32, #tpu.memory_space<vmem>>
      %dma_start3A_1002 = tpu.memref_squeeze %dma_start3A_1001 : memref<1x112x96xf32, #tpu.memory_space<vmem>> -> memref<112x96xf32, #tpu.memory_space<vmem>>
      tpu.enqueue_dma source(%dma_start3A_1002 : memref<112x96xf32, #tpu.memory_space<vmem>>) target(%dma_start3A_998 : memref<112x96xf32, #tpu.memory_space<hbm>>) target_semaphore(%arg9 : memref<!tpu.dma_semaphore, #tpu.memory_space<semaphore_mem>>)
      %dma_start3A_1003 = arith.constant 2 : i32
      %dma_start3A_1004 = arith.constant 2 : i32
      %dma_start3A_1005 = arith.constant 0 : i32
      %dma_start3A_1006 = tpu.memref_slice %arg5[%dma_start3A_1003, %dma_start3A_1004, %dma_start3A_1005] : memref<3x114x96xf32, #tpu.memory_space<vmem>> -> memref<1x112x96xf32, #tpu.memory_space<vmem>>
      %dma_start3A_1007 = tpu.memref_squeeze %dma_start3A_1006 : memref<1x112x96xf32, #tpu.memory_space<vmem>> -> memref<112x96xf32, #tpu.memory_space<vmem>>
      %dma_start3A_1008 = arith.constant 768 : i32
      %dma_start3A_1009 = tpu.memref_slice %arg4[%select_n3A_850, %select_n3A_877, %mul3A_882, %dma_start3A_1008] : memref<2x224x224x864xf32, #tpu.memory_space<hbm>> -> memref<1x1x112x96xf32, #tpu.memory_space<hbm>>
      %dma_start3A_1010 = tpu.memref_squeeze %dma_start3A_1009 : memref<1x1x112x96xf32, #tpu.memory_space<hbm>> -> memref<112x96xf32, #tpu.memory_space<hbm>>
      %dma_start3A_1011 = arith.constant 768 : i32
      %dma_start3A_1012 = tpu.memref_slice %arg4[%select_n3A_850, %select_n3A_877, %mul3A_882, %dma_start3A_1011] : memref<2x224x224x864xf32, #tpu.memory_space<hbm>> -> memref<1x1x112x96xf32, #tpu.memory_space<hbm>>
      %dma_start3A_1013 = tpu.memref_squeeze %dma_start3A_1012 : memref<1x1x112x96xf32, #tpu.memory_space<hbm>> -> memref<112x96xf32, #tpu.memory_space<hbm>>
      %dma_start3A_1014 = arith.constant 2 : i32
      %dma_start3A_1015 = arith.constant 0 : i32
      %dma_start3A_1016 = tpu.memref_slice %arg5[%dma_start3A_1003, %dma_start3A_1014, %dma_start3A_1015] : memref<3x114x96xf32, #tpu.memory_space<vmem>> -> memref<1x112x96xf32, #tpu.memory_space<vmem>>
      %dma_start3A_1017 = tpu.memref_squeeze %dma_start3A_1016 : memref<1x112x96xf32, #tpu.memory_space<vmem>> -> memref<112x96xf32, #tpu.memory_space<vmem>>
      tpu.enqueue_dma source(%dma_start3A_1017 : memref<112x96xf32, #tpu.memory_space<vmem>>) target(%dma_start3A_1013 : memref<112x96xf32, #tpu.memory_space<hbm>>) target_semaphore(%arg9 : memref<!tpu.dma_semaphore, #tpu.memory_space<semaphore_mem>>)
      %dma_wait3A_1018 = arith.constant 0 : i32
      %dma_wait3A_1019 = arith.constant 0 : i32
      %dma_wait3A_1020 = tpu.memref_slice %arg6[%dma_wait3A_1018, %sub3A_743, %dma_wait3A_1019] : memref<3x114x96xf32, #tpu.memory_space<vmem>> -> memref<1x113x96xf32, #tpu.memory_space<vmem>>
      %dma_wait3A_1021 = tpu.memref_squeeze %dma_wait3A_1020 : memref<1x113x96xf32, #tpu.memory_space<vmem>> -> memref<113x96xf32, #tpu.memory_space<vmem>>
      %dma_wait3A_1022 = arith.constant 0 : i32
      %dma_wait3A_1023 = tpu.memref_slice %arg2[%select_n3A_708, %add3A_747, %sub3A_741, %dma_wait3A_1022] : memref<2x224x224x96xf32, #tpu.memory_space<hbm>> -> memref<1x1x113x96xf32, #tpu.memory_space<hbm>>
      %dma_wait3A_1024 = tpu.memref_squeeze %dma_wait3A_1023 : memref<1x1x113x96xf32, #tpu.memory_space<hbm>> -> memref<113x96xf32, #tpu.memory_space<hbm>>
      %dma_wait3A_1025 = arith.constant 0 : i32
      %dma_wait3A_1026 = tpu.memref_slice %arg6[%dma_wait3A_1018, %sub3A_743, %dma_wait3A_1025] : memref<3x114x96xf32, #tpu.memory_space<vmem>> -> memref<1x113x96xf32, #tpu.memory_space<vmem>>
      %dma_wait3A_1027 = tpu.memref_squeeze %dma_wait3A_1026 : memref<1x113x96xf32, #tpu.memory_space<vmem>> -> memref<113x96xf32, #tpu.memory_space<vmem>>
      %dma_wait3A_1028 = arith.constant 0 : i32
      %dma_wait3A_1029 = tpu.memref_slice %arg2[%select_n3A_708, %add3A_747, %sub3A_741, %dma_wait3A_1028] : memref<2x224x224x96xf32, #tpu.memory_space<hbm>> -> memref<1x1x113x96xf32, #tpu.memory_space<hbm>>
      %dma_wait3A_1030 = tpu.memref_squeeze %dma_wait3A_1029 : memref<1x1x113x96xf32, #tpu.memory_space<hbm>> -> memref<113x96xf32, #tpu.memory_space<hbm>>
      tpu.wait_dma2 semaphore(%arg8 : memref<!tpu.dma_semaphore, #tpu.memory_space<semaphore_mem>>) src(%dma_wait3A_1030 : memref<113x96xf32, #tpu.memory_space<hbm>>) dst(%dma_wait3A_1027 : memref<113x96xf32, #tpu.memory_space<vmem>>)
      %dma_wait3A_1031 = arith.constant 1 : i32
      %dma_wait3A_1032 = arith.constant 0 : i32
      %dma_wait3A_1033 = tpu.memref_slice %arg6[%dma_wait3A_1031, %sub3A_743, %dma_wait3A_1032] : memref<3x114x96xf32, #tpu.memory_space<vmem>> -> memref<1x113x96xf32, #tpu.memory_space<vmem>>
      %dma_wait3A_1034 = tpu.memref_squeeze %dma_wait3A_1033 : memref<1x113x96xf32, #tpu.memory_space<vmem>> -> memref<113x96xf32, #tpu.memory_space<vmem>>
      %dma_wait3A_1035 = arith.constant 0 : i32
      %dma_wait3A_1036 = tpu.memref_slice %arg2[%select_n3A_708, %select_n3A_735, %sub3A_741, %dma_wait3A_1035] : memref<2x224x224x96xf32, #tpu.memory_space<hbm>> -> memref<1x1x113x96xf32, #tpu.memory_space<hbm>>
      %dma_wait3A_1037 = tpu.memref_squeeze %dma_wait3A_1036 : memref<1x1x113x96xf32, #tpu.memory_space<hbm>> -> memref<113x96xf32, #tpu.memory_space<hbm>>
      %dma_wait3A_1038 = arith.constant 0 : i32
      %dma_wait3A_1039 = tpu.memref_slice %arg6[%dma_wait3A_1031, %sub3A_743, %dma_wait3A_1038] : memref<3x114x96xf32, #tpu.memory_space<vmem>> -> memref<1x113x96xf32, #tpu.memory_space<vmem>>
      %dma_wait3A_1040 = tpu.memref_squeeze %dma_wait3A_1039 : memref<1x113x96xf32, #tpu.memory_space<vmem>> -> memref<113x96xf32, #tpu.memory_space<vmem>>
      %dma_wait3A_1041 = arith.constant 0 : i32
      %dma_wait3A_1042 = tpu.memref_slice %arg2[%select_n3A_708, %select_n3A_735, %sub3A_741, %dma_wait3A_1041] : memref<2x224x224x96xf32, #tpu.memory_space<hbm>> -> memref<1x1x113x96xf32, #tpu.memory_space<hbm>>
      %dma_wait3A_1043 = tpu.memref_squeeze %dma_wait3A_1042 : memref<1x1x113x96xf32, #tpu.memory_space<hbm>> -> memref<113x96xf32, #tpu.memory_space<hbm>>
      tpu.wait_dma2 semaphore(%arg8 : memref<!tpu.dma_semaphore, #tpu.memory_space<semaphore_mem>>) src(%dma_wait3A_1043 : memref<113x96xf32, #tpu.memory_space<hbm>>) dst(%dma_wait3A_1040 : memref<113x96xf32, #tpu.memory_space<vmem>>)
      %dma_wait3A_1044 = arith.constant 2 : i32
      %dma_wait3A_1045 = arith.constant 0 : i32
      %dma_wait3A_1046 = tpu.memref_slice %arg6[%dma_wait3A_1044, %sub3A_743, %dma_wait3A_1045] : memref<3x114x96xf32, #tpu.memory_space<vmem>> -> memref<1x113x96xf32, #tpu.memory_space<vmem>>
      %dma_wait3A_1047 = tpu.memref_squeeze %dma_wait3A_1046 : memref<1x113x96xf32, #tpu.memory_space<vmem>> -> memref<113x96xf32, #tpu.memory_space<vmem>>
      %dma_wait3A_1048 = arith.constant 0 : i32
      %dma_wait3A_1049 = tpu.memref_slice %arg2[%select_n3A_708, %add3A_776, %sub3A_741, %dma_wait3A_1048] : memref<2x224x224x96xf32, #tpu.memory_space<hbm>> -> memref<1x1x113x96xf32, #tpu.memory_space<hbm>>
      %dma_wait3A_1050 = tpu.memref_squeeze %dma_wait3A_1049 : memref<1x1x113x96xf32, #tpu.memory_space<hbm>> -> memref<113x96xf32, #tpu.memory_space<hbm>>
      %dma_wait3A_1051 = arith.constant 0 : i32
      %dma_wait3A_1052 = tpu.memref_slice %arg6[%dma_wait3A_1044, %sub3A_743, %dma_wait3A_1051] : memref<3x114x96xf32, #tpu.memory_space<vmem>> -> memref<1x113x96xf32, #tpu.memory_space<vmem>>
      %dma_wait3A_1053 = tpu.memref_squeeze %dma_wait3A_1052 : memref<1x113x96xf32, #tpu.memory_space<vmem>> -> memref<113x96xf32, #tpu.memory_space<vmem>>
      %dma_wait3A_1054 = arith.constant 0 : i32
      %dma_wait3A_1055 = tpu.memref_slice %arg2[%select_n3A_708, %add3A_776, %sub3A_741, %dma_wait3A_1054] : memref<2x224x224x96xf32, #tpu.memory_space<hbm>> -> memref<1x1x113x96xf32, #tpu.memory_space<hbm>>
      %dma_wait3A_1056 = tpu.memref_squeeze %dma_wait3A_1055 : memref<1x1x113x96xf32, #tpu.memory_space<hbm>> -> memref<113x96xf32, #tpu.memory_space<hbm>>
      tpu.wait_dma2 semaphore(%arg8 : memref<!tpu.dma_semaphore, #tpu.memory_space<semaphore_mem>>) src(%dma_wait3A_1056 : memref<113x96xf32, #tpu.memory_space<hbm>>) dst(%dma_wait3A_1053 : memref<113x96xf32, #tpu.memory_space<vmem>>)
      %jit3A_1057 = arith.constant 448 : i32
      %div3A_1058 = arith.divsi %add3A_594, %jit3A_1057 : i32
      %sign3A_1059 = arith.constant 0 : i32
      %sign3A_1060 = arith.cmpi sgt, %add3A_594, %sign3A_1059 : i32
      %sign3A_1061 = arith.extui %sign3A_1060 : i1 to i32
      %sign3A_1062 = arith.constant 0 : i32
      %sign3A_1063 = arith.cmpi slt, %add3A_594, %sign3A_1062 : i32
      %sign3A_1064 = arith.extui %sign3A_1063 : i1 to i32
      %sign3A_1065 = arith.subi %sign3A_1061, %sign3A_1064 : i32
      %sign3A_1066 = arith.constant 0 : i32
      %sign3A_1067 = arith.cmpi sgt, %jit3A_1057, %sign3A_1066 : i32
      %sign3A_1068 = arith.extui %sign3A_1067 : i1 to i32
      %sign3A_1069 = arith.constant 0 : i32
      %sign3A_1070 = arith.cmpi slt, %jit3A_1057, %sign3A_1069 : i32
      %sign3A_1071 = arith.extui %sign3A_1070 : i1 to i32
      %sign3A_1072 = arith.subi %sign3A_1068, %sign3A_1071 : i32
      %ne3A_1073 = arith.cmpi ne, %sign3A_1065, %sign3A_1072 : i32
      %rem3A_1074 = arith.remsi %add3A_594, %jit3A_1057 : i32
      %ne3A_1075 = arith.constant 0 : i32
      %ne3A_1076 = arith.cmpi ne, %rem3A_1074, %ne3A_1075 : i32
      %and3A_1077 = arith.andi %ne3A_1073, %ne3A_1076 : i1
      %sub3A_1078 = arith.constant 1 : i32
      %sub3A_1079 = arith.subi %div3A_1058, %sub3A_1078 : i32
      %select_n3A_1080 = arith.select %and3A_1077, %sub3A_1079, %div3A_1058 : i32
      %mul3A_1081 = arith.constant 448 : i32
      %mul3A_1082 = arith.muli %select_n3A_1080, %mul3A_1081 : i32
      %sub3A_1083 = arith.subi %add3A_594, %mul3A_1082 : i32
      %jit3A_1084 = arith.constant 2 : i32
      %div3A_1085 = arith.divsi %sub3A_1083, %jit3A_1084 : i32
      %sign3A_1086 = arith.constant 0 : i32
      %sign3A_1087 = arith.cmpi sgt, %sub3A_1083, %sign3A_1086 : i32
      %sign3A_1088 = arith.extui %sign3A_1087 : i1 to i32
      %sign3A_1089 = arith.constant 0 : i32
      %sign3A_1090 = arith.cmpi slt, %sub3A_1083, %sign3A_1089 : i32
      %sign3A_1091 = arith.extui %sign3A_1090 : i1 to i32
      %sign3A_1092 = arith.subi %sign3A_1088, %sign3A_1091 : i32
      %sign3A_1093 = arith.constant 0 : i32
      %sign3A_1094 = arith.cmpi sgt, %jit3A_1084, %sign3A_1093 : i32
      %sign3A_1095 = arith.extui %sign3A_1094 : i1 to i32
      %sign3A_1096 = arith.constant 0 : i32
      %sign3A_1097 = arith.cmpi slt, %jit3A_1084, %sign3A_1096 : i32
      %sign3A_1098 = arith.extui %sign3A_1097 : i1 to i32
      %sign3A_1099 = arith.subi %sign3A_1095, %sign3A_1098 : i32
      %ne3A_1100 = arith.cmpi ne, %sign3A_1092, %sign3A_1099 : i32
      %rem3A_1101 = arith.remsi %sub3A_1083, %jit3A_1084 : i32
      %ne3A_1102 = arith.constant 0 : i32
      %ne3A_1103 = arith.cmpi ne, %rem3A_1101, %ne3A_1102 : i32
      %and3A_1104 = arith.andi %ne3A_1100, %ne3A_1103 : i1
      %sub3A_1105 = arith.constant 1 : i32
      %sub3A_1106 = arith.subi %div3A_1085, %sub3A_1105 : i32
      %select_n3A_1107 = arith.select %and3A_1104, %sub3A_1106, %div3A_1085 : i32
      %mul3A_1108 = arith.constant 2 : i32
      %mul3A_1109 = arith.muli %select_n3A_1107, %mul3A_1108 : i32
      %sub3A_1110 = arith.subi %sub3A_1083, %mul3A_1109 : i32
      %mul3A_1111 = arith.constant 112 : i32
      %mul3A_1112 = arith.muli %sub3A_1110, %mul3A_1111 : i32
      %dma_start3A_1113 = arith.constant 0 : i32
      %dma_start3A_1114 = arith.constant 0 : i32
      %dma_start3A_1115 = arith.constant 0 : i32
      %dma_start3A_1116 = tpu.memref_slice %arg6[%dma_start3A_1113, %dma_start3A_1114, %dma_start3A_1115] : memref<3x114x96xf32, #tpu.memory_space<vmem>> -> memref<1x112x96xf32, #tpu.memory_space<vmem>>
      %dma_start3A_1117 = tpu.memref_squeeze %dma_start3A_1116 : memref<1x112x96xf32, #tpu.memory_space<vmem>> -> memref<112x96xf32, #tpu.memory_space<vmem>>
      %dma_start3A_1118 = arith.constant 0 : i32
      %dma_start3A_1119 = tpu.memref_slice %arg4[%select_n3A_1080, %select_n3A_1107, %mul3A_1112, %dma_start3A_1118] : memref<2x224x224x864xf32, #tpu.memory_space<hbm>> -> memref<1x1x112x96xf32, #tpu.memory_space<hbm>>
      %dma_start3A_1120 = tpu.memref_squeeze %dma_start3A_1119 : memref<1x1x112x96xf32, #tpu.memory_space<hbm>> -> memref<112x96xf32, #tpu.memory_space<hbm>>
      %dma_start3A_1121 = arith.constant 0 : i32
      %dma_start3A_1122 = tpu.memref_slice %arg4[%select_n3A_1080, %select_n3A_1107, %mul3A_1112, %dma_start3A_1121] : memref<2x224x224x864xf32, #tpu.memory_space<hbm>> -> memref<1x1x112x96xf32, #tpu.memory_space<hbm>>
      %dma_start3A_1123 = tpu.memref_squeeze %dma_start3A_1122 : memref<1x1x112x96xf32, #tpu.memory_space<hbm>> -> memref<112x96xf32, #tpu.memory_space<hbm>>
      %dma_start3A_1124 = arith.constant 0 : i32
      %dma_start3A_1125 = arith.constant 0 : i32
      %dma_start3A_1126 = tpu.memref_slice %arg6[%dma_start3A_1113, %dma_start3A_1124, %dma_start3A_1125] : memref<3x114x96xf32, #tpu.memory_space<vmem>> -> memref<1x112x96xf32, #tpu.memory_space<vmem>>
      %dma_start3A_1127 = tpu.memref_squeeze %dma_start3A_1126 : memref<1x112x96xf32, #tpu.memory_space<vmem>> -> memref<112x96xf32, #tpu.memory_space<vmem>>
      tpu.enqueue_dma source(%dma_start3A_1127 : memref<112x96xf32, #tpu.memory_space<vmem>>) target(%dma_start3A_1123 : memref<112x96xf32, #tpu.memory_space<hbm>>) target_semaphore(%arg10 : memref<!tpu.dma_semaphore, #tpu.memory_space<semaphore_mem>>)
      %dma_start3A_1128 = arith.constant 0 : i32
      %dma_start3A_1129 = arith.constant 1 : i32
      %dma_start3A_1130 = arith.constant 0 : i32
      %dma_start3A_1131 = tpu.memref_slice %arg6[%dma_start3A_1128, %dma_start3A_1129, %dma_start3A_1130] : memref<3x114x96xf32, #tpu.memory_space<vmem>> -> memref<1x112x96xf32, #tpu.memory_space<vmem>>
      %dma_start3A_1132 = tpu.memref_squeeze %dma_start3A_1131 : memref<1x112x96xf32, #tpu.memory_space<vmem>> -> memref<112x96xf32, #tpu.memory_space<vmem>>
      %dma_start3A_1133 = arith.constant 96 : i32
      %dma_start3A_1134 = tpu.memref_slice %arg4[%select_n3A_1080, %select_n3A_1107, %mul3A_1112, %dma_start3A_1133] : memref<2x224x224x864xf32, #tpu.memory_space<hbm>> -> memref<1x1x112x96xf32, #tpu.memory_space<hbm>>
      %dma_start3A_1135 = tpu.memref_squeeze %dma_start3A_1134 : memref<1x1x112x96xf32, #tpu.memory_space<hbm>> -> memref<112x96xf32, #tpu.memory_space<hbm>>
      %dma_start3A_1136 = arith.constant 96 : i32
      %dma_start3A_1137 = tpu.memref_slice %arg4[%select_n3A_1080, %select_n3A_1107, %mul3A_1112, %dma_start3A_1136] : memref<2x224x224x864xf32, #tpu.memory_space<hbm>> -> memref<1x1x112x96xf32, #tpu.memory_space<hbm>>
      %dma_start3A_1138 = tpu.memref_squeeze %dma_start3A_1137 : memref<1x1x112x96xf32, #tpu.memory_space<hbm>> -> memref<112x96xf32, #tpu.memory_space<hbm>>
      %dma_start3A_1139 = arith.constant 1 : i32
      %dma_start3A_1140 = arith.constant 0 : i32
      %dma_start3A_1141 = tpu.memref_slice %arg6[%dma_start3A_1128, %dma_start3A_1139, %dma_start3A_1140] : memref<3x114x96xf32, #tpu.memory_space<vmem>> -> memref<1x112x96xf32, #tpu.memory_space<vmem>>
      %dma_start3A_1142 = tpu.memref_squeeze %dma_start3A_1141 : memref<1x112x96xf32, #tpu.memory_space<vmem>> -> memref<112x96xf32, #tpu.memory_space<vmem>>
      tpu.enqueue_dma source(%dma_start3A_1142 : memref<112x96xf32, #tpu.memory_space<vmem>>) target(%dma_start3A_1138 : memref<112x96xf32, #tpu.memory_space<hbm>>) target_semaphore(%arg10 : memref<!tpu.dma_semaphore, #tpu.memory_space<semaphore_mem>>)
      %dma_start3A_1143 = arith.constant 0 : i32
      %dma_start3A_1144 = arith.constant 2 : i32
      %dma_start3A_1145 = arith.constant 0 : i32
      %dma_start3A_1146 = tpu.memref_slice %arg6[%dma_start3A_1143, %dma_start3A_1144, %dma_start3A_1145] : memref<3x114x96xf32, #tpu.memory_space<vmem>> -> memref<1x112x96xf32, #tpu.memory_space<vmem>>
      %dma_start3A_1147 = tpu.memref_squeeze %dma_start3A_1146 : memref<1x112x96xf32, #tpu.memory_space<vmem>> -> memref<112x96xf32, #tpu.memory_space<vmem>>
      %dma_start3A_1148 = arith.constant 192 : i32
      %dma_start3A_1149 = tpu.memref_slice %arg4[%select_n3A_1080, %select_n3A_1107, %mul3A_1112, %dma_start3A_1148] : memref<2x224x224x864xf32, #tpu.memory_space<hbm>> -> memref<1x1x112x96xf32, #tpu.memory_space<hbm>>
      %dma_start3A_1150 = tpu.memref_squeeze %dma_start3A_1149 : memref<1x1x112x96xf32, #tpu.memory_space<hbm>> -> memref<112x96xf32, #tpu.memory_space<hbm>>
      %dma_start3A_1151 = arith.constant 192 : i32
      %dma_start3A_1152 = tpu.memref_slice %arg4[%select_n3A_1080, %select_n3A_1107, %mul3A_1112, %dma_start3A_1151] : memref<2x224x224x864xf32, #tpu.memory_space<hbm>> -> memref<1x1x112x96xf32, #tpu.memory_space<hbm>>
      %dma_start3A_1153 = tpu.memref_squeeze %dma_start3A_1152 : memref<1x1x112x96xf32, #tpu.memory_space<hbm>> -> memref<112x96xf32, #tpu.memory_space<hbm>>
      %dma_start3A_1154 = arith.constant 2 : i32
      %dma_start3A_1155 = arith.constant 0 : i32
      %dma_start3A_1156 = tpu.memref_slice %arg6[%dma_start3A_1143, %dma_start3A_1154, %dma_start3A_1155] : memref<3x114x96xf32, #tpu.memory_space<vmem>> -> memref<1x112x96xf32, #tpu.memory_space<vmem>>
      %dma_start3A_1157 = tpu.memref_squeeze %dma_start3A_1156 : memref<1x112x96xf32, #tpu.memory_space<vmem>> -> memref<112x96xf32, #tpu.memory_space<vmem>>
      tpu.enqueue_dma source(%dma_start3A_1157 : memref<112x96xf32, #tpu.memory_space<vmem>>) target(%dma_start3A_1153 : memref<112x96xf32, #tpu.memory_space<hbm>>) target_semaphore(%arg10 : memref<!tpu.dma_semaphore, #tpu.memory_space<semaphore_mem>>)
      %dma_start3A_1158 = arith.constant 1 : i32
      %dma_start3A_1159 = arith.constant 0 : i32
      %dma_start3A_1160 = arith.constant 0 : i32
      %dma_start3A_1161 = tpu.memref_slice %arg6[%dma_start3A_1158, %dma_start3A_1159, %dma_start3A_1160] : memref<3x114x96xf32, #tpu.memory_space<vmem>> -> memref<1x112x96xf32, #tpu.memory_space<vmem>>
      %dma_start3A_1162 = tpu.memref_squeeze %dma_start3A_1161 : memref<1x112x96xf32, #tpu.memory_space<vmem>> -> memref<112x96xf32, #tpu.memory_space<vmem>>
      %dma_start3A_1163 = arith.constant 288 : i32
      %dma_start3A_1164 = tpu.memref_slice %arg4[%select_n3A_1080, %select_n3A_1107, %mul3A_1112, %dma_start3A_1163] : memref<2x224x224x864xf32, #tpu.memory_space<hbm>> -> memref<1x1x112x96xf32, #tpu.memory_space<hbm>>
      %dma_start3A_1165 = tpu.memref_squeeze %dma_start3A_1164 : memref<1x1x112x96xf32, #tpu.memory_space<hbm>> -> memref<112x96xf32, #tpu.memory_space<hbm>>
      %dma_start3A_1166 = arith.constant 288 : i32
      %dma_start3A_1167 = tpu.memref_slice %arg4[%select_n3A_1080, %select_n3A_1107, %mul3A_1112, %dma_start3A_1166] : memref<2x224x224x864xf32, #tpu.memory_space<hbm>> -> memref<1x1x112x96xf32, #tpu.memory_space<hbm>>
      %dma_start3A_1168 = tpu.memref_squeeze %dma_start3A_1167 : memref<1x1x112x96xf32, #tpu.memory_space<hbm>> -> memref<112x96xf32, #tpu.memory_space<hbm>>
      %dma_start3A_1169 = arith.constant 0 : i32
      %dma_start3A_1170 = arith.constant 0 : i32
      %dma_start3A_1171 = tpu.memref_slice %arg6[%dma_start3A_1158, %dma_start3A_1169, %dma_start3A_1170] : memref<3x114x96xf32, #tpu.memory_space<vmem>> -> memref<1x112x96xf32, #tpu.memory_space<vmem>>
      %dma_start3A_1172 = tpu.memref_squeeze %dma_start3A_1171 : memref<1x112x96xf32, #tpu.memory_space<vmem>> -> memref<112x96xf32, #tpu.memory_space<vmem>>
      tpu.enqueue_dma source(%dma_start3A_1172 : memref<112x96xf32, #tpu.memory_space<vmem>>) target(%dma_start3A_1168 : memref<112x96xf32, #tpu.memory_space<hbm>>) target_semaphore(%arg10 : memref<!tpu.dma_semaphore, #tpu.memory_space<semaphore_mem>>)
      %dma_start3A_1173 = arith.constant 1 : i32
      %dma_start3A_1174 = arith.constant 1 : i32
      %dma_start3A_1175 = arith.constant 0 : i32
      %dma_start3A_1176 = tpu.memref_slice %arg6[%dma_start3A_1173, %dma_start3A_1174, %dma_start3A_1175] : memref<3x114x96xf32, #tpu.memory_space<vmem>> -> memref<1x112x96xf32, #tpu.memory_space<vmem>>
      %dma_start3A_1177 = tpu.memref_squeeze %dma_start3A_1176 : memref<1x112x96xf32, #tpu.memory_space<vmem>> -> memref<112x96xf32, #tpu.memory_space<vmem>>
      %dma_start3A_1178 = arith.constant 384 : i32
      %dma_start3A_1179 = tpu.memref_slice %arg4[%select_n3A_1080, %select_n3A_1107, %mul3A_1112, %dma_start3A_1178] : memref<2x224x224x864xf32, #tpu.memory_space<hbm>> -> memref<1x1x112x96xf32, #tpu.memory_space<hbm>>
      %dma_start3A_1180 = tpu.memref_squeeze %dma_start3A_1179 : memref<1x1x112x96xf32, #tpu.memory_space<hbm>> -> memref<112x96xf32, #tpu.memory_space<hbm>>
      %dma_start3A_1181 = arith.constant 384 : i32
      %dma_start3A_1182 = tpu.memref_slice %arg4[%select_n3A_1080, %select_n3A_1107, %mul3A_1112, %dma_start3A_1181] : memref<2x224x224x864xf32, #tpu.memory_space<hbm>> -> memref<1x1x112x96xf32, #tpu.memory_space<hbm>>
      %dma_start3A_1183 = tpu.memref_squeeze %dma_start3A_1182 : memref<1x1x112x96xf32, #tpu.memory_space<hbm>> -> memref<112x96xf32, #tpu.memory_space<hbm>>
      %dma_start3A_1184 = arith.constant 1 : i32
      %dma_start3A_1185 = arith.constant 0 : i32
      %dma_start3A_1186 = tpu.memref_slice %arg6[%dma_start3A_1173, %dma_start3A_1184, %dma_start3A_1185] : memref<3x114x96xf32, #tpu.memory_space<vmem>> -> memref<1x112x96xf32, #tpu.memory_space<vmem>>
      %dma_start3A_1187 = tpu.memref_squeeze %dma_start3A_1186 : memref<1x112x96xf32, #tpu.memory_space<vmem>> -> memref<112x96xf32, #tpu.memory_space<vmem>>
      tpu.enqueue_dma source(%dma_start3A_1187 : memref<112x96xf32, #tpu.memory_space<vmem>>) target(%dma_start3A_1183 : memref<112x96xf32, #tpu.memory_space<hbm>>) target_semaphore(%arg10 : memref<!tpu.dma_semaphore, #tpu.memory_space<semaphore_mem>>)
      %dma_start3A_1188 = arith.constant 1 : i32
      %dma_start3A_1189 = arith.constant 2 : i32
      %dma_start3A_1190 = arith.constant 0 : i32
      %dma_start3A_1191 = tpu.memref_slice %arg6[%dma_start3A_1188, %dma_start3A_1189, %dma_start3A_1190] : memref<3x114x96xf32, #tpu.memory_space<vmem>> -> memref<1x112x96xf32, #tpu.memory_space<vmem>>
      %dma_start3A_1192 = tpu.memref_squeeze %dma_start3A_1191 : memref<1x112x96xf32, #tpu.memory_space<vmem>> -> memref<112x96xf32, #tpu.memory_space<vmem>>
      %dma_start3A_1193 = arith.constant 480 : i32
      %dma_start3A_1194 = tpu.memref_slice %arg4[%select_n3A_1080, %select_n3A_1107, %mul3A_1112, %dma_start3A_1193] : memref<2x224x224x864xf32, #tpu.memory_space<hbm>> -> memref<1x1x112x96xf32, #tpu.memory_space<hbm>>
      %dma_start3A_1195 = tpu.memref_squeeze %dma_start3A_1194 : memref<1x1x112x96xf32, #tpu.memory_space<hbm>> -> memref<112x96xf32, #tpu.memory_space<hbm>>
      %dma_start3A_1196 = arith.constant 480 : i32
      %dma_start3A_1197 = tpu.memref_slice %arg4[%select_n3A_1080, %select_n3A_1107, %mul3A_1112, %dma_start3A_1196] : memref<2x224x224x864xf32, #tpu.memory_space<hbm>> -> memref<1x1x112x96xf32, #tpu.memory_space<hbm>>
      %dma_start3A_1198 = tpu.memref_squeeze %dma_start3A_1197 : memref<1x1x112x96xf32, #tpu.memory_space<hbm>> -> memref<112x96xf32, #tpu.memory_space<hbm>>
      %dma_start3A_1199 = arith.constant 2 : i32
      %dma_start3A_1200 = arith.constant 0 : i32
      %dma_start3A_1201 = tpu.memref_slice %arg6[%dma_start3A_1188, %dma_start3A_1199, %dma_start3A_1200] : memref<3x114x96xf32, #tpu.memory_space<vmem>> -> memref<1x112x96xf32, #tpu.memory_space<vmem>>
      %dma_start3A_1202 = tpu.memref_squeeze %dma_start3A_1201 : memref<1x112x96xf32, #tpu.memory_space<vmem>> -> memref<112x96xf32, #tpu.memory_space<vmem>>
      tpu.enqueue_dma source(%dma_start3A_1202 : memref<112x96xf32, #tpu.memory_space<vmem>>) target(%dma_start3A_1198 : memref<112x96xf32, #tpu.memory_space<hbm>>) target_semaphore(%arg10 : memref<!tpu.dma_semaphore, #tpu.memory_space<semaphore_mem>>)
      %dma_start3A_1203 = arith.constant 2 : i32
      %dma_start3A_1204 = arith.constant 0 : i32
      %dma_start3A_1205 = arith.constant 0 : i32
      %dma_start3A_1206 = tpu.memref_slice %arg6[%dma_start3A_1203, %dma_start3A_1204, %dma_start3A_1205] : memref<3x114x96xf32, #tpu.memory_space<vmem>> -> memref<1x112x96xf32, #tpu.memory_space<vmem>>
      %dma_start3A_1207 = tpu.memref_squeeze %dma_start3A_1206 : memref<1x112x96xf32, #tpu.memory_space<vmem>> -> memref<112x96xf32, #tpu.memory_space<vmem>>
      %dma_start3A_1208 = arith.constant 576 : i32
      %dma_start3A_1209 = tpu.memref_slice %arg4[%select_n3A_1080, %select_n3A_1107, %mul3A_1112, %dma_start3A_1208] : memref<2x224x224x864xf32, #tpu.memory_space<hbm>> -> memref<1x1x112x96xf32, #tpu.memory_space<hbm>>
      %dma_start3A_1210 = tpu.memref_squeeze %dma_start3A_1209 : memref<1x1x112x96xf32, #tpu.memory_space<hbm>> -> memref<112x96xf32, #tpu.memory_space<hbm>>
      %dma_start3A_1211 = arith.constant 576 : i32
      %dma_start3A_1212 = tpu.memref_slice %arg4[%select_n3A_1080, %select_n3A_1107, %mul3A_1112, %dma_start3A_1211] : memref<2x224x224x864xf32, #tpu.memory_space<hbm>> -> memref<1x1x112x96xf32, #tpu.memory_space<hbm>>
      %dma_start3A_1213 = tpu.memref_squeeze %dma_start3A_1212 : memref<1x1x112x96xf32, #tpu.memory_space<hbm>> -> memref<112x96xf32, #tpu.memory_space<hbm>>
      %dma_start3A_1214 = arith.constant 0 : i32
      %dma_start3A_1215 = arith.constant 0 : i32
      %dma_start3A_1216 = tpu.memref_slice %arg6[%dma_start3A_1203, %dma_start3A_1214, %dma_start3A_1215] : memref<3x114x96xf32, #tpu.memory_space<vmem>> -> memref<1x112x96xf32, #tpu.memory_space<vmem>>
      %dma_start3A_1217 = tpu.memref_squeeze %dma_start3A_1216 : memref<1x112x96xf32, #tpu.memory_space<vmem>> -> memref<112x96xf32, #tpu.memory_space<vmem>>
      tpu.enqueue_dma source(%dma_start3A_1217 : memref<112x96xf32, #tpu.memory_space<vmem>>) target(%dma_start3A_1213 : memref<112x96xf32, #tpu.memory_space<hbm>>) target_semaphore(%arg10 : memref<!tpu.dma_semaphore, #tpu.memory_space<semaphore_mem>>)
      %dma_start3A_1218 = arith.constant 2 : i32
      %dma_start3A_1219 = arith.constant 1 : i32
      %dma_start3A_1220 = arith.constant 0 : i32
      %dma_start3A_1221 = tpu.memref_slice %arg6[%dma_start3A_1218, %dma_start3A_1219, %dma_start3A_1220] : memref<3x114x96xf32, #tpu.memory_space<vmem>> -> memref<1x112x96xf32, #tpu.memory_space<vmem>>
      %dma_start3A_1222 = tpu.memref_squeeze %dma_start3A_1221 : memref<1x112x96xf32, #tpu.memory_space<vmem>> -> memref<112x96xf32, #tpu.memory_space<vmem>>
      %dma_start3A_1223 = arith.constant 672 : i32
      %dma_start3A_1224 = tpu.memref_slice %arg4[%select_n3A_1080, %select_n3A_1107, %mul3A_1112, %dma_start3A_1223] : memref<2x224x224x864xf32, #tpu.memory_space<hbm>> -> memref<1x1x112x96xf32, #tpu.memory_space<hbm>>
      %dma_start3A_1225 = tpu.memref_squeeze %dma_start3A_1224 : memref<1x1x112x96xf32, #tpu.memory_space<hbm>> -> memref<112x96xf32, #tpu.memory_space<hbm>>
      %dma_start3A_1226 = arith.constant 672 : i32
      %dma_start3A_1227 = tpu.memref_slice %arg4[%select_n3A_1080, %select_n3A_1107, %mul3A_1112, %dma_start3A_1226] : memref<2x224x224x864xf32, #tpu.memory_space<hbm>> -> memref<1x1x112x96xf32, #tpu.memory_space<hbm>>
      %dma_start3A_1228 = tpu.memref_squeeze %dma_start3A_1227 : memref<1x1x112x96xf32, #tpu.memory_space<hbm>> -> memref<112x96xf32, #tpu.memory_space<hbm>>
      %dma_start3A_1229 = arith.constant 1 : i32
      %dma_start3A_1230 = arith.constant 0 : i32
      %dma_start3A_1231 = tpu.memref_slice %arg6[%dma_start3A_1218, %dma_start3A_1229, %dma_start3A_1230] : memref<3x114x96xf32, #tpu.memory_space<vmem>> -> memref<1x112x96xf32, #tpu.memory_space<vmem>>
      %dma_start3A_1232 = tpu.memref_squeeze %dma_start3A_1231 : memref<1x112x96xf32, #tpu.memory_space<vmem>> -> memref<112x96xf32, #tpu.memory_space<vmem>>
      tpu.enqueue_dma source(%dma_start3A_1232 : memref<112x96xf32, #tpu.memory_space<vmem>>) target(%dma_start3A_1228 : memref<112x96xf32, #tpu.memory_space<hbm>>) target_semaphore(%arg10 : memref<!tpu.dma_semaphore, #tpu.memory_space<semaphore_mem>>)
      %dma_start3A_1233 = arith.constant 2 : i32
      %dma_start3A_1234 = arith.constant 2 : i32
      %dma_start3A_1235 = arith.constant 0 : i32
      %dma_start3A_1236 = tpu.memref_slice %arg6[%dma_start3A_1233, %dma_start3A_1234, %dma_start3A_1235] : memref<3x114x96xf32, #tpu.memory_space<vmem>> -> memref<1x112x96xf32, #tpu.memory_space<vmem>>
      %dma_start3A_1237 = tpu.memref_squeeze %dma_start3A_1236 : memref<1x112x96xf32, #tpu.memory_space<vmem>> -> memref<112x96xf32, #tpu.memory_space<vmem>>
      %dma_start3A_1238 = arith.constant 768 : i32
      %dma_start3A_1239 = tpu.memref_slice %arg4[%select_n3A_1080, %select_n3A_1107, %mul3A_1112, %dma_start3A_1238] : memref<2x224x224x864xf32, #tpu.memory_space<hbm>> -> memref<1x1x112x96xf32, #tpu.memory_space<hbm>>
      %dma_start3A_1240 = tpu.memref_squeeze %dma_start3A_1239 : memref<1x1x112x96xf32, #tpu.memory_space<hbm>> -> memref<112x96xf32, #tpu.memory_space<hbm>>
      %dma_start3A_1241 = arith.constant 768 : i32
      %dma_start3A_1242 = tpu.memref_slice %arg4[%select_n3A_1080, %select_n3A_1107, %mul3A_1112, %dma_start3A_1241] : memref<2x224x224x864xf32, #tpu.memory_space<hbm>> -> memref<1x1x112x96xf32, #tpu.memory_space<hbm>>
      %dma_start3A_1243 = tpu.memref_squeeze %dma_start3A_1242 : memref<1x1x112x96xf32, #tpu.memory_space<hbm>> -> memref<112x96xf32, #tpu.memory_space<hbm>>
      %dma_start3A_1244 = arith.constant 2 : i32
      %dma_start3A_1245 = arith.constant 0 : i32
      %dma_start3A_1246 = tpu.memref_slice %arg6[%dma_start3A_1233, %dma_start3A_1244, %dma_start3A_1245] : memref<3x114x96xf32, #tpu.memory_space<vmem>> -> memref<1x112x96xf32, #tpu.memory_space<vmem>>
      %dma_start3A_1247 = tpu.memref_squeeze %dma_start3A_1246 : memref<1x112x96xf32, #tpu.memory_space<vmem>> -> memref<112x96xf32, #tpu.memory_space<vmem>>
      tpu.enqueue_dma source(%dma_start3A_1247 : memref<112x96xf32, #tpu.memory_space<vmem>>) target(%dma_start3A_1243 : memref<112x96xf32, #tpu.memory_space<hbm>>) target_semaphore(%arg10 : memref<!tpu.dma_semaphore, #tpu.memory_space<semaphore_mem>>)
      %dma_wait3A_1248 = arith.constant 0 : i32
      %dma_wait3A_1249 = arith.constant 0 : i32
      %dma_wait3A_1250 = arith.constant 0 : i32
      %dma_wait3A_1251 = tpu.memref_slice %arg5[%dma_wait3A_1248, %dma_wait3A_1249, %dma_wait3A_1250] : memref<3x114x96xf32, #tpu.memory_space<vmem>> -> memref<1x112x96xf32, #tpu.memory_space<vmem>>
      %dma_wait3A_1252 = tpu.memref_squeeze %dma_wait3A_1251 : memref<1x112x96xf32, #tpu.memory_space<vmem>> -> memref<112x96xf32, #tpu.memory_space<vmem>>
      %dma_wait3A_1253 = arith.constant 0 : i32
      %dma_wait3A_1254 = tpu.memref_slice %arg4[%select_n3A_850, %select_n3A_877, %mul3A_882, %dma_wait3A_1253] : memref<2x224x224x864xf32, #tpu.memory_space<hbm>> -> memref<1x1x112x96xf32, #tpu.memory_space<hbm>>
      %dma_wait3A_1255 = tpu.memref_squeeze %dma_wait3A_1254 : memref<1x1x112x96xf32, #tpu.memory_space<hbm>> -> memref<112x96xf32, #tpu.memory_space<hbm>>
      %dma_wait3A_1256 = arith.constant 0 : i32
      %dma_wait3A_1257 = tpu.memref_slice %arg4[%select_n3A_850, %select_n3A_877, %mul3A_882, %dma_wait3A_1256] : memref<2x224x224x864xf32, #tpu.memory_space<hbm>> -> memref<1x1x112x96xf32, #tpu.memory_space<hbm>>
      %dma_wait3A_1258 = tpu.memref_squeeze %dma_wait3A_1257 : memref<1x1x112x96xf32, #tpu.memory_space<hbm>> -> memref<112x96xf32, #tpu.memory_space<hbm>>
      %dma_wait3A_1259 = arith.constant 0 : i32
      %dma_wait3A_1260 = arith.constant 0 : i32
      %dma_wait3A_1261 = tpu.memref_slice %arg5[%dma_wait3A_1248, %dma_wait3A_1259, %dma_wait3A_1260] : memref<3x114x96xf32, #tpu.memory_space<vmem>> -> memref<1x112x96xf32, #tpu.memory_space<vmem>>
      %dma_wait3A_1262 = tpu.memref_squeeze %dma_wait3A_1261 : memref<1x112x96xf32, #tpu.memory_space<vmem>> -> memref<112x96xf32, #tpu.memory_space<vmem>>
      tpu.wait_dma2 semaphore(%arg9 : memref<!tpu.dma_semaphore, #tpu.memory_space<semaphore_mem>>) src(%dma_wait3A_1262 : memref<112x96xf32, #tpu.memory_space<vmem>>) dst(%dma_wait3A_1258 : memref<112x96xf32, #tpu.memory_space<hbm>>)
      %dma_wait3A_1263 = arith.constant 0 : i32
      %dma_wait3A_1264 = arith.constant 1 : i32
      %dma_wait3A_1265 = arith.constant 0 : i32
      %dma_wait3A_1266 = tpu.memref_slice %arg5[%dma_wait3A_1263, %dma_wait3A_1264, %dma_wait3A_1265] : memref<3x114x96xf32, #tpu.memory_space<vmem>> -> memref<1x112x96xf32, #tpu.memory_space<vmem>>
      %dma_wait3A_1267 = tpu.memref_squeeze %dma_wait3A_1266 : memref<1x112x96xf32, #tpu.memory_space<vmem>> -> memref<112x96xf32, #tpu.memory_space<vmem>>
      %dma_wait3A_1268 = arith.constant 96 : i32
      %dma_wait3A_1269 = tpu.memref_slice %arg4[%select_n3A_850, %select_n3A_877, %mul3A_882, %dma_wait3A_1268] : memref<2x224x224x864xf32, #tpu.memory_space<hbm>> -> memref<1x1x112x96xf32, #tpu.memory_space<hbm>>
      %dma_wait3A_1270 = tpu.memref_squeeze %dma_wait3A_1269 : memref<1x1x112x96xf32, #tpu.memory_space<hbm>> -> memref<112x96xf32, #tpu.memory_space<hbm>>
      %dma_wait3A_1271 = arith.constant 96 : i32
      %dma_wait3A_1272 = tpu.memref_slice %arg4[%select_n3A_850, %select_n3A_877, %mul3A_882, %dma_wait3A_1271] : memref<2x224x224x864xf32, #tpu.memory_space<hbm>> -> memref<1x1x112x96xf32, #tpu.memory_space<hbm>>
      %dma_wait3A_1273 = tpu.memref_squeeze %dma_wait3A_1272 : memref<1x1x112x96xf32, #tpu.memory_space<hbm>> -> memref<112x96xf32, #tpu.memory_space<hbm>>
      %dma_wait3A_1274 = arith.constant 1 : i32
      %dma_wait3A_1275 = arith.constant 0 : i32
      %dma_wait3A_1276 = tpu.memref_slice %arg5[%dma_wait3A_1263, %dma_wait3A_1274, %dma_wait3A_1275] : memref<3x114x96xf32, #tpu.memory_space<vmem>> -> memref<1x112x96xf32, #tpu.memory_space<vmem>>
      %dma_wait3A_1277 = tpu.memref_squeeze %dma_wait3A_1276 : memref<1x112x96xf32, #tpu.memory_space<vmem>> -> memref<112x96xf32, #tpu.memory_space<vmem>>
      tpu.wait_dma2 semaphore(%arg9 : memref<!tpu.dma_semaphore, #tpu.memory_space<semaphore_mem>>) src(%dma_wait3A_1277 : memref<112x96xf32, #tpu.memory_space<vmem>>) dst(%dma_wait3A_1273 : memref<112x96xf32, #tpu.memory_space<hbm>>)
      %dma_wait3A_1278 = arith.constant 0 : i32
      %dma_wait3A_1279 = arith.constant 2 : i32
      %dma_wait3A_1280 = arith.constant 0 : i32
      %dma_wait3A_1281 = tpu.memref_slice %arg5[%dma_wait3A_1278, %dma_wait3A_1279, %dma_wait3A_1280] : memref<3x114x96xf32, #tpu.memory_space<vmem>> -> memref<1x112x96xf32, #tpu.memory_space<vmem>>
      %dma_wait3A_1282 = tpu.memref_squeeze %dma_wait3A_1281 : memref<1x112x96xf32, #tpu.memory_space<vmem>> -> memref<112x96xf32, #tpu.memory_space<vmem>>
      %dma_wait3A_1283 = arith.constant 192 : i32
      %dma_wait3A_1284 = tpu.memref_slice %arg4[%select_n3A_850, %select_n3A_877, %mul3A_882, %dma_wait3A_1283] : memref<2x224x224x864xf32, #tpu.memory_space<hbm>> -> memref<1x1x112x96xf32, #tpu.memory_space<hbm>>
      %dma_wait3A_1285 = tpu.memref_squeeze %dma_wait3A_1284 : memref<1x1x112x96xf32, #tpu.memory_space<hbm>> -> memref<112x96xf32, #tpu.memory_space<hbm>>
      %dma_wait3A_1286 = arith.constant 192 : i32
      %dma_wait3A_1287 = tpu.memref_slice %arg4[%select_n3A_850, %select_n3A_877, %mul3A_882, %dma_wait3A_1286] : memref<2x224x224x864xf32, #tpu.memory_space<hbm>> -> memref<1x1x112x96xf32, #tpu.memory_space<hbm>>
      %dma_wait3A_1288 = tpu.memref_squeeze %dma_wait3A_1287 : memref<1x1x112x96xf32, #tpu.memory_space<hbm>> -> memref<112x96xf32, #tpu.memory_space<hbm>>
      %dma_wait3A_1289 = arith.constant 2 : i32
      %dma_wait3A_1290 = arith.constant 0 : i32
      %dma_wait3A_1291 = tpu.memref_slice %arg5[%dma_wait3A_1278, %dma_wait3A_1289, %dma_wait3A_1290] : memref<3x114x96xf32, #tpu.memory_space<vmem>> -> memref<1x112x96xf32, #tpu.memory_space<vmem>>
      %dma_wait3A_1292 = tpu.memref_squeeze %dma_wait3A_1291 : memref<1x112x96xf32, #tpu.memory_space<vmem>> -> memref<112x96xf32, #tpu.memory_space<vmem>>
      tpu.wait_dma2 semaphore(%arg9 : memref<!tpu.dma_semaphore, #tpu.memory_space<semaphore_mem>>) src(%dma_wait3A_1292 : memref<112x96xf32, #tpu.memory_space<vmem>>) dst(%dma_wait3A_1288 : memref<112x96xf32, #tpu.memory_space<hbm>>)
      %dma_wait3A_1293 = arith.constant 1 : i32
      %dma_wait3A_1294 = arith.constant 0 : i32
      %dma_wait3A_1295 = arith.constant 0 : i32
      %dma_wait3A_1296 = tpu.memref_slice %arg5[%dma_wait3A_1293, %dma_wait3A_1294, %dma_wait3A_1295] : memref<3x114x96xf32, #tpu.memory_space<vmem>> -> memref<1x112x96xf32, #tpu.memory_space<vmem>>
      %dma_wait3A_1297 = tpu.memref_squeeze %dma_wait3A_1296 : memref<1x112x96xf32, #tpu.memory_space<vmem>> -> memref<112x96xf32, #tpu.memory_space<vmem>>
      %dma_wait3A_1298 = arith.constant 288 : i32
      %dma_wait3A_1299 = tpu.memref_slice %arg4[%select_n3A_850, %select_n3A_877, %mul3A_882, %dma_wait3A_1298] : memref<2x224x224x864xf32, #tpu.memory_space<hbm>> -> memref<1x1x112x96xf32, #tpu.memory_space<hbm>>
      %dma_wait3A_1300 = tpu.memref_squeeze %dma_wait3A_1299 : memref<1x1x112x96xf32, #tpu.memory_space<hbm>> -> memref<112x96xf32, #tpu.memory_space<hbm>>
      %dma_wait3A_1301 = arith.constant 288 : i32
      %dma_wait3A_1302 = tpu.memref_slice %arg4[%select_n3A_850, %select_n3A_877, %mul3A_882, %dma_wait3A_1301] : memref<2x224x224x864xf32, #tpu.memory_space<hbm>> -> memref<1x1x112x96xf32, #tpu.memory_space<hbm>>
      %dma_wait3A_1303 = tpu.memref_squeeze %dma_wait3A_1302 : memref<1x1x112x96xf32, #tpu.memory_space<hbm>> -> memref<112x96xf32, #tpu.memory_space<hbm>>
      %dma_wait3A_1304 = arith.constant 0 : i32
      %dma_wait3A_1305 = arith.constant 0 : i32
      %dma_wait3A_1306 = tpu.memref_slice %arg5[%dma_wait3A_1293, %dma_wait3A_1304, %dma_wait3A_1305] : memref<3x114x96xf32, #tpu.memory_space<vmem>> -> memref<1x112x96xf32, #tpu.memory_space<vmem>>
      %dma_wait3A_1307 = tpu.memref_squeeze %dma_wait3A_1306 : memref<1x112x96xf32, #tpu.memory_space<vmem>> -> memref<112x96xf32, #tpu.memory_space<vmem>>
      tpu.wait_dma2 semaphore(%arg9 : memref<!tpu.dma_semaphore, #tpu.memory_space<semaphore_mem>>) src(%dma_wait3A_1307 : memref<112x96xf32, #tpu.memory_space<vmem>>) dst(%dma_wait3A_1303 : memref<112x96xf32, #tpu.memory_space<hbm>>)
      %dma_wait3A_1308 = arith.constant 1 : i32
      %dma_wait3A_1309 = arith.constant 1 : i32
      %dma_wait3A_1310 = arith.constant 0 : i32
      %dma_wait3A_1311 = tpu.memref_slice %arg5[%dma_wait3A_1308, %dma_wait3A_1309, %dma_wait3A_1310] : memref<3x114x96xf32, #tpu.memory_space<vmem>> -> memref<1x112x96xf32, #tpu.memory_space<vmem>>
      %dma_wait3A_1312 = tpu.memref_squeeze %dma_wait3A_1311 : memref<1x112x96xf32, #tpu.memory_space<vmem>> -> memref<112x96xf32, #tpu.memory_space<vmem>>
      %dma_wait3A_1313 = arith.constant 384 : i32
      %dma_wait3A_1314 = tpu.memref_slice %arg4[%select_n3A_850, %select_n3A_877, %mul3A_882, %dma_wait3A_1313] : memref<2x224x224x864xf32, #tpu.memory_space<hbm>> -> memref<1x1x112x96xf32, #tpu.memory_space<hbm>>
      %dma_wait3A_1315 = tpu.memref_squeeze %dma_wait3A_1314 : memref<1x1x112x96xf32, #tpu.memory_space<hbm>> -> memref<112x96xf32, #tpu.memory_space<hbm>>
      %dma_wait3A_1316 = arith.constant 384 : i32
      %dma_wait3A_1317 = tpu.memref_slice %arg4[%select_n3A_850, %select_n3A_877, %mul3A_882, %dma_wait3A_1316] : memref<2x224x224x864xf32, #tpu.memory_space<hbm>> -> memref<1x1x112x96xf32, #tpu.memory_space<hbm>>
      %dma_wait3A_1318 = tpu.memref_squeeze %dma_wait3A_1317 : memref<1x1x112x96xf32, #tpu.memory_space<hbm>> -> memref<112x96xf32, #tpu.memory_space<hbm>>
      %dma_wait3A_1319 = arith.constant 1 : i32
      %dma_wait3A_1320 = arith.constant 0 : i32
      %dma_wait3A_1321 = tpu.memref_slice %arg5[%dma_wait3A_1308, %dma_wait3A_1319, %dma_wait3A_1320] : memref<3x114x96xf32, #tpu.memory_space<vmem>> -> memref<1x112x96xf32, #tpu.memory_space<vmem>>
      %dma_wait3A_1322 = tpu.memref_squeeze %dma_wait3A_1321 : memref<1x112x96xf32, #tpu.memory_space<vmem>> -> memref<112x96xf32, #tpu.memory_space<vmem>>
      tpu.wait_dma2 semaphore(%arg9 : memref<!tpu.dma_semaphore, #tpu.memory_space<semaphore_mem>>) src(%dma_wait3A_1322 : memref<112x96xf32, #tpu.memory_space<vmem>>) dst(%dma_wait3A_1318 : memref<112x96xf32, #tpu.memory_space<hbm>>)
      %dma_wait3A_1323 = arith.constant 1 : i32
      %dma_wait3A_1324 = arith.constant 2 : i32
      %dma_wait3A_1325 = arith.constant 0 : i32
      %dma_wait3A_1326 = tpu.memref_slice %arg5[%dma_wait3A_1323, %dma_wait3A_1324, %dma_wait3A_1325] : memref<3x114x96xf32, #tpu.memory_space<vmem>> -> memref<1x112x96xf32, #tpu.memory_space<vmem>>
      %dma_wait3A_1327 = tpu.memref_squeeze %dma_wait3A_1326 : memref<1x112x96xf32, #tpu.memory_space<vmem>> -> memref<112x96xf32, #tpu.memory_space<vmem>>
      %dma_wait3A_1328 = arith.constant 480 : i32
      %dma_wait3A_1329 = tpu.memref_slice %arg4[%select_n3A_850, %select_n3A_877, %mul3A_882, %dma_wait3A_1328] : memref<2x224x224x864xf32, #tpu.memory_space<hbm>> -> memref<1x1x112x96xf32, #tpu.memory_space<hbm>>
      %dma_wait3A_1330 = tpu.memref_squeeze %dma_wait3A_1329 : memref<1x1x112x96xf32, #tpu.memory_space<hbm>> -> memref<112x96xf32, #tpu.memory_space<hbm>>
      %dma_wait3A_1331 = arith.constant 480 : i32
      %dma_wait3A_1332 = tpu.memref_slice %arg4[%select_n3A_850, %select_n3A_877, %mul3A_882, %dma_wait3A_1331] : memref<2x224x224x864xf32, #tpu.memory_space<hbm>> -> memref<1x1x112x96xf32, #tpu.memory_space<hbm>>
      %dma_wait3A_1333 = tpu.memref_squeeze %dma_wait3A_1332 : memref<1x1x112x96xf32, #tpu.memory_space<hbm>> -> memref<112x96xf32, #tpu.memory_space<hbm>>
      %dma_wait3A_1334 = arith.constant 2 : i32
      %dma_wait3A_1335 = arith.constant 0 : i32
      %dma_wait3A_1336 = tpu.memref_slice %arg5[%dma_wait3A_1323, %dma_wait3A_1334, %dma_wait3A_1335] : memref<3x114x96xf32, #tpu.memory_space<vmem>> -> memref<1x112x96xf32, #tpu.memory_space<vmem>>
      %dma_wait3A_1337 = tpu.memref_squeeze %dma_wait3A_1336 : memref<1x112x96xf32, #tpu.memory_space<vmem>> -> memref<112x96xf32, #tpu.memory_space<vmem>>
      tpu.wait_dma2 semaphore(%arg9 : memref<!tpu.dma_semaphore, #tpu.memory_space<semaphore_mem>>) src(%dma_wait3A_1337 : memref<112x96xf32, #tpu.memory_space<vmem>>) dst(%dma_wait3A_1333 : memref<112x96xf32, #tpu.memory_space<hbm>>)
      %dma_wait3A_1338 = arith.constant 2 : i32
      %dma_wait3A_1339 = arith.constant 0 : i32
      %dma_wait3A_1340 = arith.constant 0 : i32
      %dma_wait3A_1341 = tpu.memref_slice %arg5[%dma_wait3A_1338, %dma_wait3A_1339, %dma_wait3A_1340] : memref<3x114x96xf32, #tpu.memory_space<vmem>> -> memref<1x112x96xf32, #tpu.memory_space<vmem>>
      %dma_wait3A_1342 = tpu.memref_squeeze %dma_wait3A_1341 : memref<1x112x96xf32, #tpu.memory_space<vmem>> -> memref<112x96xf32, #tpu.memory_space<vmem>>
      %dma_wait3A_1343 = arith.constant 576 : i32
      %dma_wait3A_1344 = tpu.memref_slice %arg4[%select_n3A_850, %select_n3A_877, %mul3A_882, %dma_wait3A_1343] : memref<2x224x224x864xf32, #tpu.memory_space<hbm>> -> memref<1x1x112x96xf32, #tpu.memory_space<hbm>>
      %dma_wait3A_1345 = tpu.memref_squeeze %dma_wait3A_1344 : memref<1x1x112x96xf32, #tpu.memory_space<hbm>> -> memref<112x96xf32, #tpu.memory_space<hbm>>
      %dma_wait3A_1346 = arith.constant 576 : i32
      %dma_wait3A_1347 = tpu.memref_slice %arg4[%select_n3A_850, %select_n3A_877, %mul3A_882, %dma_wait3A_1346] : memref<2x224x224x864xf32, #tpu.memory_space<hbm>> -> memref<1x1x112x96xf32, #tpu.memory_space<hbm>>
      %dma_wait3A_1348 = tpu.memref_squeeze %dma_wait3A_1347 : memref<1x1x112x96xf32, #tpu.memory_space<hbm>> -> memref<112x96xf32, #tpu.memory_space<hbm>>
      %dma_wait3A_1349 = arith.constant 0 : i32
      %dma_wait3A_1350 = arith.constant 0 : i32
      %dma_wait3A_1351 = tpu.memref_slice %arg5[%dma_wait3A_1338, %dma_wait3A_1349, %dma_wait3A_1350] : memref<3x114x96xf32, #tpu.memory_space<vmem>> -> memref<1x112x96xf32, #tpu.memory_space<vmem>>
      %dma_wait3A_1352 = tpu.memref_squeeze %dma_wait3A_1351 : memref<1x112x96xf32, #tpu.memory_space<vmem>> -> memref<112x96xf32, #tpu.memory_space<vmem>>
      tpu.wait_dma2 semaphore(%arg9 : memref<!tpu.dma_semaphore, #tpu.memory_space<semaphore_mem>>) src(%dma_wait3A_1352 : memref<112x96xf32, #tpu.memory_space<vmem>>) dst(%dma_wait3A_1348 : memref<112x96xf32, #tpu.memory_space<hbm>>)
      %dma_wait3A_1353 = arith.constant 2 : i32
      %dma_wait3A_1354 = arith.constant 1 : i32
      %dma_wait3A_1355 = arith.constant 0 : i32
      %dma_wait3A_1356 = tpu.memref_slice %arg5[%dma_wait3A_1353, %dma_wait3A_1354, %dma_wait3A_1355] : memref<3x114x96xf32, #tpu.memory_space<vmem>> -> memref<1x112x96xf32, #tpu.memory_space<vmem>>
      %dma_wait3A_1357 = tpu.memref_squeeze %dma_wait3A_1356 : memref<1x112x96xf32, #tpu.memory_space<vmem>> -> memref<112x96xf32, #tpu.memory_space<vmem>>
      %dma_wait3A_1358 = arith.constant 672 : i32
      %dma_wait3A_1359 = tpu.memref_slice %arg4[%select_n3A_850, %select_n3A_877, %mul3A_882, %dma_wait3A_1358] : memref<2x224x224x864xf32, #tpu.memory_space<hbm>> -> memref<1x1x112x96xf32, #tpu.memory_space<hbm>>
      %dma_wait3A_1360 = tpu.memref_squeeze %dma_wait3A_1359 : memref<1x1x112x96xf32, #tpu.memory_space<hbm>> -> memref<112x96xf32, #tpu.memory_space<hbm>>
      %dma_wait3A_1361 = arith.constant 672 : i32
      %dma_wait3A_1362 = tpu.memref_slice %arg4[%select_n3A_850, %select_n3A_877, %mul3A_882, %dma_wait3A_1361] : memref<2x224x224x864xf32, #tpu.memory_space<hbm>> -> memref<1x1x112x96xf32, #tpu.memory_space<hbm>>
      %dma_wait3A_1363 = tpu.memref_squeeze %dma_wait3A_1362 : memref<1x1x112x96xf32, #tpu.memory_space<hbm>> -> memref<112x96xf32, #tpu.memory_space<hbm>>
      %dma_wait3A_1364 = arith.constant 1 : i32
      %dma_wait3A_1365 = arith.constant 0 : i32
      %dma_wait3A_1366 = tpu.memref_slice %arg5[%dma_wait3A_1353, %dma_wait3A_1364, %dma_wait3A_1365] : memref<3x114x96xf32, #tpu.memory_space<vmem>> -> memref<1x112x96xf32, #tpu.memory_space<vmem>>
      %dma_wait3A_1367 = tpu.memref_squeeze %dma_wait3A_1366 : memref<1x112x96xf32, #tpu.memory_space<vmem>> -> memref<112x96xf32, #tpu.memory_space<vmem>>
      tpu.wait_dma2 semaphore(%arg9 : memref<!tpu.dma_semaphore, #tpu.memory_space<semaphore_mem>>) src(%dma_wait3A_1367 : memref<112x96xf32, #tpu.memory_space<vmem>>) dst(%dma_wait3A_1363 : memref<112x96xf32, #tpu.memory_space<hbm>>)
      %dma_wait3A_1368 = arith.constant 2 : i32
      %dma_wait3A_1369 = arith.constant 2 : i32
      %dma_wait3A_1370 = arith.constant 0 : i32
      %dma_wait3A_1371 = tpu.memref_slice %arg5[%dma_wait3A_1368, %dma_wait3A_1369, %dma_wait3A_1370] : memref<3x114x96xf32, #tpu.memory_space<vmem>> -> memref<1x112x96xf32, #tpu.memory_space<vmem>>
      %dma_wait3A_1372 = tpu.memref_squeeze %dma_wait3A_1371 : memref<1x112x96xf32, #tpu.memory_space<vmem>> -> memref<112x96xf32, #tpu.memory_space<vmem>>
      %dma_wait3A_1373 = arith.constant 768 : i32
      %dma_wait3A_1374 = tpu.memref_slice %arg4[%select_n3A_850, %select_n3A_877, %mul3A_882, %dma_wait3A_1373] : memref<2x224x224x864xf32, #tpu.memory_space<hbm>> -> memref<1x1x112x96xf32, #tpu.memory_space<hbm>>
      %dma_wait3A_1375 = tpu.memref_squeeze %dma_wait3A_1374 : memref<1x1x112x96xf32, #tpu.memory_space<hbm>> -> memref<112x96xf32, #tpu.memory_space<hbm>>
      %dma_wait3A_1376 = arith.constant 768 : i32
      %dma_wait3A_1377 = tpu.memref_slice %arg4[%select_n3A_850, %select_n3A_877, %mul3A_882, %dma_wait3A_1376] : memref<2x224x224x864xf32, #tpu.memory_space<hbm>> -> memref<1x1x112x96xf32, #tpu.memory_space<hbm>>
      %dma_wait3A_1378 = tpu.memref_squeeze %dma_wait3A_1377 : memref<1x1x112x96xf32, #tpu.memory_space<hbm>> -> memref<112x96xf32, #tpu.memory_space<hbm>>
      %dma_wait3A_1379 = arith.constant 2 : i32
      %dma_wait3A_1380 = arith.constant 0 : i32
      %dma_wait3A_1381 = tpu.memref_slice %arg5[%dma_wait3A_1368, %dma_wait3A_1379, %dma_wait3A_1380] : memref<3x114x96xf32, #tpu.memory_space<vmem>> -> memref<1x112x96xf32, #tpu.memory_space<vmem>>
      %dma_wait3A_1382 = tpu.memref_squeeze %dma_wait3A_1381 : memref<1x112x96xf32, #tpu.memory_space<vmem>> -> memref<112x96xf32, #tpu.memory_space<vmem>>
      tpu.wait_dma2 semaphore(%arg9 : memref<!tpu.dma_semaphore, #tpu.memory_space<semaphore_mem>>) src(%dma_wait3A_1382 : memref<112x96xf32, #tpu.memory_space<vmem>>) dst(%dma_wait3A_1378 : memref<112x96xf32, #tpu.memory_space<hbm>>)
      %dma_wait3A_1383 = arith.constant 0 : i32
      %dma_wait3A_1384 = arith.constant 0 : i32
      %dma_wait3A_1385 = arith.constant 0 : i32
      %dma_wait3A_1386 = tpu.memref_slice %arg6[%dma_wait3A_1383, %dma_wait3A_1384, %dma_wait3A_1385] : memref<3x114x96xf32, #tpu.memory_space<vmem>> -> memref<1x112x96xf32, #tpu.memory_space<vmem>>
      %dma_wait3A_1387 = tpu.memref_squeeze %dma_wait3A_1386 : memref<1x112x96xf32, #tpu.memory_space<vmem>> -> memref<112x96xf32, #tpu.memory_space<vmem>>
      %dma_wait3A_1388 = arith.constant 0 : i32
      %dma_wait3A_1389 = tpu.memref_slice %arg4[%select_n3A_1080, %select_n3A_1107, %mul3A_1112, %dma_wait3A_1388] : memref<2x224x224x864xf32, #tpu.memory_space<hbm>> -> memref<1x1x112x96xf32, #tpu.memory_space<hbm>>
      %dma_wait3A_1390 = tpu.memref_squeeze %dma_wait3A_1389 : memref<1x1x112x96xf32, #tpu.memory_space<hbm>> -> memref<112x96xf32, #tpu.memory_space<hbm>>
      %dma_wait3A_1391 = arith.constant 0 : i32
      %dma_wait3A_1392 = tpu.memref_slice %arg4[%select_n3A_1080, %select_n3A_1107, %mul3A_1112, %dma_wait3A_1391] : memref<2x224x224x864xf32, #tpu.memory_space<hbm>> -> memref<1x1x112x96xf32, #tpu.memory_space<hbm>>
      %dma_wait3A_1393 = tpu.memref_squeeze %dma_wait3A_1392 : memref<1x1x112x96xf32, #tpu.memory_space<hbm>> -> memref<112x96xf32, #tpu.memory_space<hbm>>
      %dma_wait3A_1394 = arith.constant 0 : i32
      %dma_wait3A_1395 = arith.constant 0 : i32
      %dma_wait3A_1396 = tpu.memref_slice %arg6[%dma_wait3A_1383, %dma_wait3A_1394, %dma_wait3A_1395] : memref<3x114x96xf32, #tpu.memory_space<vmem>> -> memref<1x112x96xf32, #tpu.memory_space<vmem>>
      %dma_wait3A_1397 = tpu.memref_squeeze %dma_wait3A_1396 : memref<1x112x96xf32, #tpu.memory_space<vmem>> -> memref<112x96xf32, #tpu.memory_space<vmem>>
      tpu.wait_dma2 semaphore(%arg10 : memref<!tpu.dma_semaphore, #tpu.memory_space<semaphore_mem>>) src(%dma_wait3A_1397 : memref<112x96xf32, #tpu.memory_space<vmem>>) dst(%dma_wait3A_1393 : memref<112x96xf32, #tpu.memory_space<hbm>>)
      %dma_wait3A_1398 = arith.constant 0 : i32
      %dma_wait3A_1399 = arith.constant 1 : i32
      %dma_wait3A_1400 = arith.constant 0 : i32
      %dma_wait3A_1401 = tpu.memref_slice %arg6[%dma_wait3A_1398, %dma_wait3A_1399, %dma_wait3A_1400] : memref<3x114x96xf32, #tpu.memory_space<vmem>> -> memref<1x112x96xf32, #tpu.memory_space<vmem>>
      %dma_wait3A_1402 = tpu.memref_squeeze %dma_wait3A_1401 : memref<1x112x96xf32, #tpu.memory_space<vmem>> -> memref<112x96xf32, #tpu.memory_space<vmem>>
      %dma_wait3A_1403 = arith.constant 96 : i32
      %dma_wait3A_1404 = tpu.memref_slice %arg4[%select_n3A_1080, %select_n3A_1107, %mul3A_1112, %dma_wait3A_1403] : memref<2x224x224x864xf32, #tpu.memory_space<hbm>> -> memref<1x1x112x96xf32, #tpu.memory_space<hbm>>
      %dma_wait3A_1405 = tpu.memref_squeeze %dma_wait3A_1404 : memref<1x1x112x96xf32, #tpu.memory_space<hbm>> -> memref<112x96xf32, #tpu.memory_space<hbm>>
      %dma_wait3A_1406 = arith.constant 96 : i32
      %dma_wait3A_1407 = tpu.memref_slice %arg4[%select_n3A_1080, %select_n3A_1107, %mul3A_1112, %dma_wait3A_1406] : memref<2x224x224x864xf32, #tpu.memory_space<hbm>> -> memref<1x1x112x96xf32, #tpu.memory_space<hbm>>
      %dma_wait3A_1408 = tpu.memref_squeeze %dma_wait3A_1407 : memref<1x1x112x96xf32, #tpu.memory_space<hbm>> -> memref<112x96xf32, #tpu.memory_space<hbm>>
      %dma_wait3A_1409 = arith.constant 1 : i32
      %dma_wait3A_1410 = arith.constant 0 : i32
      %dma_wait3A_1411 = tpu.memref_slice %arg6[%dma_wait3A_1398, %dma_wait3A_1409, %dma_wait3A_1410] : memref<3x114x96xf32, #tpu.memory_space<vmem>> -> memref<1x112x96xf32, #tpu.memory_space<vmem>>
      %dma_wait3A_1412 = tpu.memref_squeeze %dma_wait3A_1411 : memref<1x112x96xf32, #tpu.memory_space<vmem>> -> memref<112x96xf32, #tpu.memory_space<vmem>>
      tpu.wait_dma2 semaphore(%arg10 : memref<!tpu.dma_semaphore, #tpu.memory_space<semaphore_mem>>) src(%dma_wait3A_1412 : memref<112x96xf32, #tpu.memory_space<vmem>>) dst(%dma_wait3A_1408 : memref<112x96xf32, #tpu.memory_space<hbm>>)
      %dma_wait3A_1413 = arith.constant 0 : i32
      %dma_wait3A_1414 = arith.constant 2 : i32
      %dma_wait3A_1415 = arith.constant 0 : i32
      %dma_wait3A_1416 = tpu.memref_slice %arg6[%dma_wait3A_1413, %dma_wait3A_1414, %dma_wait3A_1415] : memref<3x114x96xf32, #tpu.memory_space<vmem>> -> memref<1x112x96xf32, #tpu.memory_space<vmem>>
      %dma_wait3A_1417 = tpu.memref_squeeze %dma_wait3A_1416 : memref<1x112x96xf32, #tpu.memory_space<vmem>> -> memref<112x96xf32, #tpu.memory_space<vmem>>
      %dma_wait3A_1418 = arith.constant 192 : i32
      %dma_wait3A_1419 = tpu.memref_slice %arg4[%select_n3A_1080, %select_n3A_1107, %mul3A_1112, %dma_wait3A_1418] : memref<2x224x224x864xf32, #tpu.memory_space<hbm>> -> memref<1x1x112x96xf32, #tpu.memory_space<hbm>>
      %dma_wait3A_1420 = tpu.memref_squeeze %dma_wait3A_1419 : memref<1x1x112x96xf32, #tpu.memory_space<hbm>> -> memref<112x96xf32, #tpu.memory_space<hbm>>
      %dma_wait3A_1421 = arith.constant 192 : i32
      %dma_wait3A_1422 = tpu.memref_slice %arg4[%select_n3A_1080, %select_n3A_1107, %mul3A_1112, %dma_wait3A_1421] : memref<2x224x224x864xf32, #tpu.memory_space<hbm>> -> memref<1x1x112x96xf32, #tpu.memory_space<hbm>>
      %dma_wait3A_1423 = tpu.memref_squeeze %dma_wait3A_1422 : memref<1x1x112x96xf32, #tpu.memory_space<hbm>> -> memref<112x96xf32, #tpu.memory_space<hbm>>
      %dma_wait3A_1424 = arith.constant 2 : i32
      %dma_wait3A_1425 = arith.constant 0 : i32
      %dma_wait3A_1426 = tpu.memref_slice %arg6[%dma_wait3A_1413, %dma_wait3A_1424, %dma_wait3A_1425] : memref<3x114x96xf32, #tpu.memory_space<vmem>> -> memref<1x112x96xf32, #tpu.memory_space<vmem>>
      %dma_wait3A_1427 = tpu.memref_squeeze %dma_wait3A_1426 : memref<1x112x96xf32, #tpu.memory_space<vmem>> -> memref<112x96xf32, #tpu.memory_space<vmem>>
      tpu.wait_dma2 semaphore(%arg10 : memref<!tpu.dma_semaphore, #tpu.memory_space<semaphore_mem>>) src(%dma_wait3A_1427 : memref<112x96xf32, #tpu.memory_space<vmem>>) dst(%dma_wait3A_1423 : memref<112x96xf32, #tpu.memory_space<hbm>>)
      %dma_wait3A_1428 = arith.constant 1 : i32
      %dma_wait3A_1429 = arith.constant 0 : i32
      %dma_wait3A_1430 = arith.constant 0 : i32
      %dma_wait3A_1431 = tpu.memref_slice %arg6[%dma_wait3A_1428, %dma_wait3A_1429, %dma_wait3A_1430] : memref<3x114x96xf32, #tpu.memory_space<vmem>> -> memref<1x112x96xf32, #tpu.memory_space<vmem>>
      %dma_wait3A_1432 = tpu.memref_squeeze %dma_wait3A_1431 : memref<1x112x96xf32, #tpu.memory_space<vmem>> -> memref<112x96xf32, #tpu.memory_space<vmem>>
      %dma_wait3A_1433 = arith.constant 288 : i32
      %dma_wait3A_1434 = tpu.memref_slice %arg4[%select_n3A_1080, %select_n3A_1107, %mul3A_1112, %dma_wait3A_1433] : memref<2x224x224x864xf32, #tpu.memory_space<hbm>> -> memref<1x1x112x96xf32, #tpu.memory_space<hbm>>
      %dma_wait3A_1435 = tpu.memref_squeeze %dma_wait3A_1434 : memref<1x1x112x96xf32, #tpu.memory_space<hbm>> -> memref<112x96xf32, #tpu.memory_space<hbm>>
      %dma_wait3A_1436 = arith.constant 288 : i32
      %dma_wait3A_1437 = tpu.memref_slice %arg4[%select_n3A_1080, %select_n3A_1107, %mul3A_1112, %dma_wait3A_1436] : memref<2x224x224x864xf32, #tpu.memory_space<hbm>> -> memref<1x1x112x96xf32, #tpu.memory_space<hbm>>
      %dma_wait3A_1438 = tpu.memref_squeeze %dma_wait3A_1437 : memref<1x1x112x96xf32, #tpu.memory_space<hbm>> -> memref<112x96xf32, #tpu.memory_space<hbm>>
      %dma_wait3A_1439 = arith.constant 0 : i32
      %dma_wait3A_1440 = arith.constant 0 : i32
      %dma_wait3A_1441 = tpu.memref_slice %arg6[%dma_wait3A_1428, %dma_wait3A_1439, %dma_wait3A_1440] : memref<3x114x96xf32, #tpu.memory_space<vmem>> -> memref<1x112x96xf32, #tpu.memory_space<vmem>>
      %dma_wait3A_1442 = tpu.memref_squeeze %dma_wait3A_1441 : memref<1x112x96xf32, #tpu.memory_space<vmem>> -> memref<112x96xf32, #tpu.memory_space<vmem>>
      tpu.wait_dma2 semaphore(%arg10 : memref<!tpu.dma_semaphore, #tpu.memory_space<semaphore_mem>>) src(%dma_wait3A_1442 : memref<112x96xf32, #tpu.memory_space<vmem>>) dst(%dma_wait3A_1438 : memref<112x96xf32, #tpu.memory_space<hbm>>)
      %dma_wait3A_1443 = arith.constant 1 : i32
      %dma_wait3A_1444 = arith.constant 1 : i32
      %dma_wait3A_1445 = arith.constant 0 : i32
      %dma_wait3A_1446 = tpu.memref_slice %arg6[%dma_wait3A_1443, %dma_wait3A_1444, %dma_wait3A_1445] : memref<3x114x96xf32, #tpu.memory_space<vmem>> -> memref<1x112x96xf32, #tpu.memory_space<vmem>>
      %dma_wait3A_1447 = tpu.memref_squeeze %dma_wait3A_1446 : memref<1x112x96xf32, #tpu.memory_space<vmem>> -> memref<112x96xf32, #tpu.memory_space<vmem>>
      %dma_wait3A_1448 = arith.constant 384 : i32
      %dma_wait3A_1449 = tpu.memref_slice %arg4[%select_n3A_1080, %select_n3A_1107, %mul3A_1112, %dma_wait3A_1448] : memref<2x224x224x864xf32, #tpu.memory_space<hbm>> -> memref<1x1x112x96xf32, #tpu.memory_space<hbm>>
      %dma_wait3A_1450 = tpu.memref_squeeze %dma_wait3A_1449 : memref<1x1x112x96xf32, #tpu.memory_space<hbm>> -> memref<112x96xf32, #tpu.memory_space<hbm>>
      %dma_wait3A_1451 = arith.constant 384 : i32
      %dma_wait3A_1452 = tpu.memref_slice %arg4[%select_n3A_1080, %select_n3A_1107, %mul3A_1112, %dma_wait3A_1451] : memref<2x224x224x864xf32, #tpu.memory_space<hbm>> -> memref<1x1x112x96xf32, #tpu.memory_space<hbm>>
      %dma_wait3A_1453 = tpu.memref_squeeze %dma_wait3A_1452 : memref<1x1x112x96xf32, #tpu.memory_space<hbm>> -> memref<112x96xf32, #tpu.memory_space<hbm>>
      %dma_wait3A_1454 = arith.constant 1 : i32
      %dma_wait3A_1455 = arith.constant 0 : i32
      %dma_wait3A_1456 = tpu.memref_slice %arg6[%dma_wait3A_1443, %dma_wait3A_1454, %dma_wait3A_1455] : memref<3x114x96xf32, #tpu.memory_space<vmem>> -> memref<1x112x96xf32, #tpu.memory_space<vmem>>
      %dma_wait3A_1457 = tpu.memref_squeeze %dma_wait3A_1456 : memref<1x112x96xf32, #tpu.memory_space<vmem>> -> memref<112x96xf32, #tpu.memory_space<vmem>>
      tpu.wait_dma2 semaphore(%arg10 : memref<!tpu.dma_semaphore, #tpu.memory_space<semaphore_mem>>) src(%dma_wait3A_1457 : memref<112x96xf32, #tpu.memory_space<vmem>>) dst(%dma_wait3A_1453 : memref<112x96xf32, #tpu.memory_space<hbm>>)
      %dma_wait3A_1458 = arith.constant 1 : i32
      %dma_wait3A_1459 = arith.constant 2 : i32
      %dma_wait3A_1460 = arith.constant 0 : i32
      %dma_wait3A_1461 = tpu.memref_slice %arg6[%dma_wait3A_1458, %dma_wait3A_1459, %dma_wait3A_1460] : memref<3x114x96xf32, #tpu.memory_space<vmem>> -> memref<1x112x96xf32, #tpu.memory_space<vmem>>
      %dma_wait3A_1462 = tpu.memref_squeeze %dma_wait3A_1461 : memref<1x112x96xf32, #tpu.memory_space<vmem>> -> memref<112x96xf32, #tpu.memory_space<vmem>>
      %dma_wait3A_1463 = arith.constant 480 : i32
      %dma_wait3A_1464 = tpu.memref_slice %arg4[%select_n3A_1080, %select_n3A_1107, %mul3A_1112, %dma_wait3A_1463] : memref<2x224x224x864xf32, #tpu.memory_space<hbm>> -> memref<1x1x112x96xf32, #tpu.memory_space<hbm>>
      %dma_wait3A_1465 = tpu.memref_squeeze %dma_wait3A_1464 : memref<1x1x112x96xf32, #tpu.memory_space<hbm>> -> memref<112x96xf32, #tpu.memory_space<hbm>>
      %dma_wait3A_1466 = arith.constant 480 : i32
      %dma_wait3A_1467 = tpu.memref_slice %arg4[%select_n3A_1080, %select_n3A_1107, %mul3A_1112, %dma_wait3A_1466] : memref<2x224x224x864xf32, #tpu.memory_space<hbm>> -> memref<1x1x112x96xf32, #tpu.memory_space<hbm>>
      %dma_wait3A_1468 = tpu.memref_squeeze %dma_wait3A_1467 : memref<1x1x112x96xf32, #tpu.memory_space<hbm>> -> memref<112x96xf32, #tpu.memory_space<hbm>>
      %dma_wait3A_1469 = arith.constant 2 : i32
      %dma_wait3A_1470 = arith.constant 0 : i32
      %dma_wait3A_1471 = tpu.memref_slice %arg6[%dma_wait3A_1458, %dma_wait3A_1469, %dma_wait3A_1470] : memref<3x114x96xf32, #tpu.memory_space<vmem>> -> memref<1x112x96xf32, #tpu.memory_space<vmem>>
      %dma_wait3A_1472 = tpu.memref_squeeze %dma_wait3A_1471 : memref<1x112x96xf32, #tpu.memory_space<vmem>> -> memref<112x96xf32, #tpu.memory_space<vmem>>
      tpu.wait_dma2 semaphore(%arg10 : memref<!tpu.dma_semaphore, #tpu.memory_space<semaphore_mem>>) src(%dma_wait3A_1472 : memref<112x96xf32, #tpu.memory_space<vmem>>) dst(%dma_wait3A_1468 : memref<112x96xf32, #tpu.memory_space<hbm>>)
      %dma_wait3A_1473 = arith.constant 2 : i32
      %dma_wait3A_1474 = arith.constant 0 : i32
      %dma_wait3A_1475 = arith.constant 0 : i32
      %dma_wait3A_1476 = tpu.memref_slice %arg6[%dma_wait3A_1473, %dma_wait3A_1474, %dma_wait3A_1475] : memref<3x114x96xf32, #tpu.memory_space<vmem>> -> memref<1x112x96xf32, #tpu.memory_space<vmem>>
      %dma_wait3A_1477 = tpu.memref_squeeze %dma_wait3A_1476 : memref<1x112x96xf32, #tpu.memory_space<vmem>> -> memref<112x96xf32, #tpu.memory_space<vmem>>
      %dma_wait3A_1478 = arith.constant 576 : i32
      %dma_wait3A_1479 = tpu.memref_slice %arg4[%select_n3A_1080, %select_n3A_1107, %mul3A_1112, %dma_wait3A_1478] : memref<2x224x224x864xf32, #tpu.memory_space<hbm>> -> memref<1x1x112x96xf32, #tpu.memory_space<hbm>>
      %dma_wait3A_1480 = tpu.memref_squeeze %dma_wait3A_1479 : memref<1x1x112x96xf32, #tpu.memory_space<hbm>> -> memref<112x96xf32, #tpu.memory_space<hbm>>
      %dma_wait3A_1481 = arith.constant 576 : i32
      %dma_wait3A_1482 = tpu.memref_slice %arg4[%select_n3A_1080, %select_n3A_1107, %mul3A_1112, %dma_wait3A_1481] : memref<2x224x224x864xf32, #tpu.memory_space<hbm>> -> memref<1x1x112x96xf32, #tpu.memory_space<hbm>>
      %dma_wait3A_1483 = tpu.memref_squeeze %dma_wait3A_1482 : memref<1x1x112x96xf32, #tpu.memory_space<hbm>> -> memref<112x96xf32, #tpu.memory_space<hbm>>
      %dma_wait3A_1484 = arith.constant 0 : i32
      %dma_wait3A_1485 = arith.constant 0 : i32
      %dma_wait3A_1486 = tpu.memref_slice %arg6[%dma_wait3A_1473, %dma_wait3A_1484, %dma_wait3A_1485] : memref<3x114x96xf32, #tpu.memory_space<vmem>> -> memref<1x112x96xf32, #tpu.memory_space<vmem>>
      %dma_wait3A_1487 = tpu.memref_squeeze %dma_wait3A_1486 : memref<1x112x96xf32, #tpu.memory_space<vmem>> -> memref<112x96xf32, #tpu.memory_space<vmem>>
      tpu.wait_dma2 semaphore(%arg10 : memref<!tpu.dma_semaphore, #tpu.memory_space<semaphore_mem>>) src(%dma_wait3A_1487 : memref<112x96xf32, #tpu.memory_space<vmem>>) dst(%dma_wait3A_1483 : memref<112x96xf32, #tpu.memory_space<hbm>>)
      %dma_wait3A_1488 = arith.constant 2 : i32
      %dma_wait3A_1489 = arith.constant 1 : i32
      %dma_wait3A_1490 = arith.constant 0 : i32
      %dma_wait3A_1491 = tpu.memref_slice %arg6[%dma_wait3A_1488, %dma_wait3A_1489, %dma_wait3A_1490] : memref<3x114x96xf32, #tpu.memory_space<vmem>> -> memref<1x112x96xf32, #tpu.memory_space<vmem>>
      %dma_wait3A_1492 = tpu.memref_squeeze %dma_wait3A_1491 : memref<1x112x96xf32, #tpu.memory_space<vmem>> -> memref<112x96xf32, #tpu.memory_space<vmem>>
      %dma_wait3A_1493 = arith.constant 672 : i32
      %dma_wait3A_1494 = tpu.memref_slice %arg4[%select_n3A_1080, %select_n3A_1107, %mul3A_1112, %dma_wait3A_1493] : memref<2x224x224x864xf32, #tpu.memory_space<hbm>> -> memref<1x1x112x96xf32, #tpu.memory_space<hbm>>
      %dma_wait3A_1495 = tpu.memref_squeeze %dma_wait3A_1494 : memref<1x1x112x96xf32, #tpu.memory_space<hbm>> -> memref<112x96xf32, #tpu.memory_space<hbm>>
      %dma_wait3A_1496 = arith.constant 672 : i32
      %dma_wait3A_1497 = tpu.memref_slice %arg4[%select_n3A_1080, %select_n3A_1107, %mul3A_1112, %dma_wait3A_1496] : memref<2x224x224x864xf32, #tpu.memory_space<hbm>> -> memref<1x1x112x96xf32, #tpu.memory_space<hbm>>
      %dma_wait3A_1498 = tpu.memref_squeeze %dma_wait3A_1497 : memref<1x1x112x96xf32, #tpu.memory_space<hbm>> -> memref<112x96xf32, #tpu.memory_space<hbm>>
      %dma_wait3A_1499 = arith.constant 1 : i32
      %dma_wait3A_1500 = arith.constant 0 : i32
      %dma_wait3A_1501 = tpu.memref_slice %arg6[%dma_wait3A_1488, %dma_wait3A_1499, %dma_wait3A_1500] : memref<3x114x96xf32, #tpu.memory_space<vmem>> -> memref<1x112x96xf32, #tpu.memory_space<vmem>>
      %dma_wait3A_1502 = tpu.memref_squeeze %dma_wait3A_1501 : memref<1x112x96xf32, #tpu.memory_space<vmem>> -> memref<112x96xf32, #tpu.memory_space<vmem>>
      tpu.wait_dma2 semaphore(%arg10 : memref<!tpu.dma_semaphore, #tpu.memory_space<semaphore_mem>>) src(%dma_wait3A_1502 : memref<112x96xf32, #tpu.memory_space<vmem>>) dst(%dma_wait3A_1498 : memref<112x96xf32, #tpu.memory_space<hbm>>)
      %dma_wait3A_1503 = arith.constant 2 : i32
      %dma_wait3A_1504 = arith.constant 2 : i32
      %dma_wait3A_1505 = arith.constant 0 : i32
      %dma_wait3A_1506 = tpu.memref_slice %arg6[%dma_wait3A_1503, %dma_wait3A_1504, %dma_wait3A_1505] : memref<3x114x96xf32, #tpu.memory_space<vmem>> -> memref<1x112x96xf32, #tpu.memory_space<vmem>>
      %dma_wait3A_1507 = tpu.memref_squeeze %dma_wait3A_1506 : memref<1x112x96xf32, #tpu.memory_space<vmem>> -> memref<112x96xf32, #tpu.memory_space<vmem>>
      %dma_wait3A_1508 = arith.constant 768 : i32
      %dma_wait3A_1509 = tpu.memref_slice %arg4[%select_n3A_1080, %select_n3A_1107, %mul3A_1112, %dma_wait3A_1508] : memref<2x224x224x864xf32, #tpu.memory_space<hbm>> -> memref<1x1x112x96xf32, #tpu.memory_space<hbm>>
      %dma_wait3A_1510 = tpu.memref_squeeze %dma_wait3A_1509 : memref<1x1x112x96xf32, #tpu.memory_space<hbm>> -> memref<112x96xf32, #tpu.memory_space<hbm>>
      %dma_wait3A_1511 = arith.constant 768 : i32
      %dma_wait3A_1512 = tpu.memref_slice %arg4[%select_n3A_1080, %select_n3A_1107, %mul3A_1112, %dma_wait3A_1511] : memref<2x224x224x864xf32, #tpu.memory_space<hbm>> -> memref<1x1x112x96xf32, #tpu.memory_space<hbm>>
      %dma_wait3A_1513 = tpu.memref_squeeze %dma_wait3A_1512 : memref<1x1x112x96xf32, #tpu.memory_space<hbm>> -> memref<112x96xf32, #tpu.memory_space<hbm>>
      %dma_wait3A_1514 = arith.constant 2 : i32
      %dma_wait3A_1515 = arith.constant 0 : i32
      %dma_wait3A_1516 = tpu.memref_slice %arg6[%dma_wait3A_1503, %dma_wait3A_1514, %dma_wait3A_1515] : memref<3x114x96xf32, #tpu.memory_space<vmem>> -> memref<1x112x96xf32, #tpu.memory_space<vmem>>
      %dma_wait3A_1517 = tpu.memref_squeeze %dma_wait3A_1516 : memref<1x112x96xf32, #tpu.memory_space<vmem>> -> memref<112x96xf32, #tpu.memory_space<vmem>>
      tpu.wait_dma2 semaphore(%arg10 : memref<!tpu.dma_semaphore, #tpu.memory_space<semaphore_mem>>) src(%dma_wait3A_1517 : memref<112x96xf32, #tpu.memory_space<vmem>>) dst(%dma_wait3A_1513 : memref<112x96xf32, #tpu.memory_space<hbm>>)
    }
    %scan3A_581 = arith.constant 14 : i32
    return
  }
}

</mosaic_0001>

<sc_bundles>
// kernel: kernel.3.cloned.1.call-start
scs
__scs_entry_jumppad:
0x0: {  	(pc) =	sbr.rel $0x88, $3  }
0x1: {  	(tag) =	ssettag $0x0;
	lr =	simm.s32 $0x1  }
0x2: {  	[smem:$0x3FA0] =	sst lr;
	_ =	strace $0xD0000000  }
0x3: {  	_ = 	snop  }
0x4: {  	_ = 	snop  }
0x5: {  	_ = 	snop  }
0x6: {  	_ = 	snop  }
0x7: {  	_ = 	snop  }
__scs_overlays_trampoline_lowered:
0x8: {  	[smem:$0x3FAF] =	sst s0  }
0x9: {  	[smem:$0x3FB0] =	sst s1  }
0xa: {  	[smem:$0x3FB1] =	sst s2  }
0xb: {  	[smem:$0x3FB2] =	sst s3  }
0xc: {  	[smem:$0x3FB3] =	sst s4  }
0xd: {  	[smem:$0x3FB4] =	sst s5  }
0xe: {  	[smem:$0x3FB5] =	sst s6  }
0xf: {  	[smem:$0x3FB6] =	sst s7  }
0x10: {  	[smem:$0x3FB7] =	sst s8  }
0x11: {  	[smem:$0x3FB8] =	sst s9;
	s0 =	simm.s32 @!p0 $0x0  }
0x12: {  	s1 =	sld [smem:$0x3F9E];
	s0 =	simm.s32 @p0 $0x1  }
0x13: {  	[smem:$0x3FB9] =	sst s0;
	s0 =	simm.s32 @!p1 $0x0  }
0x14: {  	s2 =	sld [smem:$0x3F9D];
	s0 =	simm.s32 @p1 $0x1  }
0x15: {  	[smem:$0x3FBA] =	sst s0;
	s0 =	simm.s32 @!p2 $0x0  }
0x16: {  	s3 =	sld [smem:$0x3FDB];
	s0 =	simm.s32 @p2 $0x1  }
0x17: {  	s4 =	simm.s32 $0x1BF5;
	[smem:$0x3FBC] =	sst s0  }
0x18: {  	s0 =	sld [smem:$0x3F9F];
	_ =	swait.ge [sflag:s4], $0x0  }
0x19: {  	s7 =	sld [smem:$0x3FA0]  }
0x1a: {  	s8 =	sadd.s32 $0xFFFFE003, lr  }
0x1b: {  	s9 =	sadd.s32 $0xFFFFFEF7, lr;
	s5 =	simm.s32 $0xFFFFFFFF;
	p2 =	slt.u32 s8, $0xFFFFF086  }
0x1c: {  	p1 =	slt.u32 s9, $0xF7A;
	s5 =	simm.s32 @!p2 $0x0  }
0x1d: {  	s5 =	simm.s32 @p1 $0x1;
	p0 =	seq.s32 s7, s2  }
0x1e: {  	s7 =	smul.u32 @!p0 $0xF7A, s2;
	p2 =	seq.s32 @!p0 s5, $0x0  }
0x1f: {  	s9 =	smul.u32 $0xF7A, s1;
	s8 =	simm.s32 @!p0 $0x1BF5;
	p2 =	por !p2, p0  }
0x20: {  	[sflag:s8] =	ssyncset.s32 @!p0 $0xFFFFF086;
	s6 =	sadd.s32 @!p0 s3, s7;
	s7 =	simm.s32 @!p0 $0x108  }
0x21: {  	s3 =	sadd.s32 s3, s9;
	s6 =	sadd.s32 @!p0 $0x88, s6;
	s7 =	simm.s32 @p2 $0x1082  }
0x22: {  	[simem:s7], [sflag:s8] =	dma.local @!p0 [hbm:s6], $0xF7A  }
0x23: {  	s9 =	sor.u32 $0xD0000000, s2;
	s6 =	simm.s32 $0x108;
	_ =	swait.ge @!p0 [sflag:s8], $0x0  }
0x24: {  	s3 =	sadd.s32 $0x88, s3;
	s6 =	simm.s32 @!p1 $0x1082;
	[sflag:s4] =	ssyncset.s32 $0xFFFFF086  }
0x25: {  	[simem:s6], [sflag:s4] =	dma.local [hbm:s3], $0xF7A  }
0x26: {  	[smem:$0x3FA0] =	sst s1;
	(tag) =	ssettag s2;
	_ =	strace s9  }
0x27: {  	s1 =	sld [smem:$0x3FB0]  }
0x28: {  	s2 =	sld [smem:$0x3FB1]  }
0x29: {  	s4 =	sld [smem:$0x3FB3]  }
0x2a: {  	p0 =	seq.s32 s5, $0x0;
	s5 =	sld [smem:$0x3FB4]  }
0x2b: {  	s6 =	sld [smem:$0x3FB5]  }
0x2c: {  	s7 =	sld [smem:$0x3FB6]  }
0x2d: {  	s3 =	simm.s32 $0x108;
	s8 =	sld [smem:$0x3FB7]  }
0x2e: {  	s3 =	simm.s32 @!p0 $0x1082;
	s9 =	sld [smem:$0x3FB8]  }
0x2f: {  	lr =	sadd.s32 s0, s3;
	s0 =	sld [smem:$0x3FAF]  }
0x30: {  	s3 =	sld [smem:$0x3FB2]  }
0x31: {  	[smem:$0x3FBB] =	sst s10  }
0x32: {  	s10 =	sld [smem:$0x3FB9];
	_ =	sdelay $0x3  }
0x33: {  	p0 =	seq.s32 s10, $0x1;
	s10 =	sld [smem:$0x3FBB];
	_ =	sdelay $0x3  }
0x34: {  	[smem:$0x3FBB] =	sst s10  }
0x35: {  	s10 =	sld [smem:$0x3FBA];
	_ =	sdelay $0x3  }
0x36: {  	p1 =	seq.s32 s10, $0x1;
	s10 =	sld [smem:$0x3FBB];
	_ =	sdelay $0x3  }
0x37: {  	[smem:$0x3FBB] =	sst s10  }
0x38: {  	s10 =	sld [smem:$0x3FBC]  }
0x39: {  	_ = 	snop;
	(pc) =	sbr.ind lr, $3  }
0x3a: {  	_ = 	snop  }
0x3b: {  	_ = 	snop  }
0x3c: {  	p2 =	seq.s32 s10, $0x1;
	s10 =	sld [smem:$0x3FBB]  }
0x3d: {  	_ =	shalt  }
0x3e: {  	_ =	shalt  }
0x3f: {  	_ =	shalt  }
0x40: {  	_ =	shalt  }
0x41: {  	_ =	shalt  }
0x42: {  	_ =	shalt  }
0x43: {  	_ =	shalt  }
0x44: {  	_ =	shalt  }
0x45: {  	_ =	shalt  }
0x46: {  	_ =	shalt  }
0x47: {  	_ =	shalt  }
0x48: {  	_ =	shalt  }
0x49: {  	_ =	shalt  }
0x4a: {  	_ =	shalt  }
0x4b: {  	_ =	shalt  }
0x4c: {  	_ =	shalt  }
0x4d: {  	_ =	shalt  }
0x4e: {  	_ =	shalt  }
0x4f: {  	_ =	shalt  }
0x50: {  	_ =	shalt  }
0x51: {  	_ =	shalt  }
0x52: {  	_ =	shalt  }
0x53: {  	_ =	shalt  }
0x54: {  	_ =	shalt  }
0x55: {  	_ =	shalt  }
0x56: {  	_ =	shalt  }
0x57: {  	_ =	shalt  }
0x58: {  	_ =	shalt  }
0x59: {  	_ =	shalt  }
0x5a: {  	_ =	shalt  }
0x5b: {  	_ =	shalt  }
0x5c: {  	_ =	shalt  }
0x5d: {  	_ =	shalt  }
0x5e: {  	_ =	shalt  }
0x5f: {  	_ =	shalt  }
0x60: {  	_ =	shalt  }
0x61: {  	_ =	shalt  }
0x62: {  	_ =	shalt  }
0x63: {  	_ =	shalt  }
0x64: {  	_ =	shalt  }
0x65: {  	_ =	shalt  }
0x66: {  	_ =	shalt  }
0x67: {  	_ =	shalt  }
0x68: {  	_ =	shalt  }
0x69: {  	_ =	shalt  }
0x6a: {  	_ =	shalt  }
0x6b: {  	_ =	shalt  }
0x6c: {  	_ =	shalt  }
0x6d: {  	_ =	shalt  }
0x6e: {  	_ =	shalt  }
0x6f: {  	_ =	shalt  }
0x70: {  	_ =	shalt  }
0x71: {  	_ =	shalt  }
0x72: {  	_ =	shalt  }
0x73: {  	_ =	shalt  }
0x74: {  	_ =	shalt  }
0x75: {  	_ =	shalt  }
0x76: {  	_ =	shalt  }
0x77: {  	_ =	shalt  }
0x78: {  	_ =	shalt  }
0x79: {  	_ =	shalt  }
0x7a: {  	_ =	shalt  }
0x7b: {  	_ =	shalt  }
0x7c: {  	_ =	shalt  }
0x7d: {  	_ =	shalt  }
0x7e: {  	_ =	shalt  }
0x7f: {  	_ =	shalt  }
0x80: {  	_ =	shalt  }
0x81: {  	_ =	shalt  }
0x82: {  	_ =	shalt  }
0x83: {  	_ =	shalt  }
0x84: {  	_ =	shalt  }
0x85: {  	_ =	shalt  }
0x86: {  	_ =	shalt  }
0x87: {  	_ =	shalt  }
.Lfunc_end0:
.L_simem_size_0:
called_computation_lowered:
.L_overlay_start_0:
0x88: {  	s2 =	sld [smem:$0x3FD9]  }
0x89: {  	s3 =	sld [smem:$0x3FFE];
	_ =	sdelay $0x1  }
0x8a: {  	s1 =	srdreg.scid  }
0x8b: {  	s0 =	sand.u32 $0x1, s1  }
0x8c: {  	s17 =	sshll.u32 s0, $0xA;
	s2 =	sadd.s32 s3, s2  }
0x8d: {  	s2 =	sadd.s32 s2, s17  }
0x8e: {  	[smem:$0x3FC7] =	sst s2  }
0x8f: {  	_ = 	snop  }
0x90: {  	s2 =	sld [smem:$0x3FD0];
	(tm) =	ssettm $0x1  }
0x91: {  	s18 =	sld [smem:$0x3FFB];
	_ =	sdelay $0x3  }
0x92: {  	_ =	strace s18  }
0x93: {  	s3 =	sld [smem:$0x3FFC];
	_ =	sdelay $0x3  }
0x94: {  	_ =	strace s3  }
0x95: {  	s3 =	sld [smem:$0x3FFD];
	_ =	sdelay $0x3  }
0x96: {  	_ =	strace s3  }
0x97: {  	_ =	strace $0x8FFFFFFF  }
0x98: {  	s19 =	sld [smem:$0x3FDB];
	_ =	sdelay $0x1  }
0x99: {  	s4 =	simm.s32 $_scs_section_size  }
0x9a: {  	s5 =	simm.s32 $_size__tile_overlayer_lowered;
	s6 =	simm.s32 $_tile_overlayer_lowered  }
0x9b: {  	s22 =	simm.s32 $0x1BFF;
	s21 =	sshll.u32 s6, $0x1;
	s3 =	sadd.s32 s4, s19  }
0x9c: {  	s7 =	simm.s32 $0x0;
	s20 =	sshll.u32 s5, $0x1;
	s5 =	sadd.s32 s21, s3  }
0x9d: {  	[timem:s7], [sflag:s22] =	dma.local [hbm:s5], s20  }
0x9e: {  	_ =	swait.ge [sflag:s22], s20  }
0x9f: {  	s4 =	ssub.s32 $0x0, s20;
	[sflag:s22] =	ssyncset.done $0x0  }
0xa0: {  	[sflag:s22] =	ssyncadd.s32 s4;
	_ =	sdelay $0x1  }
0xa1: {  	s23 =	simm.s32 $0x1B8B  }
0xa2: {  	_ =	swait.ge [sflag:s23], $0x1  }
0xa3: {  	[sflag:s23] =	ssyncset.done $0x0  }
0xa4: {  	s25 =	simm.s32 $0x1B8E;
	s24 =	sld [smem:$0x3FFE];
	[sflag:s23] =	ssyncadd.s32 $0xFFFFFFFF  }
0xa5: {  	s26 =	simm.s32 $execute0_lowered;
	[smem:$0x3FD2] =	sst s25  }
0xa6: {  	s5 =	sshll.u32 s26, $0x1;
	_ =	strace $0x80000046;
	[dreg:$0x1] =	wrdreg $0xFFFFFFFF  }
0xa7: {  	s28 =	simm.s32 $_size_execute0_lowered;
	s3 =	sadd.s32 s3, s5;
	[dreg:$0x0] =	wrdreg $0x0  }
0xa8: {  	s5 =	sshll.u32 s28, $0x1;
	[dreg:$0x2] =	wrdreg s3  }
0xa9: {  	[dreg:$0x3] =	wrdreg s5  }
0xaa: {  	[dreg:$0x4] =	wrdreg $0xC0  }
0xab: {  	_ =	task [dreg:s7], $0x5FFFF  }
0xac: {  	[dreg:$0x1] =	wrdreg $0xFFFFFFFF  }
0xad: {  	[dreg:$0x0] =	wrdreg $0x60  }
0xae: {  	[dreg:$0x2] =	wrdreg s24  }
0xaf: {  	[dreg:$0x3] =	wrdreg s2  }
0xb0: {  	[dreg:$0x4] =	wrdreg $0x9  }
0xb1: {  	_ =	task.clear_ibuf [dreg:s7], $0x5FFFF;
	_ =	strace $0x90000046  }
0xb2: {  	s29 =	simm.s32 $0x9;
	_ =	strace $0x80000048  }
0xb3: {  	_ =	swait.ge [sflag:s29], $0x1  }
0xb4: {  	[sflag:s29] =	ssyncadd.s32 $0xFFFFFFFF  }
0xb5: {  	_ =	strace $0x90000048  }
0xb6: {  	_ =	sfence  }
0xb7: {  	s30 =	sld [smem:$0x0];
	_ =	sdelay $0x2  }
0xb8: {  	s31 =	sshll.u32 s1, $0xD;
	s1 =	sshrl.u32 s1, $0x2  }
0xb9: {  	s3 =	sand.u32 $0x4000, s31;
	s1 =	sadd.s32 s1, s30  }
0xba: {  	s0 =	sor.u32 s3, s0;
	s1 =	sshll.u32 s1, $0x11  }
0xbb: {  	s0 =	sor.u32 s1, s0  }
0xbc: {  	s0 =	sadd.s32 $0x8F2B, s0  }
0xbd: {  	[sflag:s0] =	ssyncadd.remote.s32 $0x1  }
0xbe: {  	_ =	sfence.sel $0xFFFF  }
0xbf: {  	[dreg:$0x0] =	wrdreg $0xFFFFFFFF;
	(pc) =	sbr.abs _section_cstart, $3  }
0xc0: {  	[dreg:$0x1] =	wrdreg $0xFFFFFFFF  }
0xc1: {  	_ =	task.clear_ibuf [dreg:s7], $0x2FFFF;
	_ =	strace $0x9FFFFFFF  }
0xc2: {  	(tm) =	ssettm $0x7FFFFFFF  }
0xc3: {  	_ =	shalt  }
tec
execute0_lowered:
.L_overlay_start_1:
0x0: {  	(tag) =	ssettag $0x1  }
0x1: {  	s0 =	rddreg [dreg:$0x0]  }
0x2: {  	s1 =	rddreg [dreg:$0x1];
	s2 =	simm.s32 $0x0  }
0x3: {  	s5 =	simm.s32 $0xFFFFFE40;
	[smem:$0x7FF] =	sst s2  }
0x4: {  	s13 =	simm.s32 $0x498000;
	_ =	strace $0x80000047;
	[dreg:$0x3] =	wrdreg s5  }
0x5: {  	s14 =	simm.s32 $0x2958000;
	[dreg:$0x4] =	wrdreg s13  }
0x6: {  	s16 =	simm.s32 $0xC0;
	[dreg:$0x5] =	wrdreg s14  }
0x7: {  	s6 =	srdreg.scid;
	s17 =	simm.s32 $0x2AC0;
	[dreg:$0x6] =	wrdreg s16  }
0x8: {  	s3 =	stileid.u32;
	s18 =	simm.s32 $0x2B20;
	[dreg:$0x7] =	wrdreg s17  }
0x9: {  	s19 =	simm.s32 $0x2B80;
	s20 =	simm.s32 $0x5580;
	[dreg:$0x8] =	wrdreg s18  }
0xa: {  	s21 =	simm.s32 $0x55E0;
	s22 =	simm.s32 $0x5640;
	[dreg:$0x9] =	wrdreg s19  }
0xb: {  	s9 =	simm.s32 $0x8040;
	s10 =	simm.s32 $0x80A0;
	[dreg:$0xa] =	wrdreg s20  }
0xc: {  	s23 =	simm.s32 $0xAB00;
	s25 =	simm.s32 $0xAB60;
	[dreg:$0xb] =	wrdreg s21  }
0xd: {  	s26 =	simm.s32 $0xABC0;
	s29 =	simm.s32 $0xD5C0;
	[dreg:$0xc] =	wrdreg s22  }
0xe: {  	s30 =	simm.s32 $0xD620;
	s31 =	simm.s32 $0xD680;
	[dreg:$0xd] =	wrdreg s9  }
0xf: {  	s4 =	sadd.s32 $0x400, s0;
	s15 =	sadd.s32 $0x126400, s0;
	[dreg:$0xe] =	wrdreg s10  }
0x10: {  	s12 =	sand.u32 $0x1, s6;
	s6 =	simm.s32 $0x2;
	[dreg:$0x10] =	wrdreg s23  }
0x11: {  	s2 =	simm.s32 $0x0;
	s7 =	ssub.s32 $0x2, s12;
	[dreg:$0x11] =	wrdreg s25  }
0x12: {  	s13 =	sshll.u32 s3, $0x1;
	p0 =	seq.s32 s12, $0x1;
	[dreg:$0x12] =	wrdreg s26  }
0x13: {  	s16 =	sadd.s32 $0x12640C, s0;
	s17 =	sadd.s32 $0x126418, s0;
	[dreg:$0x13] =	wrdreg s29  }
0x14: {  	s9 =	sadd.s32 $0x126430, s0;
	s14 =	simm.s32 $0x8100;
	[dreg:$0x14] =	wrdreg s30  }
0x15: {  	s10 =	sadd.s32 $0x12643C, s0;
	s18 =	simm.s32 $0x60;
	[dreg:$0x15] =	wrdreg s31  }
0x16: {  	s19 =	simm.s32 $0x360;
	s8 =	sshrl.u32 s7, $0x1;
	[dreg:$0xf] =	wrdreg s14  }
0x17: {  	s3 =	sor.u32 s13, s12;
	s13 =	smov.u32 s4;
	s12 =	simm.s32 $0x0  }
0x18: {  	s11 =	ssub.s32 s7, s8;
	s28 =	ssub.s32 $0x1, s3;
	[dreg:$0x16] =	wrdreg s3  }
0x19: {  	s14 =	simm.s32 $0x1;
	s24 =	smax.u32 s11, $0x1;
	[dreg:$0x1b] =	wrdreg s28  }
0x1a: {  	v0 =	vimm.f32 $0.0e+00;
	s4 =	simm.s32 $0x3;
	s8 =	sadd.s32 $0x126424, s0;
	[dreg:$0x1a] =	wrdreg s24  }
.LBB2_1:
0x1b: {  	[tilespmem:$0x0] =	vst v0  }
0x1c: {  	[tilespmem:$0x10] =	vst v0  }
0x1d: {  	[tilespmem:$0x20] =	vst v0  }
0x1e: {  	[tilespmem:$0x30] =	vst v0  }
0x1f: {  	[tilespmem:$0x40] =	vst v0  }
0x20: {  	[tilespmem:$0x50] =	vst v0  }
0x21: {  	[tilespmem:$0x2A60] =	vst v0  }
0x22: {  	[tilespmem:$0x2A70] =	vst v0  }
0x23: {  	[tilespmem:$0x2A80] =	vst v0  }
0x24: {  	[tilespmem:$0x2A90] =	vst v0  }
0x25: {  	[tilespmem:$0x2AA0] =	vst v0  }
0x26: {  	[tilespmem:$0x2AB0] =	vst v0  }
0x27: {  	[tilespmem:$0x2AC0] =	vst v0  }
0x28: {  	[tilespmem:$0x2AD0] =	vst v0  }
0x29: {  	[tilespmem:$0x2AE0] =	vst v0  }
0x2a: {  	[tilespmem:$0x2AF0] =	vst v0  }
0x2b: {  	[tilespmem:$0x2B00] =	vst v0  }
0x2c: {  	[tilespmem:$0x2B10] =	vst v0  }
0x2d: {  	[tilespmem:$0x5520] =	vst v0  }
0x2e: {  	[tilespmem:$0x5530] =	vst v0  }
0x2f: {  	[tilespmem:$0x5540] =	vst v0  }
0x30: {  	[tilespmem:$0x5550] =	vst v0  }
0x31: {  	[tilespmem:$0x5560] =	vst v0  }
0x32: {  	[tilespmem:$0x5570] =	vst v0  }
0x33: {  	[tilespmem:$0x5580] =	vst v0  }
0x34: {  	[tilespmem:$0x5590] =	vst v0  }
0x35: {  	[tilespmem:$0x55A0] =	vst v0  }
0x36: {  	[tilespmem:$0x55B0] =	vst v0  }
0x37: {  	[tilespmem:$0x55C0] =	vst v0  }
0x38: {  	[tilespmem:$0x55D0] =	vst v0  }
0x39: {  	[tilespmem:$0x7FE0] =	vst v0  }
0x3a: {  	[tilespmem:$0x7FF0] =	vst v0  }
0x3b: {  	[tilespmem:$0x8000] =	vst v0  }
0x3c: {  	[tilespmem:$0x8010] =	vst v0  }
0x3d: {  	[tilespmem:$0x8020] =	vst v0  }
0x3e: {  	[tilespmem:$0x8030] =	vst v0  }
0x3f: {  	[tilespmem:$0x8040] =	vst v0  }
0x40: {  	[tilespmem:$0x8050] =	vst v0  }
0x41: {  	[tilespmem:$0x8060] =	vst v0  }
0x42: {  	[tilespmem:$0x8070] =	vst v0  }
0x43: {  	[tilespmem:$0x8080] =	vst v0  }
0x44: {  	[tilespmem:$0x8090] =	vst v0  }
0x45: {  	[tilespmem:$0xAAA0] =	vst v0  }
0x46: {  	[tilespmem:$0xAAB0] =	vst v0  }
0x47: {  	[tilespmem:$0xAAC0] =	vst v0  }
0x48: {  	[tilespmem:$0xAAD0] =	vst v0  }
0x49: {  	[tilespmem:$0xAAE0] =	vst v0  }
0x4a: {  	[tilespmem:$0xAAF0] =	vst v0  }
0x4b: {  	[tilespmem:$0xAB00] =	vst v0  }
0x4c: {  	[tilespmem:$0xAB10] =	vst v0  }
0x4d: {  	[tilespmem:$0xAB20] =	vst v0  }
0x4e: {  	[tilespmem:$0xAB30] =	vst v0  }
0x4f: {  	[tilespmem:$0xAB40] =	vst v0  }
0x50: {  	[tilespmem:$0xAB50] =	vst v0  }
0x51: {  	[tilespmem:$0xD560] =	vst v0  }
0x52: {  	[tilespmem:$0xD570] =	vst v0  }
0x53: {  	[tilespmem:$0xD580] =	vst v0  }
0x54: {  	[tilespmem:$0xD590] =	vst v0  }
0x55: {  	s23 =	rddreg [dreg:$0x3];
	[tilespmem:$0xD5A0] =	vst v0;
	p1 =	por $0x0, $0x0  }
0x56: {  	[tilespmem:$0xD5B0] =	vst v0;
	s0 =	sadd.s32 $0x0, s3;
	s23 =	simm.s32 @!p1 $0x0  }
0x57: {  	[tilespmem:$0xD5C0] =	vst v0;
	s21 =	sadd.s32 s23, s0  }
0x58: {  	[dreg:$0x1c] =	wrdreg s2;
	[tilespmem:$0xD5D0] =	vst v0;
	p2 =	slt.s32 s21, $0x1  }
0x59: {  	[tilespmem:$0xD5E0] =	vst v0;
	s24 =	simm.s32 $0x1;
	s22 =	sshrl.u32 s21, $0x1F;
	p2 =	por !p2, !p0  }
0x5a: {  	[tilespmem:$0xD5F0] =	vst v0;
	s2 =	rddreg [dreg:$0x1b];
	s22 =	sadd.s32 s22, s21;
	p2 =	por !p2, !p2  }
0x5b: {  	[tilespmem:$0xD600] =	vst v0;
	s20 =	sadd.s32 $0x20, s21;
	s22 =	sshra.s32 s22, $0x1;
	s24 =	simm.s32 @!p2 $0x0  }
0x5c: {  	[tilespmem:$0xD610] =	vst v0;
	p6 =	slt.s32 s20, $0x1;
	s7 =	sshrl.u32 s20, $0x1F;
	s22 =	ssub.s32 s22, s24  }
0x5d: {  	[tilespmem:$0x10020] =	vst v0;
	s24 =	sshll.u32 s22, $0x1;
	p2 =	slt.s32 s22, $0x1;
	p4 =	sgt.s32 s22, $0xDE  }
0x5e: {  	[tilespmem:$0x10030] =	vst v0;
	s25 =	ssub.s32 s24, s23;
	p3 =	por @!p2 $0x0, $0x0;
	s26 =	smul.u32 @!p2 $0x5400, s22  }
0x5f: {  	[tilespmem:$0x10040] =	vst v0;
	s28 =	simm.s32 @!p2 $0x492C00;
	s24 =	ssub.s32 s23, s24;
	s25 =	sadd.s32 s25, s2  }
0x60: {  	[tilespmem:$0x10050] =	vst v0;
	p3 =	por !p3, p2;
	s24 =	sadd.s32 s24, s0;
	s29 =	smul.u32 @p2 $0x180, s25  }
0x61: {  	[tilespmem:$0x10060] =	vst v0;
	s5 =	simm.s32 @p2 $0x0;
	s28 =	simm.s32 @p3 $0xFFFFAC00;
	s31 =	smul.u32 @!p2 $0x29A0, s24  }
0x62: {  	[tilespmem:$0x10070] =	vst v0;
	p3 =	por !p6, !p0;
	s28 =	sadd.s32 @!p2 s26, s28;
	s30 =	sshra.s32 @p2 s29, $0x2  }
0x63: {  	[tilespmem:s30], [sflag:$0x1] =	stream.linear.gather @p2 [hbm4b:s1+s5], $0x2A60, $0x38;
	[tilespmem:$0x10080] =	vst v63  }
0x64: {  	p3 =	por !p3, !p3;
	s21 =	sadd.s32 @!p2 s31, s28;
	s30 =	smul.u32 @!p2 $0x180, s25  }
0x65: {  	s28 =	simm.s32 @!p2 $0x0;
	s21 =	sshrl.u32 @!p2 s21, $0x3;
	s5 =	sadd.s32 s7, s20  }
0x66: {  	s21 =	sadd.s32 @!p2 s13, s21;
	s5 =	sshra.s32 s5, $0x1;
	s25 =	sshra.s32 @!p2 s30, $0x2  }
0x67: {  	[tilespmem:s25], [sflag:$0x1] =	stream.linear.gather @!p2 [hbm4b:s21+s28], $0x2A60, $0x38;
	[tilespmem:$0x10080] =	vst v63  }
0x68: {  	s30 =	smov.u32 @p2 s29;
	s29 =	smul.u32 @p2 $0x29A0, s24;
	s25 =	rddreg [dreg:$0x4]  }
0x69: {  	s21 =	simm.s32 $0x1;
	s28 =	smul.u32 @p2 $0x5400, s22;
	s30 =	sshra.s32 s30, $0x2  }
0x6a: {  	s21 =	simm.s32 @!p3 $0x0;
	s25 =	simm.s32 @!p1 $0x0;
	s31 =	smov.u32 @p2 s29  }
0x6b: {  	s29 =	sadd.s32 @!p4 $0x5580, s30;
	s21 =	ssub.s32 s5, s21;
	s26 =	smov.u32 @p2 s28  }
0x6c: {  	s5 =	sshll.u32 s21, $0x1;
	s20 =	sadd.s32 s25, s26;
	s26 =	sadd.s32 @!p4 s25, s26  }
0x6d: {  	p3 =	slt.s32 s21, $0x1;
	s11 =	ssub.s32 s23, s5;
	s5 =	ssub.s32 s5, s23  }
0x6e: {  	s7 =	sadd.s32 s31, s20;
	s26 =	sadd.s32 @!p4 s31, s26;
	s0 =	sadd.s32 s11, s0  }
0x6f: {  	s11 =	sadd.s32 @p4 $0x5580, s30;
	s5 =	sadd.s32 s5, s2;
	s26 =	sadd.s32 @!p4 $0x5400, s26  }
0x70: {  	s23 =	sadd.s32 $0x20, s0;
	s0 =	sadd.s32 $0xFFFFFFE0, s5;
	s5 =	sshrl.u32 s7, $0x3  }
0x71: {  	s30 =	sadd.s32 $0x2AC0, s30;
	s28 =	smul.u32 @!p3 $0x29A0, s23;
	s5 =	sadd.s32 s13, s5  }
0x72: {  	[tilespmem:s30], [sflag:$0x1] =	stream.linear.gather [hbm4b:s5+s12], $0x2A60, $0x38;
	[tilespmem:$0x10080] =	vst v63  }
0x73: {  	s26 =	sshrl.u32 @!p4 s26, $0x3;
	s5 =	smul.u32 @p3 $0x180, s0;
	s30 =	simm.s32 @p4 $0x0  }
0x74: {  	[tilespmem:s11], [sflag:$0x1] =	stream.linear.gather @p4 [hbm4b:s1+s30], $0x2A60, $0x38;
	[tilespmem:$0x10080] =	vst v63  }
0x75: {  	s26 =	sadd.s32 @!p4 s13, s26;
	s11 =	simm.s32 @!p4 $0x0;
	s30 =	smul.u32 @!p3 $0x5400, s21  }
0x76: {  	[tilespmem:s29], [sflag:$0x1] =	stream.linear.gather @!p4 [hbm4b:s26+s11], $0x2A60, $0x38;
	[tilespmem:$0x10080] =	vst v63  }
0x77: {  	s11 =	sadd.s32 @!p3 s30, s25  }
0x78: {  	s0 =	smul.u32 @!p3 $0x180, s0;
	s29 =	sshra.s32 @p3 s5, $0x2;
	s11 =	sadd.s32 @!p3 s28, s11  }
0x79: {  	s26 =	simm.s32 @p3 $0x0;
	s29 =	sadd.s32 @p3 $0x8040, s29;
	s11 =	sadd.s32 @!p3 $0xFFFFAC00, s11  }
0x7a: {  	[tilespmem:s29], [sflag:$0x2] =	stream.linear.gather @p3 [hbm4b:s1+s26], $0x2A60, $0x38;
	[tilespmem:$0x10080] =	vst v63  }
0x7b: {  	s26 =	sshra.s32 @!p3 s0, $0x2;
	s11 =	sshrl.u32 @!p3 s11, $0x3  }
0x7c: {  	s29 =	simm.s32 @!p3 $0x0;
	s26 =	sadd.s32 @!p3 $0x8040, s26;
	s11 =	sadd.s32 @!p3 s13, s11  }
0x7d: {  	[tilespmem:s26], [sflag:$0x2] =	stream.linear.gather @!p3 [hbm4b:s11+s29], $0x2A60, $0x38;
	[tilespmem:$0x10080] =	vst v63  }
0x7e: {  	s11 =	smul.u32 @p3 $0x5400, s21  }
0x7f: {  	s26 =	smul.u32 @p3 $0x29A0, s23  }
0x80: {  	s30 =	smov.u32 @p3 s11  }
0x81: {  	p2 =	sgt.s32 s21, $0xDE;
	s28 =	smov.u32 @p3 s26;
	s11 =	sadd.s32 s25, s30  }
0x82: {  	s0 =	smov.u32 @p3 s5;
	s5 =	sadd.s32 @!p2 s25, s30;
	s11 =	sadd.s32 s28, s11  }
0x83: {  	s0 =	sshra.s32 s0, $0x2;
	s5 =	sadd.s32 @!p2 s28, s5;
	s11 =	sshrl.u32 s11, $0x3  }
0x84: {  	s20 =	sadd.s32 $0xAB00, s0;
	s5 =	sadd.s32 @!p2 $0x5400, s5;
	s11 =	sadd.s32 s13, s11  }
0x85: {  	[tilespmem:s20], [sflag:$0x2] =	stream.linear.gather [hbm4b:s11+s12], $0x2A60, $0x38;
	[tilespmem:$0x10080] =	vst v63  }
0x86: {  	s25 =	simm.s32 @p2 $0x0;
	s5 =	sshrl.u32 @!p2 s5, $0x3;
	s11 =	sadd.s32 @p2 $0xD5C0, s0  }
0x87: {  	[tilespmem:s11], [sflag:$0x2] =	stream.linear.gather @p2 [hbm4b:s1+s25], $0x2A60, $0x38;
	[tilespmem:$0x10080] =	vst v63  }
0x88: {  	s0 =	sadd.s32 @!p2 $0xD5C0, s0;
	s5 =	sadd.s32 @!p2 s13, s5;
	s11 =	simm.s32 @!p2 $0x0  }
0x89: {  	[tilespmem:s0], [sflag:$0x2] =	stream.linear.gather @!p2 [hbm4b:s5+s11], $0x2A60, $0x38;
	[tilespmem:$0x10080] =	vst v63  }
0x8a: {  	_ =	swait.ge [sflag:s14], $0x2A60  }
0x8b: {  	[sflag:s14] =	ssyncset.done $0x0  }
0x8c: {  	[sflag:s14] =	ssyncadd.s32 $0xFFFFD5A0  }
0x8d: {  	_ =	swait.ge [sflag:s14], $0x2A60  }
0x8e: {  	[sflag:s14] =	ssyncset.done $0x0  }
0x8f: {  	[sflag:s14] =	ssyncadd.s32 $0xFFFFD5A0  }
0x90: {  	_ =	swait.ge [sflag:s14], $0x2A60  }
0x91: {  	s22 =	smul.u32 $0x2F400, s22;
	s0 =	rddreg [dreg:$0x5]  }
0x92: {  	s24 =	smul.u32 $0x17A00, s24;
	s0 =	simm.s32 @!p1 $0x0  }
0x93: {  	s5 =	sadd.s32 s0, s22  }
0x94: {  	s5 =	sadd.s32 s24, s5  }
0x95: {  	[sflag:s14] =	ssyncset.done $0x0;
	s11 =	sshrl.u32 s5, $0x3  }
0x96: {  	[sflag:s14] =	ssyncadd.s32 $0xFFFFD5A0;
	s25 =	sadd.s32 s15, s11  }
0x97: {  	[hbm4b:s25+s18] =	stream.strided.scatter [tilespmem:s12], [sflag:$0x3], $0x2A00, s19, s18, $0x38;
	[tilespmem:$0x10080] =	vst v63  }
0x98: {  	s26 =	sadd.s32 s11, s16  }
0x99: {  	[hbm4b:s26+s18] =	stream.strided.scatter [tilespmem:s18], [sflag:$0x3], $0x2A00, s19, s18, $0x38;
	[tilespmem:$0x10080] =	vst v63  }
0x9a: {  	s28 =	rddreg [dreg:$0x6];
	s29 =	sadd.s32 s11, s17  }
0x9b: {  	[hbm4b:s29+s18] =	stream.strided.scatter [tilespmem:s28], [sflag:$0x3], $0x2A00, s19, s18, $0x38;
	[tilespmem:$0x10080] =	vst v63  }
0x9c: {  	s30 =	rddreg [dreg:$0x7];
	s31 =	sadd.s32 s11, s8  }
0x9d: {  	[hbm4b:s31+s18] =	stream.strided.scatter [tilespmem:s30], [sflag:$0x3], $0x2A00, s19, s18, $0x38;
	[tilespmem:$0x10080] =	vst v63  }
0x9e: {  	s1 =	rddreg [dreg:$0x8];
	s7 =	sadd.s32 s11, s9  }
0x9f: {  	[hbm4b:s7+s18] =	stream.strided.scatter [tilespmem:s1], [sflag:$0x3], $0x2A00, s19, s18, $0x38;
	[tilespmem:$0x10080] =	vst v63  }
0xa0: {  	s14 =	sadd.s32 $0x240, s5;
	s11 =	sadd.s32 s11, s10;
	s12 =	rddreg [dreg:$0x9]  }
0xa1: {  	[hbm4b:s11+s18] =	stream.strided.scatter [tilespmem:s12], [sflag:$0x3], $0x2A00, s19, s18, $0x38;
	[tilespmem:$0x10080] =	vst v63  }
0xa2: {  	s11 =	sshrl.u32 s14, $0x3  }
0xa3: {  	s20 =	rddreg [dreg:$0xa];
	s22 =	sadd.s32 $0x2A0, s5;
	s11 =	sadd.s32 s15, s11  }
0xa4: {  	[hbm4b:s11+s18] =	stream.strided.scatter [tilespmem:s20], [sflag:$0x3], $0x2A00, s19, s18, $0x38;
	[tilespmem:$0x10080] =	vst v63  }
0xa5: {  	s5 =	sadd.s32 $0x300, s5;
	s11 =	sshrl.u32 s22, $0x3  }
0xa6: {  	s24 =	rddreg [dreg:$0xb];
	s5 =	sshrl.u32 s5, $0x3;
	s11 =	sadd.s32 s15, s11  }
0xa7: {  	[hbm4b:s11+s18] =	stream.strided.scatter [tilespmem:s24], [sflag:$0x3], $0x2A00, s19, s18, $0x38;
	[tilespmem:$0x10080] =	vst v63  }
0xa8: {  	s25 =	rddreg [dreg:$0xc];
	s5 =	sadd.s32 s15, s5  }
0xa9: {  	[hbm4b:s5+s18] =	stream.strided.scatter [tilespmem:s25], [sflag:$0x3], $0x2A00, s19, s18, $0x38;
	[tilespmem:$0x10080] =	vst v63  }
0xaa: {  	_ =	swait.ge [sflag:s6], $0x2A60  }
0xab: {  	[sflag:s6] =	ssyncset.done $0x0  }
0xac: {  	[sflag:s6] =	ssyncadd.s32 $0xFFFFD5A0  }
0xad: {  	s26 =	smul.u32 $0x2F400, s21;
	_ =	swait.ge [sflag:s6], $0x2A60  }
0xae: {  	s28 =	smul.u32 $0x17A00, s23;
	[sflag:s6] =	ssyncset.done $0x0  }
0xaf: {  	s0 =	sadd.s32 s0, s26;
	[sflag:s6] =	ssyncadd.s32 $0xFFFFD5A0  }
0xb0: {  	s0 =	sadd.s32 s28, s0;
	_ =	swait.ge [sflag:s6], $0x2A60  }
0xb1: {  	s11 =	sshrl.u32 s0, $0x3;
	[sflag:s6] =	ssyncset.done $0x0  }
0xb2: {  	s30 =	sadd.s32 s15, s11;
	s29 =	rddreg [dreg:$0xd];
	[sflag:s6] =	ssyncadd.s32 $0xFFFFD5A0  }
0xb3: {  	[hbm4b:s30+s18] =	stream.strided.scatter [tilespmem:s29], [sflag:$0x4], $0x2A00, s19, s18, $0x38;
	[tilespmem:$0x10080] =	vst v63  }
0xb4: {  	s1 =	sadd.s32 s11, s16;
	s31 =	rddreg [dreg:$0xe]  }
0xb5: {  	[hbm4b:s1+s18] =	stream.strided.scatter [tilespmem:s31], [sflag:$0x4], $0x2A00, s19, s18, $0x38;
	[tilespmem:$0x10080] =	vst v63  }
0xb6: {  	s7 =	sadd.s32 s11, s17;
	s6 =	rddreg [dreg:$0xf]  }
0xb7: {  	[hbm4b:s7+s18] =	stream.strided.scatter [tilespmem:s6], [sflag:$0x4], $0x2A00, s19, s18, $0x38;
	[tilespmem:$0x10080] =	vst v63  }
0xb8: {  	s14 =	sadd.s32 s11, s8;
	s12 =	rddreg [dreg:$0x10]  }
0xb9: {  	[hbm4b:s14+s18] =	stream.strided.scatter [tilespmem:s12], [sflag:$0x4], $0x2A00, s19, s18, $0x38;
	[tilespmem:$0x10080] =	vst v63  }
0xba: {  	s22 =	sadd.s32 s11, s9;
	s25 =	sadd.s32 $0x240, s0;
	s20 =	rddreg [dreg:$0x11]  }
0xbb: {  	[hbm4b:s22+s18] =	stream.strided.scatter [tilespmem:s20], [sflag:$0x4], $0x2A00, s19, s18, $0x38;
	[tilespmem:$0x10080] =	vst v63  }
0xbc: {  	s24 =	sadd.s32 s11, s10;
	s5 =	sshrl.u32 s25, $0x3;
	s23 =	rddreg [dreg:$0x12]  }
0xbd: {  	[hbm4b:s24+s18] =	stream.strided.scatter [tilespmem:s23], [sflag:$0x4], $0x2A00, s19, s18, $0x38;
	[tilespmem:$0x10080] =	vst v63  }
0xbe: {  	s28 =	sadd.s32 $0x2A0, s0;
	s5 =	sadd.s32 s15, s5;
	s26 =	rddreg [dreg:$0x13]  }
0xbf: {  	[hbm4b:s5+s18] =	stream.strided.scatter [tilespmem:s26], [sflag:$0x4], $0x2A00, s19, s18, $0x38;
	[tilespmem:$0x10080] =	vst v63  }
0xc0: {  	s0 =	sadd.s32 $0x300, s0;
	s5 =	sshrl.u32 s28, $0x3  }
0xc1: {  	s0 =	sshrl.u32 s0, $0x3;
	s29 =	rddreg [dreg:$0x14];
	s5 =	sadd.s32 s15, s5  }
0xc2: {  	[hbm4b:s5+s18] =	stream.strided.scatter [tilespmem:s29], [sflag:$0x4], $0x2A00, s19, s18, $0x38;
	[tilespmem:$0x10080] =	vst v63  }
0xc3: {  	s0 =	sadd.s32 s15, s0;
	s30 =	rddreg [dreg:$0x15]  }
0xc4: {  	[hbm4b:s0+s18] =	stream.strided.scatter [tilespmem:s30], [sflag:$0x4], $0x2A00, s19, s18, $0x38;
	[tilespmem:$0x10080] =	vst v63  }
0xc5: {  	_ =	swait.ge [sflag:s4], $0x2A00  }
0xc6: {  	[sflag:s4] =	ssyncset.done $0x0  }
0xc7: {  	[sflag:s4] =	ssyncadd.s32 $0xFFFFD600  }
0xc8: {  	_ =	swait.ge [sflag:s4], $0x2A00  }
0xc9: {  	[sflag:s4] =	ssyncset.done $0x0  }
0xca: {  	[sflag:s4] =	ssyncadd.s32 $0xFFFFD600  }
0xcb: {  	_ =	swait.ge [sflag:s4], $0x2A00  }
0xcc: {  	[sflag:s4] =	ssyncset.done $0x0  }
0xcd: {  	[sflag:s4] =	ssyncadd.s32 $0xFFFFD600  }
0xce: {  	_ =	swait.ge [sflag:s4], $0x2A00  }
0xcf: {  	[sflag:s4] =	ssyncset.done $0x0  }
0xd0: {  	[sflag:s4] =	ssyncadd.s32 $0xFFFFD600  }
0xd1: {  	_ =	swait.ge [sflag:s4], $0x2A00  }
0xd2: {  	[sflag:s4] =	ssyncset.done $0x0  }
0xd3: {  	[sflag:s4] =	ssyncadd.s32 $0xFFFFD600  }
0xd4: {  	_ =	swait.ge [sflag:s4], $0x2A00  }
0xd5: {  	[sflag:s4] =	ssyncset.done $0x0  }
0xd6: {  	[sflag:s4] =	ssyncadd.s32 $0xFFFFD600  }
0xd7: {  	_ =	swait.ge [sflag:s4], $0x2A00  }
0xd8: {  	[sflag:s4] =	ssyncset.done $0x0  }
0xd9: {  	[sflag:s4] =	ssyncadd.s32 $0xFFFFD600  }
0xda: {  	_ =	swait.ge [sflag:s4], $0x2A00  }
0xdb: {  	[sflag:s4] =	ssyncset.done $0x0  }
0xdc: {  	[sflag:s4] =	ssyncadd.s32 $0xFFFFD600  }
0xdd: {  	_ =	swait.ge [sflag:s4], $0x2A00  }
0xde: {  	[sflag:s4] =	ssyncset.done $0x0  }
0xdf: {  	s31 =	simm.s32 $0x4;
	[sflag:s4] =	ssyncadd.s32 $0xFFFFD600  }
0xe0: {  	s2 =	sadd.s32 $0xFFFFFFC0, s2;
	_ =	swait.ge [sflag:s31], $0x2A00  }
0xe1: {  	s1 =	simm.s32 $0x40;
	s7 =	simm.s32 $0x0;
	[sflag:s31] =	ssyncset.done $0x0  }
.LBB2_2:
0xe2: {  	[dreg:$0x18] =	wrdreg s2;
	s7 =	sadd.s32 $0x1, s7  }
0xe3: {  	s22 =	simm.s32 $0x4;
	s12 =	sadd.s32 $0x40, s1;
	[dreg:$0x19] =	wrdreg s7  }
0xe4: {  	[sflag:s22] =	ssyncadd.s32 $0xFFFFD600;
	[dreg:$0x17] =	wrdreg s12  }
0xe5: {  	_ =	swait.ge [sflag:s22], $0x2A00  }
0xe6: {  	[sflag:s22] =	ssyncset.done $0x0  }
0xe7: {  	[sflag:s22] =	ssyncadd.s32 $0xFFFFD600  }
0xe8: {  	_ =	swait.ge [sflag:s22], $0x2A00  }
0xe9: {  	[sflag:s22] =	ssyncset.done $0x0  }
0xea: {  	[sflag:s22] =	ssyncadd.s32 $0xFFFFD600  }
0xeb: {  	_ =	swait.ge [sflag:s22], $0x2A00  }
0xec: {  	[sflag:s22] =	ssyncset.done $0x0  }
0xed: {  	[sflag:s22] =	ssyncadd.s32 $0xFFFFD600  }
0xee: {  	_ =	swait.ge [sflag:s22], $0x2A00  }
0xef: {  	[sflag:s22] =	ssyncset.done $0x0  }
0xf0: {  	[sflag:s22] =	ssyncadd.s32 $0xFFFFD600  }
0xf1: {  	_ =	swait.ge [sflag:s22], $0x2A00  }
0xf2: {  	[sflag:s22] =	ssyncset.done $0x0  }
0xf3: {  	[sflag:s22] =	ssyncadd.s32 $0xFFFFD600  }
0xf4: {  	_ =	swait.ge [sflag:s22], $0x2A00  }
0xf5: {  	[sflag:s22] =	ssyncset.done $0x0  }
0xf6: {  	[sflag:s22] =	ssyncadd.s32 $0xFFFFD600  }
0xf7: {  	_ =	swait.ge [sflag:s22], $0x2A00  }
0xf8: {  	[sflag:s22] =	ssyncset.done $0x0  }
0xf9: {  	s0 =	smov.u32 s1;
	s21 =	smov.u32 s10;
	[sflag:s22] =	ssyncadd.s32 $0xFFFFD600  }
0xfa: {  	s10 =	smov.u32 s16;
	s16 =	smov.u32 s15;
	_ =	swait.ge [sflag:s22], $0x2A00  }
0xfb: {  	s15 =	smov.u32 s13;
	p2 =	sgt.u32 s7, $0x6;
	s30 =	rddreg [dreg:$0x3]  }
0xfc: {  	p1 =	sne.s32 s12, $0x380;
	s28 =	sadd.s32 s0, s3;
	s30 =	simm.s32 @!p2 $0x0  }
0xfd: {  	[sflag:s22] =	ssyncset.done $0x0;
	s29 =	rddreg [dreg:$0x4];
	s0 =	sadd.s32 s30, s28  }
0xfe: {  	[sflag:s22] =	ssyncadd.s32 $0xFFFFD600;
	s29 =	simm.s32 @!p2 $0x0;
	p3 =	slt.s32 s0, $0x1  }
0xff: {  	s5 =	sshrl.u32 s0, $0x1F;
	s11 =	sadd.s32 $0x20, s0;
	p3 =	por !p3, !p0  }
0x100: {  	s0 =	sadd.s32 s5, s0;
	s5 =	simm.s32 $0x1;
	p3 =	por !p3, !p3  }
0x101: {  	p4 =	slt.s32 s11, $0x1;
	s0 =	sshra.s32 s0, $0x1;
	s5 =	simm.s32 @!p3 $0x0  }
0x102: {  	s25 =	sshrl.u32 s11, $0x1F;
	p6 =	por !p4, !p0;
	s24 =	ssub.s32 s0, s5  }
0x103: {  	s14 =	sadd.s32 s25, s11;
	p3 =	por !p6, !p6;
	s5 =	sshll.u32 s24, $0x1  }
0x104: {  	s0 =	sshra.s32 s14, $0x1;
	p6 =	slt.s32 s24, $0x1;
	s18 =	ssub.s32 s30, s5  }
0x105: {  	s5 =	ssub.s32 s5, s30;
	p4 =	sgt.u32 @!p6 s7, $0x6;
	s11 =	smul.u32 @!p6 $0x5400, s24  }
0x106: {  	s26 =	simm.s32 @!p6 $0x492C00;
	s31 =	smul.u32 @p6 $0x5400, s24;
	s3 =	simm.s32 @p6 $0x0  }
0x107: {  	s25 =	sadd.s32 s18, s28;
	p4 =	por !p4, p6;
	s5 =	sadd.s32 s5, s2  }
0x108: {  	s18 =	smov.u32 s8;
	s13 =	smul.u32 @p6 $0x29A0, s25;
	s26 =	simm.s32 @p4 $0xFFFFAC00  }
0x109: {  	s20 =	smul.u32 @p6 $0x180, s5;
	s12 =	sadd.s32 @!p6 s11, s26;
	s26 =	simm.s32 $0x1  }
0x10a: {  	s5 =	smul.u32 @!p6 $0x180, s5;
	s11 =	smov.u32 @p6 s31;
	s26 =	simm.s32 @!p3 $0x0  }
0x10b: {  	p3 =	sgt.s32 s24, $0xDE;
	s2 =	sshra.s32 @p6 s20, $0x2;
	s1 =	sadd.s32 s29, s11  }
0x10c: {  	s6 =	sshra.s32 @!p6 s5, $0x2;
	s5 =	smov.u32 @p6 s20;
	s26 =	ssub.s32 s0, s26  }
0x10d: {  	s11 =	sadd.s32 @!p3 s29, s11;
	s5 =	sshra.s32 s5, $0x2;
	s19 =	sshll.u32 s26, $0x1  }
0x10e: {  	p4 =	slt.s32 s26, $0x1;
	s0 =	sadd.s32 @p3 $0x5580, s5;
	s31 =	sadd.s32 @!p3 $0x5580, s5  }
0x10f: {  	p5 =	sgt.s32 s26, $0xDE;
	s23 =	ssub.s32 s30, s19;
	s20 =	ssub.s32 s19, s30  }
0x110: {  	s8 =	smul.u32 @p4 $0x5400, s26;
	s19 =	smov.u32 s9;
	s30 =	rddreg [dreg:$0x18]  }
0x111: {  	s9 =	smul.u32 @!p6 $0x29A0, s25;
	s7 =	sadd.s32 s23, s28;
	s4 =	sadd.s32 s20, s30  }
0x112: {  	s30 =	simm.s32 @!p3 $0x0;
	s23 =	rddreg [dreg:$0x1];
	s28 =	sadd.s32 $0x20, s7  }
0x113: {  	[tilespmem:s2], [sflag:$0x1] =	stream.linear.gather @p6 [hbm4b:s23+s3], $0x2A60, $0x38;
	[tilespmem:$0x10080] =	vst v63  }
0x114: {  	s7 =	sadd.s32 $0xFFFFFFE0, s4;
	s4 =	smul.u32 @!p4 $0x5400, s26;
	s2 =	sadd.s32 @!p6 s9, s12  }
0x115: {  	s12 =	simm.s32 $0x0;
	s9 =	smov.u32 @p6 s13;
	s20 =	smul.u32 @!p4 $0x29A0, s28  }
0x116: {  	s13 =	smov.u32 s15;
	s14 =	smul.u32 @p4 $0x180, s7;
	s2 =	sshrl.u32 @!p6 s2, $0x3  }
0x117: {  	s1 =	sadd.s32 s9, s1;
	s9 =	sadd.s32 @!p3 s9, s11;
	s11 =	simm.s32 @!p6 $0x0  }
0x118: {  	s7 =	smul.u32 @!p4 $0x180, s7;
	s2 =	sadd.s32 @!p6 s13, s2;
	s9 =	sadd.s32 @!p3 $0x5400, s9  }
0x119: {  	s1 =	sshrl.u32 s1, $0x3;
	s3 =	sshra.s32 @p4 s14, $0x2;
	s9 =	sshrl.u32 @!p3 s9, $0x3  }
0x11a: {  	[tilespmem:s6], [sflag:$0x1] =	stream.linear.gather @!p6 [hbm4b:s2+s11], $0x2A60, $0x38;
	[tilespmem:$0x10080] =	vst v63  }
0x11b: {  	s6 =	sadd.s32 $0x2AC0, s5;
	s1 =	sadd.s32 s13, s1;
	s5 =	smov.u32 s4  }
0x11c: {  	s2 =	sshra.s32 @!p4 s7, $0x2;
	s7 =	smov.u32 @p4 s14;
	s4 =	sadd.s32 @!p4 s4, s29  }
0x11d: {  	s5 =	smov.u32 @p4 s8;
	s8 =	simm.s32 @p3 $0x0;
	s4 =	sadd.s32 @!p4 s20, s4  }
0x11e: {  	[tilespmem:s6], [sflag:$0x1] =	stream.linear.gather [hbm4b:s1+s12], $0x2A60, $0x38;
	[tilespmem:$0x10080] =	vst v63  }
0x11f: {  	s1 =	smul.u32 @p4 $0x29A0, s28;
	s11 =	sadd.s32 s29, s5;
	s5 =	sadd.s32 @!p5 s29, s5  }
0x120: {  	[tilespmem:s0], [sflag:$0x1] =	stream.linear.gather @p3 [hbm4b:s23+s8], $0x2A60, $0x38;
	[tilespmem:$0x10080] =	vst v63  }
0x121: {  	s20 =	smov.u32 @p4 s1;
	s1 =	sadd.s32 @!p3 s13, s9;
	s0 =	sadd.s32 @!p4 $0xFFFFAC00, s4  }
0x122: {  	s6 =	sadd.s32 s20, s11;
	s5 =	sadd.s32 @!p5 s20, s5;
	s0 =	sshrl.u32 @!p4 s0, $0x3  }
0x123: {  	[tilespmem:s31], [sflag:$0x1] =	stream.linear.gather @!p3 [hbm4b:s1+s30], $0x2A60, $0x38;
	[tilespmem:$0x10080] =	vst v63  }
0x124: {  	s6 =	sshrl.u32 s6, $0x3;
	s5 =	sadd.s32 @!p5 $0x5400, s5;
	s1 =	sadd.s32 @p4 $0x8040, s3  }
0x125: {  	s0 =	sadd.s32 @!p4 s13, s0;
	s3 =	sshrl.u32 @!p5 s5, $0x3;
	s5 =	simm.s32 @p4 $0x0  }
0x126: {  	[tilespmem:s1], [sflag:$0x2] =	stream.linear.gather @p4 [hbm4b:s23+s5], $0x2A60, $0x38;
	[tilespmem:$0x10080] =	vst v63  }
0x127: {  	s1 =	sadd.s32 @!p4 $0x8040, s2;
	s2 =	sshra.s32 s7, $0x2;
	s5 =	simm.s32 @!p4 $0x0  }
0x128: {  	[tilespmem:s1], [sflag:$0x2] =	stream.linear.gather @!p4 [hbm4b:s0+s5], $0x2A60, $0x38;
	[tilespmem:$0x10080] =	vst v63  }
0x129: {  	s20 =	sadd.s32 s13, s6;
	s11 =	sadd.s32 $0xAB00, s2  }
0x12a: {  	[tilespmem:s11], [sflag:$0x2] =	stream.linear.gather [hbm4b:s20+s12], $0x2A60, $0x38;
	[tilespmem:$0x10080] =	vst v63  }
0x12b: {  	s14 =	simm.s32 $0x1;
	s0 =	sadd.s32 @p5 $0xD5C0, s2;
	s1 =	simm.s32 @p5 $0x0  }
0x12c: {  	[tilespmem:s0], [sflag:$0x2] =	stream.linear.gather @p5 [hbm4b:s23+s1], $0x2A60, $0x38;
	[tilespmem:$0x10080] =	vst v63  }
0x12d: {  	s0 =	sadd.s32 @!p5 $0xD5C0, s2;
	s1 =	sadd.s32 @!p5 s13, s3;
	s2 =	simm.s32 @!p5 $0x0  }
0x12e: {  	[tilespmem:s0], [sflag:$0x2] =	stream.linear.gather @!p5 [hbm4b:s1+s2], $0x2A60, $0x38;
	[tilespmem:$0x10080] =	vst v63  }
0x12f: {  	_ =	swait.ge [sflag:s14], $0x2A60  }
0x130: {  	[sflag:s14] =	ssyncset.done $0x0  }
0x131: {  	[sflag:s14] =	ssyncadd.s32 $0xFFFFD5A0  }
0x132: {  	_ =	swait.ge [sflag:s14], $0x2A60  }
0x133: {  	[sflag:s14] =	ssyncset.done $0x0  }
0x134: {  	[sflag:s14] =	ssyncadd.s32 $0xFFFFD5A0  }
0x135: {  	_ =	swait.ge [sflag:s14], $0x2A60  }
0x136: {  	s15 =	smov.u32 s16;
	s23 =	smul.u32 $0x2F400, s24;
	s0 =	rddreg [dreg:$0x5]  }
0x137: {  	s16 =	smov.u32 s10;
	s24 =	smul.u32 $0x17A00, s25;
	s0 =	simm.s32 @!p2 $0x0  }
0x138: {  	s9 =	smov.u32 s19;
	s19 =	simm.s32 $0x360;
	s1 =	sadd.s32 s0, s23  }
0x139: {  	s8 =	smov.u32 s18;
	s18 =	simm.s32 $0x60;
	s1 =	sadd.s32 s24, s1  }
0x13a: {  	s25 =	smul.u32 $0x2F400, s26;
	[sflag:s14] =	ssyncset.done $0x0;
	s2 =	sshrl.u32 s1, $0x3  }
0x13b: {  	s31 =	rddreg [dreg:$0x6];
	[sflag:s14] =	ssyncadd.s32 $0xFFFFD5A0;
	s29 =	sadd.s32 s15, s2  }
0x13c: {  	[hbm4b:s29+s18] =	stream.strided.scatter [tilespmem:s12], [sflag:$0x3], $0x2A00, s19, s18, $0x38;
	[tilespmem:$0x10080] =	vst v63  }
0x13d: {  	s26 =	smul.u32 $0x17A00, s28;
	s20 =	rddreg [dreg:$0x7];
	s30 =	sadd.s32 s2, s16  }
0x13e: {  	[hbm4b:s30+s18] =	stream.strided.scatter [tilespmem:s18], [sflag:$0x3], $0x2A00, s19, s18, $0x38;
	[tilespmem:$0x10080] =	vst v63  }
0x13f: {  	s0 =	sadd.s32 s0, s25;
	s24 =	rddreg [dreg:$0x8];
	s11 =	sadd.s32 s2, s17  }
0x140: {  	[hbm4b:s11+s18] =	stream.strided.scatter [tilespmem:s31], [sflag:$0x3], $0x2A00, s19, s18, $0x38;
	[tilespmem:$0x10080] =	vst v63  }
0x141: {  	s0 =	sadd.s32 s26, s0;
	s26 =	rddreg [dreg:$0x9];
	s23 =	sadd.s32 s2, s8  }
0x142: {  	[hbm4b:s23+s18] =	stream.strided.scatter [tilespmem:s20], [sflag:$0x3], $0x2A00, s19, s18, $0x38;
	[tilespmem:$0x10080] =	vst v63  }
0x143: {  	s28 =	sadd.s32 $0x240, s1;
	s7 =	sadd.s32 $0x2A0, s1;
	s25 =	sadd.s32 s2, s9  }
0x144: {  	[hbm4b:s25+s18] =	stream.strided.scatter [tilespmem:s24], [sflag:$0x3], $0x2A00, s19, s18, $0x38;
	[tilespmem:$0x10080] =	vst v63  }
0x145: {  	s1 =	sadd.s32 $0x300, s1;
	s3 =	sshrl.u32 s28, $0x3;
	s2 =	sadd.s32 s2, s21  }
0x146: {  	[hbm4b:s2+s18] =	stream.strided.scatter [tilespmem:s26], [sflag:$0x3], $0x2A00, s19, s18, $0x38;
	[tilespmem:$0x10080] =	vst v63  }
0x147: {  	s6 =	sshrl.u32 s7, $0x3;
	s28 =	rddreg [dreg:$0xa];
	s29 =	sadd.s32 s15, s3  }
0x148: {  	[hbm4b:s29+s18] =	stream.strided.scatter [tilespmem:s28], [sflag:$0x3], $0x2A00, s19, s18, $0x38;
	[tilespmem:$0x10080] =	vst v63  }
0x149: {  	s1 =	sshrl.u32 s1, $0x3;
	s4 =	sadd.s32 s15, s6;
	s30 =	rddreg [dreg:$0xb]  }
0x14a: {  	[hbm4b:s4+s18] =	stream.strided.scatter [tilespmem:s30], [sflag:$0x3], $0x2A00, s19, s18, $0x38;
	[tilespmem:$0x10080] =	vst v63  }
0x14b: {  	s6 =	simm.s32 $0x2;
	s1 =	sadd.s32 s15, s1;
	s11 =	rddreg [dreg:$0xc]  }
0x14c: {  	[hbm4b:s1+s18] =	stream.strided.scatter [tilespmem:s11], [sflag:$0x3], $0x2A00, s19, s18, $0x38;
	[tilespmem:$0x10080] =	vst v63  }
0x14d: {  	s7 =	rddreg [dreg:$0x19];
	_ =	swait.ge [sflag:s6], $0x2A60  }
0x14e: {  	[sflag:s6] =	ssyncset.done $0x0  }
0x14f: {  	[sflag:s6] =	ssyncadd.s32 $0xFFFFD5A0  }
0x150: {  	_ =	swait.ge [sflag:s6], $0x2A60  }
0x151: {  	[sflag:s6] =	ssyncset.done $0x0  }
0x152: {  	[sflag:s6] =	ssyncadd.s32 $0xFFFFD5A0  }
0x153: {  	_ =	swait.ge [sflag:s6], $0x2A60  }
0x154: {  	s31 =	sadd.s32 $0x240, s0;
	s23 =	rddreg [dreg:$0xd]  }
0x155: {  	s24 =	sshrl.u32 s0, $0x3;
	[sflag:s6] =	ssyncset.done $0x0;
	s26 =	rddreg [dreg:$0xe]  }
0x156: {  	s25 =	sadd.s32 s15, s24;
	s29 =	rddreg [dreg:$0xf];
	[sflag:s6] =	ssyncadd.s32 $0xFFFFD5A0  }
0x157: {  	[hbm4b:s25+s18] =	stream.strided.scatter [tilespmem:s23], [sflag:$0x4], $0x2A00, s19, s18, $0x38;
	[tilespmem:$0x10080] =	vst v63  }
0x158: {  	s5 =	sshrl.u32 s31, $0x3;
	s28 =	sadd.s32 s24, s16;
	s31 =	rddreg [dreg:$0x10]  }
0x159: {  	[hbm4b:s28+s18] =	stream.strided.scatter [tilespmem:s26], [sflag:$0x4], $0x2A00, s19, s18, $0x38;
	[tilespmem:$0x10080] =	vst v63  }
0x15a: {  	s30 =	sadd.s32 s24, s17;
	s11 =	rddreg [dreg:$0x11]  }
0x15b: {  	[hbm4b:s30+s18] =	stream.strided.scatter [tilespmem:s29], [sflag:$0x4], $0x2A00, s19, s18, $0x38;
	[tilespmem:$0x10080] =	vst v63  }
0x15c: {  	s20 =	sadd.s32 $0x2A0, s0;
	s3 =	sadd.s32 s24, s8;
	s23 =	rddreg [dreg:$0x12]  }
0x15d: {  	[hbm4b:s3+s18] =	stream.strided.scatter [tilespmem:s31], [sflag:$0x4], $0x2A00, s19, s18, $0x38;
	[tilespmem:$0x10080] =	vst v63  }
0x15e: {  	s1 =	sshrl.u32 s20, $0x3;
	s20 =	sadd.s32 s24, s9;
	s26 =	rddreg [dreg:$0x13]  }
0x15f: {  	[hbm4b:s20+s18] =	stream.strided.scatter [tilespmem:s11], [sflag:$0x4], $0x2A00, s19, s18, $0x38;
	[tilespmem:$0x10080] =	vst v63  }
0x160: {  	s25 =	sadd.s32 s24, s21;
	s29 =	rddreg [dreg:$0x14]  }
0x161: {  	[hbm4b:s25+s18] =	stream.strided.scatter [tilespmem:s23], [sflag:$0x4], $0x2A00, s19, s18, $0x38;
	[tilespmem:$0x10080] =	vst v63  }
0x162: {  	s0 =	sadd.s32 $0x300, s0;
	s28 =	sadd.s32 s15, s5;
	s30 =	rddreg [dreg:$0x15]  }
0x163: {  	[hbm4b:s28+s18] =	stream.strided.scatter [tilespmem:s26], [sflag:$0x4], $0x2A00, s19, s18, $0x38;
	[tilespmem:$0x10080] =	vst v63  }
0x164: {  	s0 =	sshrl.u32 s0, $0x3;
	s1 =	sadd.s32 s15, s1;
	s3 =	rddreg [dreg:$0x16]  }
0x165: {  	[hbm4b:s1+s18] =	stream.strided.scatter [tilespmem:s29], [sflag:$0x4], $0x2A00, s19, s18, $0x38;
	[tilespmem:$0x10080] =	vst v63  }
0x166: {  	s0 =	sadd.s32 s15, s0;
	s4 =	simm.s32 $0x3;
	s31 =	rddreg [dreg:$0x18]  }
0x167: {  	[hbm4b:s0+s18] =	stream.strided.scatter [tilespmem:s30], [sflag:$0x4], $0x2A00, s19, s18, $0x38;
	[tilespmem:$0x10080] =	vst v63  }
0x168: {  	s1 =	rddreg [dreg:$0x17];
	_ =	swait.ge [sflag:s4], $0x2A00  }
0x169: {  	[sflag:s4] =	ssyncset.done $0x0  }
0x16a: {  	[sflag:s4] =	ssyncadd.s32 $0xFFFFD600  }
0x16b: {  	_ =	swait.ge [sflag:s4], $0x2A00  }
0x16c: {  	[sflag:s4] =	ssyncset.done $0x0  }
0x16d: {  	[sflag:s4] =	ssyncadd.s32 $0xFFFFD600  }
0x16e: {  	_ =	swait.ge [sflag:s4], $0x2A00  }
0x16f: {  	[sflag:s4] =	ssyncset.done $0x0  }
0x170: {  	[sflag:s4] =	ssyncadd.s32 $0xFFFFD600  }
0x171: {  	_ =	swait.ge [sflag:s4], $0x2A00  }
0x172: {  	[sflag:s4] =	ssyncset.done $0x0  }
0x173: {  	[sflag:s4] =	ssyncadd.s32 $0xFFFFD600  }
0x174: {  	_ =	swait.ge [sflag:s4], $0x2A00  }
0x175: {  	[sflag:s4] =	ssyncset.done $0x0  }
0x176: {  	[sflag:s4] =	ssyncadd.s32 $0xFFFFD600  }
0x177: {  	_ =	swait.ge [sflag:s4], $0x2A00  }
0x178: {  	[sflag:s4] =	ssyncset.done $0x0  }
0x179: {  	[sflag:s4] =	ssyncadd.s32 $0xFFFFD600  }
0x17a: {  	_ =	swait.ge [sflag:s4], $0x2A00  }
0x17b: {  	[sflag:s4] =	ssyncset.done $0x0  }
0x17c: {  	[sflag:s4] =	ssyncadd.s32 $0xFFFFD600  }
0x17d: {  	_ =	swait.ge [sflag:s4], $0x2A00  }
0x17e: {  	[sflag:s4] =	ssyncset.done $0x0  }
0x17f: {  	[sflag:s4] =	ssyncadd.s32 $0xFFFFD600  }
.Ltmp0:
0x180: {  	_ =	swait.ge [sflag:s4], $0x2A00;
	(pc) =	sbr.rel @p1 .LBB2_2-.Ltmp0, $4  }
0x181: {  	[sflag:s4] =	ssyncset.done $0x0  }
0x182: {  	[sflag:s4] =	ssyncadd.s32 $0xFFFFD600  }
0x183: {  	_ =	swait.ge [sflag:s22], $0x2A00  }
0x184: {  	s10 =	smov.u32 s21;
	s2 =	sadd.s32 $0xFFFFFFC0, s31;
	[sflag:s22] =	ssyncset.done $0x0  }
0x185: {  	s1 =	simm.s32 $0x4  }
0x186: {  	[sflag:s1] =	ssyncadd.s32 $0xFFFFD600  }
0x187: {  	_ =	swait.ge [sflag:s1], $0x2A00  }
0x188: {  	[sflag:s1] =	ssyncset.done $0x0  }
0x189: {  	[sflag:s1] =	ssyncadd.s32 $0xFFFFD600  }
0x18a: {  	_ =	swait.ge [sflag:s1], $0x2A00  }
0x18b: {  	[sflag:s1] =	ssyncset.done $0x0  }
0x18c: {  	[sflag:s1] =	ssyncadd.s32 $0xFFFFD600  }
0x18d: {  	_ =	swait.ge [sflag:s1], $0x2A00  }
0x18e: {  	[sflag:s1] =	ssyncset.done $0x0  }
0x18f: {  	[sflag:s1] =	ssyncadd.s32 $0xFFFFD600  }
0x190: {  	_ =	swait.ge [sflag:s1], $0x2A00  }
0x191: {  	[sflag:s1] =	ssyncset.done $0x0  }
0x192: {  	[sflag:s1] =	ssyncadd.s32 $0xFFFFD600  }
0x193: {  	_ =	swait.ge [sflag:s1], $0x2A00  }
0x194: {  	[sflag:s1] =	ssyncset.done $0x0  }
0x195: {  	[sflag:s1] =	ssyncadd.s32 $0xFFFFD600  }
0x196: {  	_ =	swait.ge [sflag:s1], $0x2A00  }
0x197: {  	[sflag:s1] =	ssyncset.done $0x0  }
0x198: {  	[sflag:s1] =	ssyncadd.s32 $0xFFFFD600  }
0x199: {  	_ =	swait.ge [sflag:s1], $0x2A00  }
0x19a: {  	[sflag:s1] =	ssyncset.done $0x0  }
0x19b: {  	[sflag:s1] =	ssyncadd.s32 $0xFFFFD600  }
0x19c: {  	_ =	swait.ge [sflag:s1], $0x2A00  }
0x19d: {  	s2 =	rddreg [dreg:$0x1c]  }
0x19e: {  	s0 =	rddreg [dreg:$0x1a];
	s2 =	sadd.s32 $0x1, s2  }
0x19f: {  	p1 =	sne.s32 s2, s0  }
.Ltmp1:
0x1a0: {  	_ = 	snop;
	(pc) =	sbr.rel @p1 .LBB2_1-.Ltmp1, $4  }
0x1a1: {  	_ = 	snop  }
0x1a2: {  	[sflag:s1] =	ssyncset.done $0x0  }
0x1a3: {  	[sflag:s1] =	ssyncadd.s32 $0xFFFFD600  }
0x1a4: {  	s1 =	rddreg [dreg:$0x1]  }
0x1a5: {  	_ =	sfence.sel $0x180000  }
0x1a6: {  	[bflag:$0x0] =	sbarrier.arrive $0xFFFF  }
0x1a7: {  	_ =	strace $0x90000047  }
0x1a8: {  	s0 =	stileid.u32;
	[bflag:$0x2] =	sbarrier.arrive $0xFFFF  }
0x1a9: {  	p0 =	sne.s32 s0, $0x0;
	s0 =	rddreg [dreg:$0x2]  }
0x1aa: {  	s0 =	sadd.s32 @!p0 $0x100000, s0  }
0x1ab: {  	[sflag:s0] =	ssyncadd.tile.s32 @!p0 $0x1;
	_ =	shalt  }
.Lfunc_end2:
_tile_overlayer_lowered:
.L_overlay_start_2:
0x1ac: {  	(tag) =	ssettag $0x2  }
0x1ad: {  	s0 =	rddreg [dreg:$0x0];
	s2 =	stileid.u32  }
0x1ae: {  	s1 =	rddreg [dreg:$0x1];
	p0 =	sne.s32 s2, $0x0  }
0x1af: {  	s3 =	rddreg [dreg:$0x2];
	[bflag:$0x3] =	sbarrier.arrive $0xFFFF;
	s2 =	simm.s32 @!p0 $0x1C05  }
0x1b0: {  	[timem:s3], [sflag:s2] =	dma.local @!p0 [hbm:s0], s1  }
0x1b1: {  	s0 =	simm.s32 @!p0 $0x5  }
0x1b2: {  	_ =	swait.ge @!p0 [sflag:s0], s1  }
0x1b3: {  	s1 =	ssub.s32 @!p0 $0x0, s1;
	[sflag:s0] =	ssyncset.done @!p0 $0x0  }
0x1b4: {  	[sflag:s0] =	ssyncadd.s32 @!p0 s1  }
0x1b5: {  	[bflag:$0x3] =	sbarrier.arrive $0xFFFF  }
0x1b6: {  	_ =	shalt  }

</sc_bundles>
